<compile_context>
chip_gen: v7x
topology: tpu7x:2x2x1
jax: 0.10.2.dev20260603
libtpu: 0.0.44.dev20260713+nightly
codegen_flags: <defaults>
</compile_context>

<pallas_src>
import jax
import jax.numpy as jnp
from jax import lax
from jax.experimental import pallas as pl
from jax.experimental.pallas import tpu as pltpu
from jax.experimental.pallas import tpu_sc as plsc

_VOCAB = 151552
_DIM = 1024
_BATCH = 4
_SEQ = 8192

_INFO = plsc.get_sparse_core_info()
_NC, _NS = _INFO.num_cores, _INFO.num_subcores
_NW = _NC * _NS
_N = _BATCH * _SEQ
_R = _N // _NW
_C = 8
_NBUF = 8
_LEAD = 4
_NSLOT = 4
_NCHUNK = _R // _C
_NROUND = _NCHUNK // _NBUF


def _gather_body(ids_hbm, table_hbm, out_hbm, idx_v, rows_v, shared_v, *sems):
    gsem = sems[:_NBUF]
    xsem = sems[_NBUF : _NBUF + _NSLOT]
    dsem = sems[_NBUF + _NSLOT :]
    wid = lax.axis_index("s") * _NC + lax.axis_index("c")
    sid = lax.axis_index("s")
    base = wid * _R
    pltpu.sync_copy(ids_hbm.at[pl.ds(base, _R)], idx_v)

    def start_g(g, b):
        pltpu.async_copy(
            table_hbm.at[idx_v.at[pl.ds(g * _C, _C)]], rows_v.at[b], gsem[b]
        )

    def wait_g(b):
        pltpu.make_async_copy(
            table_hbm.at[idx_v.at[pl.ds(0, _C)]], rows_v.at[b], gsem[b]
        ).wait()

    def start_x(b, s):
        pltpu.async_copy(rows_v.at[b], shared_v.at[sid, s], xsem[s])

    def wait_x(s):
        pltpu.make_async_copy(
            rows_v.at[0], shared_v.at[sid, s], xsem[s]
        ).wait()

    def start_d(g, s):
        pltpu.async_copy(
            shared_v.at[sid, s], out_hbm.at[pl.ds(base + g * _C, _C)], dsem[s]
        )

    def wait_d(s):
        pltpu.make_async_copy(
            shared_v.at[sid, s], out_hbm.at[pl.ds(base, _C)], dsem[s]
        ).wait()

    for g in range(_LEAD):
        start_g(g, g % _NBUF)
    for j in range(_NBUF):
        b, s, sp, b2 = j % _NBUF, j % _NSLOT, (j - 1) % _NSLOT, (j + _LEAD) % _NBUF
        wait_g(b)
        if j >= 1:
            wait_x(sp)
            start_d(j - 1, sp)
        if j >= _NSLOT:
            wait_d(s)
        start_x(b, s)
        start_g(j + _LEAD, b2)

    def round_body(gg):
        for j in range(_NBUF):
            g = gg * _NBUF + j
            b, s = j % _NBUF, j % _NSLOT
            sp, b2 = (j - 1) % _NSLOT, (j + _LEAD) % _NBUF
            wait_g(b)
            wait_x(sp)
            start_d(g - 1, sp)
            wait_d(s)
            start_x(b, s)
            start_g(g + _LEAD, b2)

    pl.loop(1, _NROUND - 1)(round_body)

    for j in range(_NBUF):
        g = (_NROUND - 1) * _NBUF + j
        b, s = j % _NBUF, j % _NSLOT
        sp, b2 = (j - 1) % _NSLOT, (j + _LEAD) % _NBUF
        wait_g(b)
        wait_x(sp)
        start_d(g - 1, sp)
        wait_d(s)
        start_x(b, s)
        if j < _NBUF - _LEAD:
            start_g(g + _LEAD, b2)
    last = _NCHUNK - 1
    wait_x(last % _NSLOT)
    start_d(last, last % _NSLOT)
    for s in range(_NSLOT):
        wait_d(s)


@jax.jit
def kernel(input_ids, word_embeddings):
    ids = input_ids.reshape(-1).astype(jnp.int32)
    mesh = plsc.VectorSubcoreMesh(core_axis_name="c", subcore_axis_name="s")
    out = pl.kernel(
        _gather_body,
        out_type=jax.ShapeDtypeStruct((_N, _DIM), jnp.float32),
        mesh=mesh,
        scratch_types=[
            pltpu.VMEM((_R,), jnp.int32),
            pltpu.VMEM((_NBUF, _C, _DIM), jnp.float32),
            pltpu.VMEM_SHARED((_NS, _NSLOT, _C, _DIM), jnp.float32),
        ]
        + [pltpu.SemaphoreType.DMA] * (_NBUF + 2 * _NSLOT),
    )(ids, word_embeddings)
    return out.reshape(_BATCH, _SEQ, _DIM)

# --- scband reference (transcript-rebuilt; emitter-appended) ---
"""Pipeline reference for scband-glmembedding-37349035606271 (READ-ONLY COPY).

The authoritative reference and input builder live on the scoring server;
editing this copy changes nothing except your own understanding.
"""

import jax, jax.numpy as jnp
import numpy as np

VOCAB = 151552
DIM = 1024
BATCH = 4
SEQ = 8192


def setup_inputs(seed: int = 0) -> dict:
    key = jax.random.key(seed)
    k_ids, k_tab = jax.random.split(key)
    input_ids = jax.random.randint(k_ids, (BATCH, SEQ), 0, VOCAB, dtype=jnp.int64 if jax.config.jax_enable_x64 else jnp.int32)
    word_embeddings = jax.random.normal(k_tab, (VOCAB, DIM), dtype=jnp.float32) * 0.02
    return {"input_ids": input_ids, "word_embeddings": word_embeddings}


def reference(input_ids, word_embeddings):
    # GLMEmbedding.forward: nn.Embedding lookup; fp32_residual_connection=False
    # so no extra cast (table already fp32).
    embeddings = jnp.take(word_embeddings, input_ids, axis=0)
    return embeddings

if __name__ == "__main__":
    import jax
    _d = setup_inputs()
    print(jax.jit(kernel)(*tuple(_d.values())))

</pallas_src>

<mosaic_0001>
#map = affine_map<(d0, d1) -> (0)>
#map1 = affine_map<(d0, d1) -> (0, 0)>
module attributes {stable_mosaic.version = 14 : i64} {
  func.func @_gather_body(%arg0: i32, %arg1: i32, %arg2: memref<32768xi32, #tpu.memory_space<hbm>>, %arg3: memref<151552x1024xf32, #tpu.memory_space<hbm>>, %arg4: memref<32768x1024xf32, #tpu.memory_space<hbm>>, %arg5: memref<1024xi32, #tpu.memory_space<vmem>>, %arg6: memref<8x8x1024xf32, #tpu.memory_space<vmem>>, %arg7: memref<16x4x8x1024xf32, #tpu.memory_space<vmem_shared>>, %arg8: memref<!tpu.dma_semaphore, #tpu.memory_space<semaphore_mem>>, %arg9: memref<!tpu.dma_semaphore, #tpu.memory_space<semaphore_mem>>, %arg10: memref<!tpu.dma_semaphore, #tpu.memory_space<semaphore_mem>>, %arg11: memref<!tpu.dma_semaphore, #tpu.memory_space<semaphore_mem>>, %arg12: memref<!tpu.dma_semaphore, #tpu.memory_space<semaphore_mem>>, %arg13: memref<!tpu.dma_semaphore, #tpu.memory_space<semaphore_mem>>, %arg14: memref<!tpu.dma_semaphore, #tpu.memory_space<semaphore_mem>>, %arg15: memref<!tpu.dma_semaphore, #tpu.memory_space<semaphore_mem>>, %arg16: memref<!tpu.dma_semaphore, #tpu.memory_space<semaphore_mem>>, %arg17: memref<!tpu.dma_semaphore, #tpu.memory_space<semaphore_mem>>, %arg18: memref<!tpu.dma_semaphore, #tpu.memory_space<semaphore_mem>>, %arg19: memref<!tpu.dma_semaphore, #tpu.memory_space<semaphore_mem>>, %arg20: memref<!tpu.dma_semaphore, #tpu.memory_space<semaphore_mem>>, %arg21: memref<!tpu.dma_semaphore, #tpu.memory_space<semaphore_mem>>, %arg22: memref<!tpu.dma_semaphore, #tpu.memory_space<semaphore_mem>>, %arg23: memref<!tpu.dma_semaphore, #tpu.memory_space<semaphore_mem>>) attributes {dimension_semantics = [#tpu.dimension_semantics<core_parallel>, #tpu.dimension_semantics<subcore_parallel>], iteration_bounds = array<i64: 2, 16>, scalar_prefetch = 0 : i64, scratch_operands = 19 : i64, tpu.core_type = #tpu.core_type<sc_vector_subcore>, window_params = [{transform_indices = #map}, {transform_indices = #map1}, {transform_indices = #map1}]} {
    %mul3A = arith.constant 2 : i32
    %mul3A_0 = arith.muli %arg1, %mul3A : i32
    %add3A = arith.addi %mul3A_0, %arg0 : i32
    %mul3A_1 = arith.constant 1024 : i32
    %mul3A_2 = arith.muli %add3A, %mul3A_1 : i32
    "tpu.region"() ({
      %run_scoped3A = tpu.sem_alloc : memref<!tpu.dma_semaphore, #tpu.memory_space<semaphore_mem>>
      %dma_start3A_1157 = tpu.memref_slice %arg2[%mul3A_2] : memref<32768xi32, #tpu.memory_space<hbm>> -> memref<1024xi32, #tpu.memory_space<hbm>>
      %dma_start3A_1158 = tpu.memref_slice %arg2[%mul3A_2] : memref<32768xi32, #tpu.memory_space<hbm>> -> memref<1024xi32, #tpu.memory_space<hbm>>
      tpu.enqueue_dma source(%dma_start3A_1158 : memref<1024xi32, #tpu.memory_space<hbm>>) target(%arg5 : memref<1024xi32, #tpu.memory_space<vmem>>) target_semaphore(%run_scoped3A : memref<!tpu.dma_semaphore, #tpu.memory_space<semaphore_mem>>)
      %dma_wait3A_1159 = tpu.memref_slice %arg2[%mul3A_2] : memref<32768xi32, #tpu.memory_space<hbm>> -> memref<1024xi32, #tpu.memory_space<hbm>>
      %dma_wait3A_1160 = tpu.memref_slice %arg2[%mul3A_2] : memref<32768xi32, #tpu.memory_space<hbm>> -> memref<1024xi32, #tpu.memory_space<hbm>>
      tpu.wait_dma2 semaphore(%run_scoped3A : memref<!tpu.dma_semaphore, #tpu.memory_space<semaphore_mem>>) src(%dma_wait3A_1160 : memref<1024xi32, #tpu.memory_space<hbm>>) dst(%arg5 : memref<1024xi32, #tpu.memory_space<vmem>>)
      tpu.yield
    }) : () -> ()
    %dma_start3A = arith.constant 0 : i32
    %dma_start3A_3 = arith.constant 0 : i32
    %dma_start3A_4 = arith.constant 0 : i32
    %dma_start3A_5 = tpu.memref_slice %arg6[%dma_start3A, %dma_start3A_3, %dma_start3A_4] : memref<8x8x1024xf32, #tpu.memory_space<vmem>> -> memref<1x8x1024xf32, #tpu.memory_space<vmem>>
    %dma_start3A_6 = tpu.memref_squeeze %dma_start3A_5 : memref<1x8x1024xf32, #tpu.memory_space<vmem>> -> memref<8x1024xf32, #tpu.memory_space<vmem>>
    %dma_start3A_7 = arith.constant 0 : i32
    %dma_start3A_8 = tpu.memref_slice %arg5[%dma_start3A_7] : memref<1024xi32, #tpu.memory_space<vmem>> -> memref<8xi32, #tpu.memory_space<vmem>>
    %dma_start3A_9 = arith.constant 0 : i32
    %dma_start3A_10 = arith.constant 0 : i32
    %dma_start3A_11 = tpu.memref_slice %arg3[%dma_start3A_9, %dma_start3A_10] : memref<151552x1024xf32, #tpu.memory_space<hbm>> -> memref<151552x1024xf32, #tpu.memory_space<hbm>>
    tpu.enqueue_indirect_dma source(%dma_start3A_11 : memref<151552x1024xf32, #tpu.memory_space<hbm>>) target(%dma_start3A_6 : memref<8x1024xf32, #tpu.memory_space<vmem>>) offsets(%dma_start3A_8 : memref<8xi32, #tpu.memory_space<vmem>>) semaphore(%arg8 : memref<!tpu.dma_semaphore, #tpu.memory_space<semaphore_mem>>)
    %dma_start3A_12 = arith.constant 1 : i32
    %dma_start3A_13 = arith.constant 0 : i32
    %dma_start3A_14 = arith.constant 0 : i32
    %dma_start3A_15 = tpu.memref_slice %arg6[%dma_start3A_12, %dma_start3A_13, %dma_start3A_14] : memref<8x8x1024xf32, #tpu.memory_space<vmem>> -> memref<1x8x1024xf32, #tpu.memory_space<vmem>>
    %dma_start3A_16 = tpu.memref_squeeze %dma_start3A_15 : memref<1x8x1024xf32, #tpu.memory_space<vmem>> -> memref<8x1024xf32, #tpu.memory_space<vmem>>
    %dma_start3A_17 = arith.constant 8 : i32
    %dma_start3A_18 = tpu.memref_slice %arg5[%dma_start3A_17] : memref<1024xi32, #tpu.memory_space<vmem>> -> memref<8xi32, #tpu.memory_space<vmem>>
    %dma_start3A_19 = arith.constant 0 : i32
    %dma_start3A_20 = arith.constant 0 : i32
    %dma_start3A_21 = tpu.memref_slice %arg3[%dma_start3A_19, %dma_start3A_20] : memref<151552x1024xf32, #tpu.memory_space<hbm>> -> memref<151552x1024xf32, #tpu.memory_space<hbm>>
    tpu.enqueue_indirect_dma source(%dma_start3A_21 : memref<151552x1024xf32, #tpu.memory_space<hbm>>) target(%dma_start3A_16 : memref<8x1024xf32, #tpu.memory_space<vmem>>) offsets(%dma_start3A_18 : memref<8xi32, #tpu.memory_space<vmem>>) semaphore(%arg9 : memref<!tpu.dma_semaphore, #tpu.memory_space<semaphore_mem>>)
    %dma_start3A_22 = arith.constant 2 : i32
    %dma_start3A_23 = arith.constant 0 : i32
    %dma_start3A_24 = arith.constant 0 : i32
    %dma_start3A_25 = tpu.memref_slice %arg6[%dma_start3A_22, %dma_start3A_23, %dma_start3A_24] : memref<8x8x1024xf32, #tpu.memory_space<vmem>> -> memref<1x8x1024xf32, #tpu.memory_space<vmem>>
    %dma_start3A_26 = tpu.memref_squeeze %dma_start3A_25 : memref<1x8x1024xf32, #tpu.memory_space<vmem>> -> memref<8x1024xf32, #tpu.memory_space<vmem>>
    %dma_start3A_27 = arith.constant 16 : i32
    %dma_start3A_28 = tpu.memref_slice %arg5[%dma_start3A_27] : memref<1024xi32, #tpu.memory_space<vmem>> -> memref<8xi32, #tpu.memory_space<vmem>>
    %dma_start3A_29 = arith.constant 0 : i32
    %dma_start3A_30 = arith.constant 0 : i32
    %dma_start3A_31 = tpu.memref_slice %arg3[%dma_start3A_29, %dma_start3A_30] : memref<151552x1024xf32, #tpu.memory_space<hbm>> -> memref<151552x1024xf32, #tpu.memory_space<hbm>>
    tpu.enqueue_indirect_dma source(%dma_start3A_31 : memref<151552x1024xf32, #tpu.memory_space<hbm>>) target(%dma_start3A_26 : memref<8x1024xf32, #tpu.memory_space<vmem>>) offsets(%dma_start3A_28 : memref<8xi32, #tpu.memory_space<vmem>>) semaphore(%arg10 : memref<!tpu.dma_semaphore, #tpu.memory_space<semaphore_mem>>)
    %dma_start3A_32 = arith.constant 3 : i32
    %dma_start3A_33 = arith.constant 0 : i32
    %dma_start3A_34 = arith.constant 0 : i32
    %dma_start3A_35 = tpu.memref_slice %arg6[%dma_start3A_32, %dma_start3A_33, %dma_start3A_34] : memref<8x8x1024xf32, #tpu.memory_space<vmem>> -> memref<1x8x1024xf32, #tpu.memory_space<vmem>>
    %dma_start3A_36 = tpu.memref_squeeze %dma_start3A_35 : memref<1x8x1024xf32, #tpu.memory_space<vmem>> -> memref<8x1024xf32, #tpu.memory_space<vmem>>
    %dma_start3A_37 = arith.constant 24 : i32
    %dma_start3A_38 = tpu.memref_slice %arg5[%dma_start3A_37] : memref<1024xi32, #tpu.memory_space<vmem>> -> memref<8xi32, #tpu.memory_space<vmem>>
    %dma_start3A_39 = arith.constant 0 : i32
    %dma_start3A_40 = arith.constant 0 : i32
    %dma_start3A_41 = tpu.memref_slice %arg3[%dma_start3A_39, %dma_start3A_40] : memref<151552x1024xf32, #tpu.memory_space<hbm>> -> memref<151552x1024xf32, #tpu.memory_space<hbm>>
    tpu.enqueue_indirect_dma source(%dma_start3A_41 : memref<151552x1024xf32, #tpu.memory_space<hbm>>) target(%dma_start3A_36 : memref<8x1024xf32, #tpu.memory_space<vmem>>) offsets(%dma_start3A_38 : memref<8xi32, #tpu.memory_space<vmem>>) semaphore(%arg11 : memref<!tpu.dma_semaphore, #tpu.memory_space<semaphore_mem>>)
    %dma_wait3A = arith.constant 0 : i32
    %dma_wait3A_42 = arith.constant 0 : i32
    %dma_wait3A_43 = arith.constant 0 : i32
    %dma_wait3A_44 = tpu.memref_slice %arg6[%dma_wait3A, %dma_wait3A_42, %dma_wait3A_43] : memref<8x8x1024xf32, #tpu.memory_space<vmem>> -> memref<1x8x1024xf32, #tpu.memory_space<vmem>>
    %dma_wait3A_45 = tpu.memref_squeeze %dma_wait3A_44 : memref<1x8x1024xf32, #tpu.memory_space<vmem>> -> memref<8x1024xf32, #tpu.memory_space<vmem>>
    %dma_wait3A_46 = arith.constant 0 : i32
    %dma_wait3A_47 = tpu.memref_slice %arg5[%dma_wait3A_46] : memref<1024xi32, #tpu.memory_space<vmem>> -> memref<8xi32, #tpu.memory_space<vmem>>
    %dma_wait3A_48 = arith.constant 0 : i32
    %dma_wait3A_49 = arith.constant 0 : i32
    %dma_wait3A_50 = tpu.memref_slice %arg3[%dma_wait3A_48, %dma_wait3A_49] : memref<151552x1024xf32, #tpu.memory_space<hbm>> -> memref<151552x1024xf32, #tpu.memory_space<hbm>>
    tpu.wait_indirect_dma semaphore(%arg8 : memref<!tpu.dma_semaphore, #tpu.memory_space<semaphore_mem>>) src(%dma_wait3A_50 : memref<151552x1024xf32, #tpu.memory_space<hbm>>) dst(%dma_wait3A_45 : memref<8x1024xf32, #tpu.memory_space<vmem>>)
    %dma_start3A_51 = arith.constant 0 : i32
    %dma_start3A_52 = arith.constant 0 : i32
    %dma_start3A_53 = arith.constant 0 : i32
    %dma_start3A_54 = arith.constant 0 : i32
    %dma_start3A_55 = tpu.memref_slice %arg6[%dma_start3A_51, %dma_start3A_53, %dma_start3A_54] : memref<8x8x1024xf32, #tpu.memory_space<vmem>> -> memref<1x8x1024xf32, #tpu.memory_space<vmem>>
    %dma_start3A_56 = tpu.memref_squeeze %dma_start3A_55 : memref<1x8x1024xf32, #tpu.memory_space<vmem>> -> memref<8x1024xf32, #tpu.memory_space<vmem>>
    %dma_start3A_57 = arith.constant 0 : i32
    %dma_start3A_58 = arith.constant 0 : i32
    %dma_start3A_59 = tpu.memref_slice %arg7[%arg1, %dma_start3A_52, %dma_start3A_57, %dma_start3A_58] : memref<16x4x8x1024xf32, #tpu.memory_space<vmem_shared>> -> memref<1x1x8x1024xf32, #tpu.memory_space<vmem_shared>>
    %dma_start3A_60 = tpu.memref_squeeze %dma_start3A_59 : memref<1x1x8x1024xf32, #tpu.memory_space<vmem_shared>> -> memref<8x1024xf32, #tpu.memory_space<vmem_shared>>
    %dma_start3A_61 = arith.constant 0 : i32
    %dma_start3A_62 = arith.constant 0 : i32
    %dma_start3A_63 = tpu.memref_slice %arg7[%arg1, %dma_start3A_52, %dma_start3A_61, %dma_start3A_62] : memref<16x4x8x1024xf32, #tpu.memory_space<vmem_shared>> -> memref<1x1x8x1024xf32, #tpu.memory_space<vmem_shared>>
    %dma_start3A_64 = tpu.memref_squeeze %dma_start3A_63 : memref<1x1x8x1024xf32, #tpu.memory_space<vmem_shared>> -> memref<8x1024xf32, #tpu.memory_space<vmem_shared>>
    %dma_start3A_65 = arith.constant 0 : i32
    %dma_start3A_66 = arith.constant 0 : i32
    %dma_start3A_67 = tpu.memref_slice %arg6[%dma_start3A_51, %dma_start3A_65, %dma_start3A_66] : memref<8x8x1024xf32, #tpu.memory_space<vmem>> -> memref<1x8x1024xf32, #tpu.memory_space<vmem>>
    %dma_start3A_68 = tpu.memref_squeeze %dma_start3A_67 : memref<1x8x1024xf32, #tpu.memory_space<vmem>> -> memref<8x1024xf32, #tpu.memory_space<vmem>>
    tpu.enqueue_dma source(%dma_start3A_68 : memref<8x1024xf32, #tpu.memory_space<vmem>>) target(%dma_start3A_64 : memref<8x1024xf32, #tpu.memory_space<vmem_shared>>) target_semaphore(%arg16 : memref<!tpu.dma_semaphore, #tpu.memory_space<semaphore_mem>>)
    %dma_start3A_69 = arith.constant 4 : i32
    %dma_start3A_70 = arith.constant 0 : i32
    %dma_start3A_71 = arith.constant 0 : i32
    %dma_start3A_72 = tpu.memref_slice %arg6[%dma_start3A_69, %dma_start3A_70, %dma_start3A_71] : memref<8x8x1024xf32, #tpu.memory_space<vmem>> -> memref<1x8x1024xf32, #tpu.memory_space<vmem>>
    %dma_start3A_73 = tpu.memref_squeeze %dma_start3A_72 : memref<1x8x1024xf32, #tpu.memory_space<vmem>> -> memref<8x1024xf32, #tpu.memory_space<vmem>>
    %dma_start3A_74 = arith.constant 32 : i32
    %dma_start3A_75 = tpu.memref_slice %arg5[%dma_start3A_74] : memref<1024xi32, #tpu.memory_space<vmem>> -> memref<8xi32, #tpu.memory_space<vmem>>
    %dma_start3A_76 = arith.constant 0 : i32
    %dma_start3A_77 = arith.constant 0 : i32
    %dma_start3A_78 = tpu.memref_slice %arg3[%dma_start3A_76, %dma_start3A_77] : memref<151552x1024xf32, #tpu.memory_space<hbm>> -> memref<151552x1024xf32, #tpu.memory_space<hbm>>
    tpu.enqueue_indirect_dma source(%dma_start3A_78 : memref<151552x1024xf32, #tpu.memory_space<hbm>>) target(%dma_start3A_73 : memref<8x1024xf32, #tpu.memory_space<vmem>>) offsets(%dma_start3A_75 : memref<8xi32, #tpu.memory_space<vmem>>) semaphore(%arg12 : memref<!tpu.dma_semaphore, #tpu.memory_space<semaphore_mem>>)
    %dma_wait3A_79 = arith.constant 1 : i32
    %dma_wait3A_80 = arith.constant 0 : i32
    %dma_wait3A_81 = arith.constant 0 : i32
    %dma_wait3A_82 = tpu.memref_slice %arg6[%dma_wait3A_79, %dma_wait3A_80, %dma_wait3A_81] : memref<8x8x1024xf32, #tpu.memory_space<vmem>> -> memref<1x8x1024xf32, #tpu.memory_space<vmem>>
    %dma_wait3A_83 = tpu.memref_squeeze %dma_wait3A_82 : memref<1x8x1024xf32, #tpu.memory_space<vmem>> -> memref<8x1024xf32, #tpu.memory_space<vmem>>
    %dma_wait3A_84 = arith.constant 0 : i32
    %dma_wait3A_85 = tpu.memref_slice %arg5[%dma_wait3A_84] : memref<1024xi32, #tpu.memory_space<vmem>> -> memref<8xi32, #tpu.memory_space<vmem>>
    %dma_wait3A_86 = arith.constant 0 : i32
    %dma_wait3A_87 = arith.constant 0 : i32
    %dma_wait3A_88 = tpu.memref_slice %arg3[%dma_wait3A_86, %dma_wait3A_87] : memref<151552x1024xf32, #tpu.memory_space<hbm>> -> memref<151552x1024xf32, #tpu.memory_space<hbm>>
    tpu.wait_indirect_dma semaphore(%arg9 : memref<!tpu.dma_semaphore, #tpu.memory_space<semaphore_mem>>) src(%dma_wait3A_88 : memref<151552x1024xf32, #tpu.memory_space<hbm>>) dst(%dma_wait3A_83 : memref<8x1024xf32, #tpu.memory_space<vmem>>)
    %dma_wait3A_89 = arith.constant 0 : i32
    %dma_wait3A_90 = arith.constant 0 : i32
    %dma_wait3A_91 = arith.constant 0 : i32
    %dma_wait3A_92 = arith.constant 0 : i32
    %dma_wait3A_93 = tpu.memref_slice %arg6[%dma_wait3A_89, %dma_wait3A_91, %dma_wait3A_92] : memref<8x8x1024xf32, #tpu.memory_space<vmem>> -> memref<1x8x1024xf32, #tpu.memory_space<vmem>>
    %dma_wait3A_94 = tpu.memref_squeeze %dma_wait3A_93 : memref<1x8x1024xf32, #tpu.memory_space<vmem>> -> memref<8x1024xf32, #tpu.memory_space<vmem>>
    %dma_wait3A_95 = arith.constant 0 : i32
    %dma_wait3A_96 = arith.constant 0 : i32
    %dma_wait3A_97 = tpu.memref_slice %arg7[%arg1, %dma_wait3A_90, %dma_wait3A_95, %dma_wait3A_96] : memref<16x4x8x1024xf32, #tpu.memory_space<vmem_shared>> -> memref<1x1x8x1024xf32, #tpu.memory_space<vmem_shared>>
    %dma_wait3A_98 = tpu.memref_squeeze %dma_wait3A_97 : memref<1x1x8x1024xf32, #tpu.memory_space<vmem_shared>> -> memref<8x1024xf32, #tpu.memory_space<vmem_shared>>
    %dma_wait3A_99 = arith.constant 0 : i32
    %dma_wait3A_100 = arith.constant 0 : i32
    %dma_wait3A_101 = tpu.memref_slice %arg7[%arg1, %dma_wait3A_90, %dma_wait3A_99, %dma_wait3A_100] : memref<16x4x8x1024xf32, #tpu.memory_space<vmem_shared>> -> memref<1x1x8x1024xf32, #tpu.memory_space<vmem_shared>>
    %dma_wait3A_102 = tpu.memref_squeeze %dma_wait3A_101 : memref<1x1x8x1024xf32, #tpu.memory_space<vmem_shared>> -> memref<8x1024xf32, #tpu.memory_space<vmem_shared>>
    %dma_wait3A_103 = arith.constant 0 : i32
    %dma_wait3A_104 = arith.constant 0 : i32
    %dma_wait3A_105 = tpu.memref_slice %arg6[%dma_wait3A_89, %dma_wait3A_103, %dma_wait3A_104] : memref<8x8x1024xf32, #tpu.memory_space<vmem>> -> memref<1x8x1024xf32, #tpu.memory_space<vmem>>
    %dma_wait3A_106 = tpu.memref_squeeze %dma_wait3A_105 : memref<1x8x1024xf32, #tpu.memory_space<vmem>> -> memref<8x1024xf32, #tpu.memory_space<vmem>>
    tpu.wait_dma2 semaphore(%arg16 : memref<!tpu.dma_semaphore, #tpu.memory_space<semaphore_mem>>) src(%dma_wait3A_106 : memref<8x1024xf32, #tpu.memory_space<vmem>>) dst(%dma_wait3A_102 : memref<8x1024xf32, #tpu.memory_space<vmem_shared>>)
    %add3A_107 = arith.constant 0 : i32
    %add3A_108 = arith.addi %mul3A_2, %add3A_107 : i32
    %dma_start3A_109 = arith.constant 0 : i32
    %dma_start3A_110 = arith.constant 0 : i32
    %dma_start3A_111 = tpu.memref_slice %arg4[%add3A_108, %dma_start3A_110] : memref<32768x1024xf32, #tpu.memory_space<hbm>> -> memref<8x1024xf32, #tpu.memory_space<hbm>>
    %dma_start3A_112 = arith.constant 0 : i32
    %dma_start3A_113 = arith.constant 0 : i32
    %dma_start3A_114 = tpu.memref_slice %arg7[%arg1, %dma_start3A_109, %dma_start3A_112, %dma_start3A_113] : memref<16x4x8x1024xf32, #tpu.memory_space<vmem_shared>> -> memref<1x1x8x1024xf32, #tpu.memory_space<vmem_shared>>
    %dma_start3A_115 = tpu.memref_squeeze %dma_start3A_114 : memref<1x1x8x1024xf32, #tpu.memory_space<vmem_shared>> -> memref<8x1024xf32, #tpu.memory_space<vmem_shared>>
    tpu.enqueue_dma source(%dma_start3A_115 : memref<8x1024xf32, #tpu.memory_space<vmem_shared>>) target(%dma_start3A_111 : memref<8x1024xf32, #tpu.memory_space<hbm>>) target_semaphore(%arg20 : memref<!tpu.dma_semaphore, #tpu.memory_space<semaphore_mem>>)
    %dma_start3A_116 = arith.constant 1 : i32
    %dma_start3A_117 = arith.constant 1 : i32
    %dma_start3A_118 = arith.constant 0 : i32
    %dma_start3A_119 = arith.constant 0 : i32
    %dma_start3A_120 = tpu.memref_slice %arg6[%dma_start3A_116, %dma_start3A_118, %dma_start3A_119] : memref<8x8x1024xf32, #tpu.memory_space<vmem>> -> memref<1x8x1024xf32, #tpu.memory_space<vmem>>
    %dma_start3A_121 = tpu.memref_squeeze %dma_start3A_120 : memref<1x8x1024xf32, #tpu.memory_space<vmem>> -> memref<8x1024xf32, #tpu.memory_space<vmem>>
    %dma_start3A_122 = arith.constant 0 : i32
    %dma_start3A_123 = arith.constant 0 : i32
    %dma_start3A_124 = tpu.memref_slice %arg7[%arg1, %dma_start3A_117, %dma_start3A_122, %dma_start3A_123] : memref<16x4x8x1024xf32, #tpu.memory_space<vmem_shared>> -> memref<1x1x8x1024xf32, #tpu.memory_space<vmem_shared>>
    %dma_start3A_125 = tpu.memref_squeeze %dma_start3A_124 : memref<1x1x8x1024xf32, #tpu.memory_space<vmem_shared>> -> memref<8x1024xf32, #tpu.memory_space<vmem_shared>>
    %dma_start3A_126 = arith.constant 0 : i32
    %dma_start3A_127 = arith.constant 0 : i32
    %dma_start3A_128 = tpu.memref_slice %arg7[%arg1, %dma_start3A_117, %dma_start3A_126, %dma_start3A_127] : memref<16x4x8x1024xf32, #tpu.memory_space<vmem_shared>> -> memref<1x1x8x1024xf32, #tpu.memory_space<vmem_shared>>
    %dma_start3A_129 = tpu.memref_squeeze %dma_start3A_128 : memref<1x1x8x1024xf32, #tpu.memory_space<vmem_shared>> -> memref<8x1024xf32, #tpu.memory_space<vmem_shared>>
    %dma_start3A_130 = arith.constant 0 : i32
    %dma_start3A_131 = arith.constant 0 : i32
    %dma_start3A_132 = tpu.memref_slice %arg6[%dma_start3A_116, %dma_start3A_130, %dma_start3A_131] : memref<8x8x1024xf32, #tpu.memory_space<vmem>> -> memref<1x8x1024xf32, #tpu.memory_space<vmem>>
    %dma_start3A_133 = tpu.memref_squeeze %dma_start3A_132 : memref<1x8x1024xf32, #tpu.memory_space<vmem>> -> memref<8x1024xf32, #tpu.memory_space<vmem>>
    tpu.enqueue_dma source(%dma_start3A_133 : memref<8x1024xf32, #tpu.memory_space<vmem>>) target(%dma_start3A_129 : memref<8x1024xf32, #tpu.memory_space<vmem_shared>>) target_semaphore(%arg17 : memref<!tpu.dma_semaphore, #tpu.memory_space<semaphore_mem>>)
    %dma_start3A_134 = arith.constant 5 : i32
    %dma_start3A_135 = arith.constant 0 : i32
    %dma_start3A_136 = arith.constant 0 : i32
    %dma_start3A_137 = tpu.memref_slice %arg6[%dma_start3A_134, %dma_start3A_135, %dma_start3A_136] : memref<8x8x1024xf32, #tpu.memory_space<vmem>> -> memref<1x8x1024xf32, #tpu.memory_space<vmem>>
    %dma_start3A_138 = tpu.memref_squeeze %dma_start3A_137 : memref<1x8x1024xf32, #tpu.memory_space<vmem>> -> memref<8x1024xf32, #tpu.memory_space<vmem>>
    %dma_start3A_139 = arith.constant 40 : i32
    %dma_start3A_140 = tpu.memref_slice %arg5[%dma_start3A_139] : memref<1024xi32, #tpu.memory_space<vmem>> -> memref<8xi32, #tpu.memory_space<vmem>>
    %dma_start3A_141 = arith.constant 0 : i32
    %dma_start3A_142 = arith.constant 0 : i32
    %dma_start3A_143 = tpu.memref_slice %arg3[%dma_start3A_141, %dma_start3A_142] : memref<151552x1024xf32, #tpu.memory_space<hbm>> -> memref<151552x1024xf32, #tpu.memory_space<hbm>>
    tpu.enqueue_indirect_dma source(%dma_start3A_143 : memref<151552x1024xf32, #tpu.memory_space<hbm>>) target(%dma_start3A_138 : memref<8x1024xf32, #tpu.memory_space<vmem>>) offsets(%dma_start3A_140 : memref<8xi32, #tpu.memory_space<vmem>>) semaphore(%arg13 : memref<!tpu.dma_semaphore, #tpu.memory_space<semaphore_mem>>)
    %dma_wait3A_144 = arith.constant 2 : i32
    %dma_wait3A_145 = arith.constant 0 : i32
    %dma_wait3A_146 = arith.constant 0 : i32
    %dma_wait3A_147 = tpu.memref_slice %arg6[%dma_wait3A_144, %dma_wait3A_145, %dma_wait3A_146] : memref<8x8x1024xf32, #tpu.memory_space<vmem>> -> memref<1x8x1024xf32, #tpu.memory_space<vmem>>
    %dma_wait3A_148 = tpu.memref_squeeze %dma_wait3A_147 : memref<1x8x1024xf32, #tpu.memory_space<vmem>> -> memref<8x1024xf32, #tpu.memory_space<vmem>>
    %dma_wait3A_149 = arith.constant 0 : i32
    %dma_wait3A_150 = tpu.memref_slice %arg5[%dma_wait3A_149] : memref<1024xi32, #tpu.memory_space<vmem>> -> memref<8xi32, #tpu.memory_space<vmem>>
    %dma_wait3A_151 = arith.constant 0 : i32
    %dma_wait3A_152 = arith.constant 0 : i32
    %dma_wait3A_153 = tpu.memref_slice %arg3[%dma_wait3A_151, %dma_wait3A_152] : memref<151552x1024xf32, #tpu.memory_space<hbm>> -> memref<151552x1024xf32, #tpu.memory_space<hbm>>
    tpu.wait_indirect_dma semaphore(%arg10 : memref<!tpu.dma_semaphore, #tpu.memory_space<semaphore_mem>>) src(%dma_wait3A_153 : memref<151552x1024xf32, #tpu.memory_space<hbm>>) dst(%dma_wait3A_148 : memref<8x1024xf32, #tpu.memory_space<vmem>>)
    %dma_wait3A_154 = arith.constant 0 : i32
    %dma_wait3A_155 = arith.constant 1 : i32
    %dma_wait3A_156 = arith.constant 0 : i32
    %dma_wait3A_157 = arith.constant 0 : i32
    %dma_wait3A_158 = tpu.memref_slice %arg6[%dma_wait3A_154, %dma_wait3A_156, %dma_wait3A_157] : memref<8x8x1024xf32, #tpu.memory_space<vmem>> -> memref<1x8x1024xf32, #tpu.memory_space<vmem>>
    %dma_wait3A_159 = tpu.memref_squeeze %dma_wait3A_158 : memref<1x8x1024xf32, #tpu.memory_space<vmem>> -> memref<8x1024xf32, #tpu.memory_space<vmem>>
    %dma_wait3A_160 = arith.constant 0 : i32
    %dma_wait3A_161 = arith.constant 0 : i32
    %dma_wait3A_162 = tpu.memref_slice %arg7[%arg1, %dma_wait3A_155, %dma_wait3A_160, %dma_wait3A_161] : memref<16x4x8x1024xf32, #tpu.memory_space<vmem_shared>> -> memref<1x1x8x1024xf32, #tpu.memory_space<vmem_shared>>
    %dma_wait3A_163 = tpu.memref_squeeze %dma_wait3A_162 : memref<1x1x8x1024xf32, #tpu.memory_space<vmem_shared>> -> memref<8x1024xf32, #tpu.memory_space<vmem_shared>>
    %dma_wait3A_164 = arith.constant 0 : i32
    %dma_wait3A_165 = arith.constant 0 : i32
    %dma_wait3A_166 = tpu.memref_slice %arg7[%arg1, %dma_wait3A_155, %dma_wait3A_164, %dma_wait3A_165] : memref<16x4x8x1024xf32, #tpu.memory_space<vmem_shared>> -> memref<1x1x8x1024xf32, #tpu.memory_space<vmem_shared>>
    %dma_wait3A_167 = tpu.memref_squeeze %dma_wait3A_166 : memref<1x1x8x1024xf32, #tpu.memory_space<vmem_shared>> -> memref<8x1024xf32, #tpu.memory_space<vmem_shared>>
    %dma_wait3A_168 = arith.constant 0 : i32
    %dma_wait3A_169 = arith.constant 0 : i32
    %dma_wait3A_170 = tpu.memref_slice %arg6[%dma_wait3A_154, %dma_wait3A_168, %dma_wait3A_169] : memref<8x8x1024xf32, #tpu.memory_space<vmem>> -> memref<1x8x1024xf32, #tpu.memory_space<vmem>>
    %dma_wait3A_171 = tpu.memref_squeeze %dma_wait3A_170 : memref<1x8x1024xf32, #tpu.memory_space<vmem>> -> memref<8x1024xf32, #tpu.memory_space<vmem>>
    tpu.wait_dma2 semaphore(%arg17 : memref<!tpu.dma_semaphore, #tpu.memory_space<semaphore_mem>>) src(%dma_wait3A_171 : memref<8x1024xf32, #tpu.memory_space<vmem>>) dst(%dma_wait3A_167 : memref<8x1024xf32, #tpu.memory_space<vmem_shared>>)
    %add3A_172 = arith.constant 8 : i32
    %add3A_173 = arith.addi %mul3A_2, %add3A_172 : i32
    %dma_start3A_174 = arith.constant 1 : i32
    %dma_start3A_175 = arith.constant 0 : i32
    %dma_start3A_176 = tpu.memref_slice %arg4[%add3A_173, %dma_start3A_175] : memref<32768x1024xf32, #tpu.memory_space<hbm>> -> memref<8x1024xf32, #tpu.memory_space<hbm>>
    %dma_start3A_177 = arith.constant 0 : i32
    %dma_start3A_178 = arith.constant 0 : i32
    %dma_start3A_179 = tpu.memref_slice %arg7[%arg1, %dma_start3A_174, %dma_start3A_177, %dma_start3A_178] : memref<16x4x8x1024xf32, #tpu.memory_space<vmem_shared>> -> memref<1x1x8x1024xf32, #tpu.memory_space<vmem_shared>>
    %dma_start3A_180 = tpu.memref_squeeze %dma_start3A_179 : memref<1x1x8x1024xf32, #tpu.memory_space<vmem_shared>> -> memref<8x1024xf32, #tpu.memory_space<vmem_shared>>
    tpu.enqueue_dma source(%dma_start3A_180 : memref<8x1024xf32, #tpu.memory_space<vmem_shared>>) target(%dma_start3A_176 : memref<8x1024xf32, #tpu.memory_space<hbm>>) target_semaphore(%arg21 : memref<!tpu.dma_semaphore, #tpu.memory_space<semaphore_mem>>)
    %dma_start3A_181 = arith.constant 2 : i32
    %dma_start3A_182 = arith.constant 2 : i32
    %dma_start3A_183 = arith.constant 0 : i32
    %dma_start3A_184 = arith.constant 0 : i32
    %dma_start3A_185 = tpu.memref_slice %arg6[%dma_start3A_181, %dma_start3A_183, %dma_start3A_184] : memref<8x8x1024xf32, #tpu.memory_space<vmem>> -> memref<1x8x1024xf32, #tpu.memory_space<vmem>>
    %dma_start3A_186 = tpu.memref_squeeze %dma_start3A_185 : memref<1x8x1024xf32, #tpu.memory_space<vmem>> -> memref<8x1024xf32, #tpu.memory_space<vmem>>
    %dma_start3A_187 = arith.constant 0 : i32
    %dma_start3A_188 = arith.constant 0 : i32
    %dma_start3A_189 = tpu.memref_slice %arg7[%arg1, %dma_start3A_182, %dma_start3A_187, %dma_start3A_188] : memref<16x4x8x1024xf32, #tpu.memory_space<vmem_shared>> -> memref<1x1x8x1024xf32, #tpu.memory_space<vmem_shared>>
    %dma_start3A_190 = tpu.memref_squeeze %dma_start3A_189 : memref<1x1x8x1024xf32, #tpu.memory_space<vmem_shared>> -> memref<8x1024xf32, #tpu.memory_space<vmem_shared>>
    %dma_start3A_191 = arith.constant 0 : i32
    %dma_start3A_192 = arith.constant 0 : i32
    %dma_start3A_193 = tpu.memref_slice %arg7[%arg1, %dma_start3A_182, %dma_start3A_191, %dma_start3A_192] : memref<16x4x8x1024xf32, #tpu.memory_space<vmem_shared>> -> memref<1x1x8x1024xf32, #tpu.memory_space<vmem_shared>>
    %dma_start3A_194 = tpu.memref_squeeze %dma_start3A_193 : memref<1x1x8x1024xf32, #tpu.memory_space<vmem_shared>> -> memref<8x1024xf32, #tpu.memory_space<vmem_shared>>
    %dma_start3A_195 = arith.constant 0 : i32
    %dma_start3A_196 = arith.constant 0 : i32
    %dma_start3A_197 = tpu.memref_slice %arg6[%dma_start3A_181, %dma_start3A_195, %dma_start3A_196] : memref<8x8x1024xf32, #tpu.memory_space<vmem>> -> memref<1x8x1024xf32, #tpu.memory_space<vmem>>
    %dma_start3A_198 = tpu.memref_squeeze %dma_start3A_197 : memref<1x8x1024xf32, #tpu.memory_space<vmem>> -> memref<8x1024xf32, #tpu.memory_space<vmem>>
    tpu.enqueue_dma source(%dma_start3A_198 : memref<8x1024xf32, #tpu.memory_space<vmem>>) target(%dma_start3A_194 : memref<8x1024xf32, #tpu.memory_space<vmem_shared>>) target_semaphore(%arg18 : memref<!tpu.dma_semaphore, #tpu.memory_space<semaphore_mem>>)
    %dma_start3A_199 = arith.constant 6 : i32
    %dma_start3A_200 = arith.constant 0 : i32
    %dma_start3A_201 = arith.constant 0 : i32
    %dma_start3A_202 = tpu.memref_slice %arg6[%dma_start3A_199, %dma_start3A_200, %dma_start3A_201] : memref<8x8x1024xf32, #tpu.memory_space<vmem>> -> memref<1x8x1024xf32, #tpu.memory_space<vmem>>
    %dma_start3A_203 = tpu.memref_squeeze %dma_start3A_202 : memref<1x8x1024xf32, #tpu.memory_space<vmem>> -> memref<8x1024xf32, #tpu.memory_space<vmem>>
    %dma_start3A_204 = arith.constant 48 : i32
    %dma_start3A_205 = tpu.memref_slice %arg5[%dma_start3A_204] : memref<1024xi32, #tpu.memory_space<vmem>> -> memref<8xi32, #tpu.memory_space<vmem>>
    %dma_start3A_206 = arith.constant 0 : i32
    %dma_start3A_207 = arith.constant 0 : i32
    %dma_start3A_208 = tpu.memref_slice %arg3[%dma_start3A_206, %dma_start3A_207] : memref<151552x1024xf32, #tpu.memory_space<hbm>> -> memref<151552x1024xf32, #tpu.memory_space<hbm>>
    tpu.enqueue_indirect_dma source(%dma_start3A_208 : memref<151552x1024xf32, #tpu.memory_space<hbm>>) target(%dma_start3A_203 : memref<8x1024xf32, #tpu.memory_space<vmem>>) offsets(%dma_start3A_205 : memref<8xi32, #tpu.memory_space<vmem>>) semaphore(%arg14 : memref<!tpu.dma_semaphore, #tpu.memory_space<semaphore_mem>>)
    %dma_wait3A_209 = arith.constant 3 : i32
    %dma_wait3A_210 = arith.constant 0 : i32
    %dma_wait3A_211 = arith.constant 0 : i32
    %dma_wait3A_212 = tpu.memref_slice %arg6[%dma_wait3A_209, %dma_wait3A_210, %dma_wait3A_211] : memref<8x8x1024xf32, #tpu.memory_space<vmem>> -> memref<1x8x1024xf32, #tpu.memory_space<vmem>>
    %dma_wait3A_213 = tpu.memref_squeeze %dma_wait3A_212 : memref<1x8x1024xf32, #tpu.memory_space<vmem>> -> memref<8x1024xf32, #tpu.memory_space<vmem>>
    %dma_wait3A_214 = arith.constant 0 : i32
    %dma_wait3A_215 = tpu.memref_slice %arg5[%dma_wait3A_214] : memref<1024xi32, #tpu.memory_space<vmem>> -> memref<8xi32, #tpu.memory_space<vmem>>
    %dma_wait3A_216 = arith.constant 0 : i32
    %dma_wait3A_217 = arith.constant 0 : i32
    %dma_wait3A_218 = tpu.memref_slice %arg3[%dma_wait3A_216, %dma_wait3A_217] : memref<151552x1024xf32, #tpu.memory_space<hbm>> -> memref<151552x1024xf32, #tpu.memory_space<hbm>>
    tpu.wait_indirect_dma semaphore(%arg11 : memref<!tpu.dma_semaphore, #tpu.memory_space<semaphore_mem>>) src(%dma_wait3A_218 : memref<151552x1024xf32, #tpu.memory_space<hbm>>) dst(%dma_wait3A_213 : memref<8x1024xf32, #tpu.memory_space<vmem>>)
    %dma_wait3A_219 = arith.constant 0 : i32
    %dma_wait3A_220 = arith.constant 2 : i32
    %dma_wait3A_221 = arith.constant 0 : i32
    %dma_wait3A_222 = arith.constant 0 : i32
    %dma_wait3A_223 = tpu.memref_slice %arg6[%dma_wait3A_219, %dma_wait3A_221, %dma_wait3A_222] : memref<8x8x1024xf32, #tpu.memory_space<vmem>> -> memref<1x8x1024xf32, #tpu.memory_space<vmem>>
    %dma_wait3A_224 = tpu.memref_squeeze %dma_wait3A_223 : memref<1x8x1024xf32, #tpu.memory_space<vmem>> -> memref<8x1024xf32, #tpu.memory_space<vmem>>
    %dma_wait3A_225 = arith.constant 0 : i32
    %dma_wait3A_226 = arith.constant 0 : i32
    %dma_wait3A_227 = tpu.memref_slice %arg7[%arg1, %dma_wait3A_220, %dma_wait3A_225, %dma_wait3A_226] : memref<16x4x8x1024xf32, #tpu.memory_space<vmem_shared>> -> memref<1x1x8x1024xf32, #tpu.memory_space<vmem_shared>>
    %dma_wait3A_228 = tpu.memref_squeeze %dma_wait3A_227 : memref<1x1x8x1024xf32, #tpu.memory_space<vmem_shared>> -> memref<8x1024xf32, #tpu.memory_space<vmem_shared>>
    %dma_wait3A_229 = arith.constant 0 : i32
    %dma_wait3A_230 = arith.constant 0 : i32
    %dma_wait3A_231 = tpu.memref_slice %arg7[%arg1, %dma_wait3A_220, %dma_wait3A_229, %dma_wait3A_230] : memref<16x4x8x1024xf32, #tpu.memory_space<vmem_shared>> -> memref<1x1x8x1024xf32, #tpu.memory_space<vmem_shared>>
    %dma_wait3A_232 = tpu.memref_squeeze %dma_wait3A_231 : memref<1x1x8x1024xf32, #tpu.memory_space<vmem_shared>> -> memref<8x1024xf32, #tpu.memory_space<vmem_shared>>
    %dma_wait3A_233 = arith.constant 0 : i32
    %dma_wait3A_234 = arith.constant 0 : i32
    %dma_wait3A_235 = tpu.memref_slice %arg6[%dma_wait3A_219, %dma_wait3A_233, %dma_wait3A_234] : memref<8x8x1024xf32, #tpu.memory_space<vmem>> -> memref<1x8x1024xf32, #tpu.memory_space<vmem>>
    %dma_wait3A_236 = tpu.memref_squeeze %dma_wait3A_235 : memref<1x8x1024xf32, #tpu.memory_space<vmem>> -> memref<8x1024xf32, #tpu.memory_space<vmem>>
    tpu.wait_dma2 semaphore(%arg18 : memref<!tpu.dma_semaphore, #tpu.memory_space<semaphore_mem>>) src(%dma_wait3A_236 : memref<8x1024xf32, #tpu.memory_space<vmem>>) dst(%dma_wait3A_232 : memref<8x1024xf32, #tpu.memory_space<vmem_shared>>)
    %add3A_237 = arith.constant 16 : i32
    %add3A_238 = arith.addi %mul3A_2, %add3A_237 : i32
    %dma_start3A_239 = arith.constant 2 : i32
    %dma_start3A_240 = arith.constant 0 : i32
    %dma_start3A_241 = tpu.memref_slice %arg4[%add3A_238, %dma_start3A_240] : memref<32768x1024xf32, #tpu.memory_space<hbm>> -> memref<8x1024xf32, #tpu.memory_space<hbm>>
    %dma_start3A_242 = arith.constant 0 : i32
    %dma_start3A_243 = arith.constant 0 : i32
    %dma_start3A_244 = tpu.memref_slice %arg7[%arg1, %dma_start3A_239, %dma_start3A_242, %dma_start3A_243] : memref<16x4x8x1024xf32, #tpu.memory_space<vmem_shared>> -> memref<1x1x8x1024xf32, #tpu.memory_space<vmem_shared>>
    %dma_start3A_245 = tpu.memref_squeeze %dma_start3A_244 : memref<1x1x8x1024xf32, #tpu.memory_space<vmem_shared>> -> memref<8x1024xf32, #tpu.memory_space<vmem_shared>>
    tpu.enqueue_dma source(%dma_start3A_245 : memref<8x1024xf32, #tpu.memory_space<vmem_shared>>) target(%dma_start3A_241 : memref<8x1024xf32, #tpu.memory_space<hbm>>) target_semaphore(%arg22 : memref<!tpu.dma_semaphore, #tpu.memory_space<semaphore_mem>>)
    %dma_start3A_246 = arith.constant 3 : i32
    %dma_start3A_247 = arith.constant 3 : i32
    %dma_start3A_248 = arith.constant 0 : i32
    %dma_start3A_249 = arith.constant 0 : i32
    %dma_start3A_250 = tpu.memref_slice %arg6[%dma_start3A_246, %dma_start3A_248, %dma_start3A_249] : memref<8x8x1024xf32, #tpu.memory_space<vmem>> -> memref<1x8x1024xf32, #tpu.memory_space<vmem>>
    %dma_start3A_251 = tpu.memref_squeeze %dma_start3A_250 : memref<1x8x1024xf32, #tpu.memory_space<vmem>> -> memref<8x1024xf32, #tpu.memory_space<vmem>>
    %dma_start3A_252 = arith.constant 0 : i32
    %dma_start3A_253 = arith.constant 0 : i32
    %dma_start3A_254 = tpu.memref_slice %arg7[%arg1, %dma_start3A_247, %dma_start3A_252, %dma_start3A_253] : memref<16x4x8x1024xf32, #tpu.memory_space<vmem_shared>> -> memref<1x1x8x1024xf32, #tpu.memory_space<vmem_shared>>
    %dma_start3A_255 = tpu.memref_squeeze %dma_start3A_254 : memref<1x1x8x1024xf32, #tpu.memory_space<vmem_shared>> -> memref<8x1024xf32, #tpu.memory_space<vmem_shared>>
    %dma_start3A_256 = arith.constant 0 : i32
    %dma_start3A_257 = arith.constant 0 : i32
    %dma_start3A_258 = tpu.memref_slice %arg7[%arg1, %dma_start3A_247, %dma_start3A_256, %dma_start3A_257] : memref<16x4x8x1024xf32, #tpu.memory_space<vmem_shared>> -> memref<1x1x8x1024xf32, #tpu.memory_space<vmem_shared>>
    %dma_start3A_259 = tpu.memref_squeeze %dma_start3A_258 : memref<1x1x8x1024xf32, #tpu.memory_space<vmem_shared>> -> memref<8x1024xf32, #tpu.memory_space<vmem_shared>>
    %dma_start3A_260 = arith.constant 0 : i32
    %dma_start3A_261 = arith.constant 0 : i32
    %dma_start3A_262 = tpu.memref_slice %arg6[%dma_start3A_246, %dma_start3A_260, %dma_start3A_261] : memref<8x8x1024xf32, #tpu.memory_space<vmem>> -> memref<1x8x1024xf32, #tpu.memory_space<vmem>>
    %dma_start3A_263 = tpu.memref_squeeze %dma_start3A_262 : memref<1x8x1024xf32, #tpu.memory_space<vmem>> -> memref<8x1024xf32, #tpu.memory_space<vmem>>
    tpu.enqueue_dma source(%dma_start3A_263 : memref<8x1024xf32, #tpu.memory_space<vmem>>) target(%dma_start3A_259 : memref<8x1024xf32, #tpu.memory_space<vmem_shared>>) target_semaphore(%arg19 : memref<!tpu.dma_semaphore, #tpu.memory_space<semaphore_mem>>)
    %dma_start3A_264 = arith.constant 7 : i32
    %dma_start3A_265 = arith.constant 0 : i32
    %dma_start3A_266 = arith.constant 0 : i32
    %dma_start3A_267 = tpu.memref_slice %arg6[%dma_start3A_264, %dma_start3A_265, %dma_start3A_266] : memref<8x8x1024xf32, #tpu.memory_space<vmem>> -> memref<1x8x1024xf32, #tpu.memory_space<vmem>>
    %dma_start3A_268 = tpu.memref_squeeze %dma_start3A_267 : memref<1x8x1024xf32, #tpu.memory_space<vmem>> -> memref<8x1024xf32, #tpu.memory_space<vmem>>
    %dma_start3A_269 = arith.constant 56 : i32
    %dma_start3A_270 = tpu.memref_slice %arg5[%dma_start3A_269] : memref<1024xi32, #tpu.memory_space<vmem>> -> memref<8xi32, #tpu.memory_space<vmem>>
    %dma_start3A_271 = arith.constant 0 : i32
    %dma_start3A_272 = arith.constant 0 : i32
    %dma_start3A_273 = tpu.memref_slice %arg3[%dma_start3A_271, %dma_start3A_272] : memref<151552x1024xf32, #tpu.memory_space<hbm>> -> memref<151552x1024xf32, #tpu.memory_space<hbm>>
    tpu.enqueue_indirect_dma source(%dma_start3A_273 : memref<151552x1024xf32, #tpu.memory_space<hbm>>) target(%dma_start3A_268 : memref<8x1024xf32, #tpu.memory_space<vmem>>) offsets(%dma_start3A_270 : memref<8xi32, #tpu.memory_space<vmem>>) semaphore(%arg15 : memref<!tpu.dma_semaphore, #tpu.memory_space<semaphore_mem>>)
    %dma_wait3A_274 = arith.constant 4 : i32
    %dma_wait3A_275 = arith.constant 0 : i32
    %dma_wait3A_276 = arith.constant 0 : i32
    %dma_wait3A_277 = tpu.memref_slice %arg6[%dma_wait3A_274, %dma_wait3A_275, %dma_wait3A_276] : memref<8x8x1024xf32, #tpu.memory_space<vmem>> -> memref<1x8x1024xf32, #tpu.memory_space<vmem>>
    %dma_wait3A_278 = tpu.memref_squeeze %dma_wait3A_277 : memref<1x8x1024xf32, #tpu.memory_space<vmem>> -> memref<8x1024xf32, #tpu.memory_space<vmem>>
    %dma_wait3A_279 = arith.constant 0 : i32
    %dma_wait3A_280 = tpu.memref_slice %arg5[%dma_wait3A_279] : memref<1024xi32, #tpu.memory_space<vmem>> -> memref<8xi32, #tpu.memory_space<vmem>>
    %dma_wait3A_281 = arith.constant 0 : i32
    %dma_wait3A_282 = arith.constant 0 : i32
    %dma_wait3A_283 = tpu.memref_slice %arg3[%dma_wait3A_281, %dma_wait3A_282] : memref<151552x1024xf32, #tpu.memory_space<hbm>> -> memref<151552x1024xf32, #tpu.memory_space<hbm>>
    tpu.wait_indirect_dma semaphore(%arg12 : memref<!tpu.dma_semaphore, #tpu.memory_space<semaphore_mem>>) src(%dma_wait3A_283 : memref<151552x1024xf32, #tpu.memory_space<hbm>>) dst(%dma_wait3A_278 : memref<8x1024xf32, #tpu.memory_space<vmem>>)
    %dma_wait3A_284 = arith.constant 0 : i32
    %dma_wait3A_285 = arith.constant 3 : i32
    %dma_wait3A_286 = arith.constant 0 : i32
    %dma_wait3A_287 = arith.constant 0 : i32
    %dma_wait3A_288 = tpu.memref_slice %arg6[%dma_wait3A_284, %dma_wait3A_286, %dma_wait3A_287] : memref<8x8x1024xf32, #tpu.memory_space<vmem>> -> memref<1x8x1024xf32, #tpu.memory_space<vmem>>
    %dma_wait3A_289 = tpu.memref_squeeze %dma_wait3A_288 : memref<1x8x1024xf32, #tpu.memory_space<vmem>> -> memref<8x1024xf32, #tpu.memory_space<vmem>>
    %dma_wait3A_290 = arith.constant 0 : i32
    %dma_wait3A_291 = arith.constant 0 : i32
    %dma_wait3A_292 = tpu.memref_slice %arg7[%arg1, %dma_wait3A_285, %dma_wait3A_290, %dma_wait3A_291] : memref<16x4x8x1024xf32, #tpu.memory_space<vmem_shared>> -> memref<1x1x8x1024xf32, #tpu.memory_space<vmem_shared>>
    %dma_wait3A_293 = tpu.memref_squeeze %dma_wait3A_292 : memref<1x1x8x1024xf32, #tpu.memory_space<vmem_shared>> -> memref<8x1024xf32, #tpu.memory_space<vmem_shared>>
    %dma_wait3A_294 = arith.constant 0 : i32
    %dma_wait3A_295 = arith.constant 0 : i32
    %dma_wait3A_296 = tpu.memref_slice %arg7[%arg1, %dma_wait3A_285, %dma_wait3A_294, %dma_wait3A_295] : memref<16x4x8x1024xf32, #tpu.memory_space<vmem_shared>> -> memref<1x1x8x1024xf32, #tpu.memory_space<vmem_shared>>
    %dma_wait3A_297 = tpu.memref_squeeze %dma_wait3A_296 : memref<1x1x8x1024xf32, #tpu.memory_space<vmem_shared>> -> memref<8x1024xf32, #tpu.memory_space<vmem_shared>>
    %dma_wait3A_298 = arith.constant 0 : i32
    %dma_wait3A_299 = arith.constant 0 : i32
    %dma_wait3A_300 = tpu.memref_slice %arg6[%dma_wait3A_284, %dma_wait3A_298, %dma_wait3A_299] : memref<8x8x1024xf32, #tpu.memory_space<vmem>> -> memref<1x8x1024xf32, #tpu.memory_space<vmem>>
    %dma_wait3A_301 = tpu.memref_squeeze %dma_wait3A_300 : memref<1x8x1024xf32, #tpu.memory_space<vmem>> -> memref<8x1024xf32, #tpu.memory_space<vmem>>
    tpu.wait_dma2 semaphore(%arg19 : memref<!tpu.dma_semaphore, #tpu.memory_space<semaphore_mem>>) src(%dma_wait3A_301 : memref<8x1024xf32, #tpu.memory_space<vmem>>) dst(%dma_wait3A_297 : memref<8x1024xf32, #tpu.memory_space<vmem_shared>>)
    %add3A_302 = arith.constant 24 : i32
    %add3A_303 = arith.addi %mul3A_2, %add3A_302 : i32
    %dma_start3A_304 = arith.constant 3 : i32
    %dma_start3A_305 = arith.constant 0 : i32
    %dma_start3A_306 = tpu.memref_slice %arg4[%add3A_303, %dma_start3A_305] : memref<32768x1024xf32, #tpu.memory_space<hbm>> -> memref<8x1024xf32, #tpu.memory_space<hbm>>
    %dma_start3A_307 = arith.constant 0 : i32
    %dma_start3A_308 = arith.constant 0 : i32
    %dma_start3A_309 = tpu.memref_slice %arg7[%arg1, %dma_start3A_304, %dma_start3A_307, %dma_start3A_308] : memref<16x4x8x1024xf32, #tpu.memory_space<vmem_shared>> -> memref<1x1x8x1024xf32, #tpu.memory_space<vmem_shared>>
    %dma_start3A_310 = tpu.memref_squeeze %dma_start3A_309 : memref<1x1x8x1024xf32, #tpu.memory_space<vmem_shared>> -> memref<8x1024xf32, #tpu.memory_space<vmem_shared>>
    tpu.enqueue_dma source(%dma_start3A_310 : memref<8x1024xf32, #tpu.memory_space<vmem_shared>>) target(%dma_start3A_306 : memref<8x1024xf32, #tpu.memory_space<hbm>>) target_semaphore(%arg23 : memref<!tpu.dma_semaphore, #tpu.memory_space<semaphore_mem>>)
    %dma_wait3A_311 = arith.constant 0 : i32
    %dma_wait3A_312 = arith.constant 0 : i32
    %dma_wait3A_313 = tpu.memref_slice %arg4[%mul3A_2, %dma_wait3A_312] : memref<32768x1024xf32, #tpu.memory_space<hbm>> -> memref<8x1024xf32, #tpu.memory_space<hbm>>
    %dma_wait3A_314 = arith.constant 0 : i32
    %dma_wait3A_315 = arith.constant 0 : i32
    %dma_wait3A_316 = tpu.memref_slice %arg7[%arg1, %dma_wait3A_311, %dma_wait3A_314, %dma_wait3A_315] : memref<16x4x8x1024xf32, #tpu.memory_space<vmem_shared>> -> memref<1x1x8x1024xf32, #tpu.memory_space<vmem_shared>>
    %dma_wait3A_317 = tpu.memref_squeeze %dma_wait3A_316 : memref<1x1x8x1024xf32, #tpu.memory_space<vmem_shared>> -> memref<8x1024xf32, #tpu.memory_space<vmem_shared>>
    tpu.wait_dma2 semaphore(%arg20 : memref<!tpu.dma_semaphore, #tpu.memory_space<semaphore_mem>>) src(%dma_wait3A_317 : memref<8x1024xf32, #tpu.memory_space<vmem_shared>>) dst(%dma_wait3A_313 : memref<8x1024xf32, #tpu.memory_space<hbm>>)
    %dma_start3A_318 = arith.constant 4 : i32
    %dma_start3A_319 = arith.constant 0 : i32
    %dma_start3A_320 = arith.constant 0 : i32
    %dma_start3A_321 = arith.constant 0 : i32
    %dma_start3A_322 = tpu.memref_slice %arg6[%dma_start3A_318, %dma_start3A_320, %dma_start3A_321] : memref<8x8x1024xf32, #tpu.memory_space<vmem>> -> memref<1x8x1024xf32, #tpu.memory_space<vmem>>
    %dma_start3A_323 = tpu.memref_squeeze %dma_start3A_322 : memref<1x8x1024xf32, #tpu.memory_space<vmem>> -> memref<8x1024xf32, #tpu.memory_space<vmem>>
    %dma_start3A_324 = arith.constant 0 : i32
    %dma_start3A_325 = arith.constant 0 : i32
    %dma_start3A_326 = tpu.memref_slice %arg7[%arg1, %dma_start3A_319, %dma_start3A_324, %dma_start3A_325] : memref<16x4x8x1024xf32, #tpu.memory_space<vmem_shared>> -> memref<1x1x8x1024xf32, #tpu.memory_space<vmem_shared>>
    %dma_start3A_327 = tpu.memref_squeeze %dma_start3A_326 : memref<1x1x8x1024xf32, #tpu.memory_space<vmem_shared>> -> memref<8x1024xf32, #tpu.memory_space<vmem_shared>>
    %dma_start3A_328 = arith.constant 0 : i32
    %dma_start3A_329 = arith.constant 0 : i32
    %dma_start3A_330 = tpu.memref_slice %arg7[%arg1, %dma_start3A_319, %dma_start3A_328, %dma_start3A_329] : memref<16x4x8x1024xf32, #tpu.memory_space<vmem_shared>> -> memref<1x1x8x1024xf32, #tpu.memory_space<vmem_shared>>
    %dma_start3A_331 = tpu.memref_squeeze %dma_start3A_330 : memref<1x1x8x1024xf32, #tpu.memory_space<vmem_shared>> -> memref<8x1024xf32, #tpu.memory_space<vmem_shared>>
    %dma_start3A_332 = arith.constant 0 : i32
    %dma_start3A_333 = arith.constant 0 : i32
    %dma_start3A_334 = tpu.memref_slice %arg6[%dma_start3A_318, %dma_start3A_332, %dma_start3A_333] : memref<8x8x1024xf32, #tpu.memory_space<vmem>> -> memref<1x8x1024xf32, #tpu.memory_space<vmem>>
    %dma_start3A_335 = tpu.memref_squeeze %dma_start3A_334 : memref<1x8x1024xf32, #tpu.memory_space<vmem>> -> memref<8x1024xf32, #tpu.memory_space<vmem>>
    tpu.enqueue_dma source(%dma_start3A_335 : memref<8x1024xf32, #tpu.memory_space<vmem>>) target(%dma_start3A_331 : memref<8x1024xf32, #tpu.memory_space<vmem_shared>>) target_semaphore(%arg16 : memref<!tpu.dma_semaphore, #tpu.memory_space<semaphore_mem>>)
    %dma_start3A_336 = arith.constant 0 : i32
    %dma_start3A_337 = arith.constant 0 : i32
    %dma_start3A_338 = arith.constant 0 : i32
    %dma_start3A_339 = tpu.memref_slice %arg6[%dma_start3A_336, %dma_start3A_337, %dma_start3A_338] : memref<8x8x1024xf32, #tpu.memory_space<vmem>> -> memref<1x8x1024xf32, #tpu.memory_space<vmem>>
    %dma_start3A_340 = tpu.memref_squeeze %dma_start3A_339 : memref<1x8x1024xf32, #tpu.memory_space<vmem>> -> memref<8x1024xf32, #tpu.memory_space<vmem>>
    %dma_start3A_341 = arith.constant 64 : i32
    %dma_start3A_342 = tpu.memref_slice %arg5[%dma_start3A_341] : memref<1024xi32, #tpu.memory_space<vmem>> -> memref<8xi32, #tpu.memory_space<vmem>>
    %dma_start3A_343 = arith.constant 0 : i32
    %dma_start3A_344 = arith.constant 0 : i32
    %dma_start3A_345 = tpu.memref_slice %arg3[%dma_start3A_343, %dma_start3A_344] : memref<151552x1024xf32, #tpu.memory_space<hbm>> -> memref<151552x1024xf32, #tpu.memory_space<hbm>>
    tpu.enqueue_indirect_dma source(%dma_start3A_345 : memref<151552x1024xf32, #tpu.memory_space<hbm>>) target(%dma_start3A_340 : memref<8x1024xf32, #tpu.memory_space<vmem>>) offsets(%dma_start3A_342 : memref<8xi32, #tpu.memory_space<vmem>>) semaphore(%arg8 : memref<!tpu.dma_semaphore, #tpu.memory_space<semaphore_mem>>)
    %dma_wait3A_346 = arith.constant 5 : i32
    %dma_wait3A_347 = arith.constant 0 : i32
    %dma_wait3A_348 = arith.constant 0 : i32
    %dma_wait3A_349 = tpu.memref_slice %arg6[%dma_wait3A_346, %dma_wait3A_347, %dma_wait3A_348] : memref<8x8x1024xf32, #tpu.memory_space<vmem>> -> memref<1x8x1024xf32, #tpu.memory_space<vmem>>
    %dma_wait3A_350 = tpu.memref_squeeze %dma_wait3A_349 : memref<1x8x1024xf32, #tpu.memory_space<vmem>> -> memref<8x1024xf32, #tpu.memory_space<vmem>>
    %dma_wait3A_351 = arith.constant 0 : i32
    %dma_wait3A_352 = tpu.memref_slice %arg5[%dma_wait3A_351] : memref<1024xi32, #tpu.memory_space<vmem>> -> memref<8xi32, #tpu.memory_space<vmem>>
    %dma_wait3A_353 = arith.constant 0 : i32
    %dma_wait3A_354 = arith.constant 0 : i32
    %dma_wait3A_355 = tpu.memref_slice %arg3[%dma_wait3A_353, %dma_wait3A_354] : memref<151552x1024xf32, #tpu.memory_space<hbm>> -> memref<151552x1024xf32, #tpu.memory_space<hbm>>
    tpu.wait_indirect_dma semaphore(%arg13 : memref<!tpu.dma_semaphore, #tpu.memory_space<semaphore_mem>>) src(%dma_wait3A_355 : memref<151552x1024xf32, #tpu.memory_space<hbm>>) dst(%dma_wait3A_350 : memref<8x1024xf32, #tpu.memory_space<vmem>>)
    %dma_wait3A_356 = arith.constant 0 : i32
    %dma_wait3A_357 = arith.constant 0 : i32
    %dma_wait3A_358 = arith.constant 0 : i32
    %dma_wait3A_359 = arith.constant 0 : i32
    %dma_wait3A_360 = tpu.memref_slice %arg6[%dma_wait3A_356, %dma_wait3A_358, %dma_wait3A_359] : memref<8x8x1024xf32, #tpu.memory_space<vmem>> -> memref<1x8x1024xf32, #tpu.memory_space<vmem>>
    %dma_wait3A_361 = tpu.memref_squeeze %dma_wait3A_360 : memref<1x8x1024xf32, #tpu.memory_space<vmem>> -> memref<8x1024xf32, #tpu.memory_space<vmem>>
    %dma_wait3A_362 = arith.constant 0 : i32
    %dma_wait3A_363 = arith.constant 0 : i32
    %dma_wait3A_364 = tpu.memref_slice %arg7[%arg1, %dma_wait3A_357, %dma_wait3A_362, %dma_wait3A_363] : memref<16x4x8x1024xf32, #tpu.memory_space<vmem_shared>> -> memref<1x1x8x1024xf32, #tpu.memory_space<vmem_shared>>
    %dma_wait3A_365 = tpu.memref_squeeze %dma_wait3A_364 : memref<1x1x8x1024xf32, #tpu.memory_space<vmem_shared>> -> memref<8x1024xf32, #tpu.memory_space<vmem_shared>>
    %dma_wait3A_366 = arith.constant 0 : i32
    %dma_wait3A_367 = arith.constant 0 : i32
    %dma_wait3A_368 = tpu.memref_slice %arg7[%arg1, %dma_wait3A_357, %dma_wait3A_366, %dma_wait3A_367] : memref<16x4x8x1024xf32, #tpu.memory_space<vmem_shared>> -> memref<1x1x8x1024xf32, #tpu.memory_space<vmem_shared>>
    %dma_wait3A_369 = tpu.memref_squeeze %dma_wait3A_368 : memref<1x1x8x1024xf32, #tpu.memory_space<vmem_shared>> -> memref<8x1024xf32, #tpu.memory_space<vmem_shared>>
    %dma_wait3A_370 = arith.constant 0 : i32
    %dma_wait3A_371 = arith.constant 0 : i32
    %dma_wait3A_372 = tpu.memref_slice %arg6[%dma_wait3A_356, %dma_wait3A_370, %dma_wait3A_371] : memref<8x8x1024xf32, #tpu.memory_space<vmem>> -> memref<1x8x1024xf32, #tpu.memory_space<vmem>>
    %dma_wait3A_373 = tpu.memref_squeeze %dma_wait3A_372 : memref<1x8x1024xf32, #tpu.memory_space<vmem>> -> memref<8x1024xf32, #tpu.memory_space<vmem>>
    tpu.wait_dma2 semaphore(%arg16 : memref<!tpu.dma_semaphore, #tpu.memory_space<semaphore_mem>>) src(%dma_wait3A_373 : memref<8x1024xf32, #tpu.memory_space<vmem>>) dst(%dma_wait3A_369 : memref<8x1024xf32, #tpu.memory_space<vmem_shared>>)
    %add3A_374 = arith.constant 32 : i32
    %add3A_375 = arith.addi %mul3A_2, %add3A_374 : i32
    %dma_start3A_376 = arith.constant 0 : i32
    %dma_start3A_377 = arith.constant 0 : i32
    %dma_start3A_378 = tpu.memref_slice %arg4[%add3A_375, %dma_start3A_377] : memref<32768x1024xf32, #tpu.memory_space<hbm>> -> memref<8x1024xf32, #tpu.memory_space<hbm>>
    %dma_start3A_379 = arith.constant 0 : i32
    %dma_start3A_380 = arith.constant 0 : i32
    %dma_start3A_381 = tpu.memref_slice %arg7[%arg1, %dma_start3A_376, %dma_start3A_379, %dma_start3A_380] : memref<16x4x8x1024xf32, #tpu.memory_space<vmem_shared>> -> memref<1x1x8x1024xf32, #tpu.memory_space<vmem_shared>>
    %dma_start3A_382 = tpu.memref_squeeze %dma_start3A_381 : memref<1x1x8x1024xf32, #tpu.memory_space<vmem_shared>> -> memref<8x1024xf32, #tpu.memory_space<vmem_shared>>
    tpu.enqueue_dma source(%dma_start3A_382 : memref<8x1024xf32, #tpu.memory_space<vmem_shared>>) target(%dma_start3A_378 : memref<8x1024xf32, #tpu.memory_space<hbm>>) target_semaphore(%arg20 : memref<!tpu.dma_semaphore, #tpu.memory_space<semaphore_mem>>)
    %dma_wait3A_383 = arith.constant 1 : i32
    %dma_wait3A_384 = arith.constant 0 : i32
    %dma_wait3A_385 = tpu.memref_slice %arg4[%mul3A_2, %dma_wait3A_384] : memref<32768x1024xf32, #tpu.memory_space<hbm>> -> memref<8x1024xf32, #tpu.memory_space<hbm>>
    %dma_wait3A_386 = arith.constant 0 : i32
    %dma_wait3A_387 = arith.constant 0 : i32
    %dma_wait3A_388 = tpu.memref_slice %arg7[%arg1, %dma_wait3A_383, %dma_wait3A_386, %dma_wait3A_387] : memref<16x4x8x1024xf32, #tpu.memory_space<vmem_shared>> -> memref<1x1x8x1024xf32, #tpu.memory_space<vmem_shared>>
    %dma_wait3A_389 = tpu.memref_squeeze %dma_wait3A_388 : memref<1x1x8x1024xf32, #tpu.memory_space<vmem_shared>> -> memref<8x1024xf32, #tpu.memory_space<vmem_shared>>
    tpu.wait_dma2 semaphore(%arg21 : memref<!tpu.dma_semaphore, #tpu.memory_space<semaphore_mem>>) src(%dma_wait3A_389 : memref<8x1024xf32, #tpu.memory_space<vmem_shared>>) dst(%dma_wait3A_385 : memref<8x1024xf32, #tpu.memory_space<hbm>>)
    %dma_start3A_390 = arith.constant 5 : i32
    %dma_start3A_391 = arith.constant 1 : i32
    %dma_start3A_392 = arith.constant 0 : i32
    %dma_start3A_393 = arith.constant 0 : i32
    %dma_start3A_394 = tpu.memref_slice %arg6[%dma_start3A_390, %dma_start3A_392, %dma_start3A_393] : memref<8x8x1024xf32, #tpu.memory_space<vmem>> -> memref<1x8x1024xf32, #tpu.memory_space<vmem>>
    %dma_start3A_395 = tpu.memref_squeeze %dma_start3A_394 : memref<1x8x1024xf32, #tpu.memory_space<vmem>> -> memref<8x1024xf32, #tpu.memory_space<vmem>>
    %dma_start3A_396 = arith.constant 0 : i32
    %dma_start3A_397 = arith.constant 0 : i32
    %dma_start3A_398 = tpu.memref_slice %arg7[%arg1, %dma_start3A_391, %dma_start3A_396, %dma_start3A_397] : memref<16x4x8x1024xf32, #tpu.memory_space<vmem_shared>> -> memref<1x1x8x1024xf32, #tpu.memory_space<vmem_shared>>
    %dma_start3A_399 = tpu.memref_squeeze %dma_start3A_398 : memref<1x1x8x1024xf32, #tpu.memory_space<vmem_shared>> -> memref<8x1024xf32, #tpu.memory_space<vmem_shared>>
    %dma_start3A_400 = arith.constant 0 : i32
    %dma_start3A_401 = arith.constant 0 : i32
    %dma_start3A_402 = tpu.memref_slice %arg7[%arg1, %dma_start3A_391, %dma_start3A_400, %dma_start3A_401] : memref<16x4x8x1024xf32, #tpu.memory_space<vmem_shared>> -> memref<1x1x8x1024xf32, #tpu.memory_space<vmem_shared>>
    %dma_start3A_403 = tpu.memref_squeeze %dma_start3A_402 : memref<1x1x8x1024xf32, #tpu.memory_space<vmem_shared>> -> memref<8x1024xf32, #tpu.memory_space<vmem_shared>>
    %dma_start3A_404 = arith.constant 0 : i32
    %dma_start3A_405 = arith.constant 0 : i32
    %dma_start3A_406 = tpu.memref_slice %arg6[%dma_start3A_390, %dma_start3A_404, %dma_start3A_405] : memref<8x8x1024xf32, #tpu.memory_space<vmem>> -> memref<1x8x1024xf32, #tpu.memory_space<vmem>>
    %dma_start3A_407 = tpu.memref_squeeze %dma_start3A_406 : memref<1x8x1024xf32, #tpu.memory_space<vmem>> -> memref<8x1024xf32, #tpu.memory_space<vmem>>
    tpu.enqueue_dma source(%dma_start3A_407 : memref<8x1024xf32, #tpu.memory_space<vmem>>) target(%dma_start3A_403 : memref<8x1024xf32, #tpu.memory_space<vmem_shared>>) target_semaphore(%arg17 : memref<!tpu.dma_semaphore, #tpu.memory_space<semaphore_mem>>)
    %dma_start3A_408 = arith.constant 1 : i32
    %dma_start3A_409 = arith.constant 0 : i32
    %dma_start3A_410 = arith.constant 0 : i32
    %dma_start3A_411 = tpu.memref_slice %arg6[%dma_start3A_408, %dma_start3A_409, %dma_start3A_410] : memref<8x8x1024xf32, #tpu.memory_space<vmem>> -> memref<1x8x1024xf32, #tpu.memory_space<vmem>>
    %dma_start3A_412 = tpu.memref_squeeze %dma_start3A_411 : memref<1x8x1024xf32, #tpu.memory_space<vmem>> -> memref<8x1024xf32, #tpu.memory_space<vmem>>
    %dma_start3A_413 = arith.constant 72 : i32
    %dma_start3A_414 = tpu.memref_slice %arg5[%dma_start3A_413] : memref<1024xi32, #tpu.memory_space<vmem>> -> memref<8xi32, #tpu.memory_space<vmem>>
    %dma_start3A_415 = arith.constant 0 : i32
    %dma_start3A_416 = arith.constant 0 : i32
    %dma_start3A_417 = tpu.memref_slice %arg3[%dma_start3A_415, %dma_start3A_416] : memref<151552x1024xf32, #tpu.memory_space<hbm>> -> memref<151552x1024xf32, #tpu.memory_space<hbm>>
    tpu.enqueue_indirect_dma source(%dma_start3A_417 : memref<151552x1024xf32, #tpu.memory_space<hbm>>) target(%dma_start3A_412 : memref<8x1024xf32, #tpu.memory_space<vmem>>) offsets(%dma_start3A_414 : memref<8xi32, #tpu.memory_space<vmem>>) semaphore(%arg9 : memref<!tpu.dma_semaphore, #tpu.memory_space<semaphore_mem>>)
    %dma_wait3A_418 = arith.constant 6 : i32
    %dma_wait3A_419 = arith.constant 0 : i32
    %dma_wait3A_420 = arith.constant 0 : i32
    %dma_wait3A_421 = tpu.memref_slice %arg6[%dma_wait3A_418, %dma_wait3A_419, %dma_wait3A_420] : memref<8x8x1024xf32, #tpu.memory_space<vmem>> -> memref<1x8x1024xf32, #tpu.memory_space<vmem>>
    %dma_wait3A_422 = tpu.memref_squeeze %dma_wait3A_421 : memref<1x8x1024xf32, #tpu.memory_space<vmem>> -> memref<8x1024xf32, #tpu.memory_space<vmem>>
    %dma_wait3A_423 = arith.constant 0 : i32
    %dma_wait3A_424 = tpu.memref_slice %arg5[%dma_wait3A_423] : memref<1024xi32, #tpu.memory_space<vmem>> -> memref<8xi32, #tpu.memory_space<vmem>>
    %dma_wait3A_425 = arith.constant 0 : i32
    %dma_wait3A_426 = arith.constant 0 : i32
    %dma_wait3A_427 = tpu.memref_slice %arg3[%dma_wait3A_425, %dma_wait3A_426] : memref<151552x1024xf32, #tpu.memory_space<hbm>> -> memref<151552x1024xf32, #tpu.memory_space<hbm>>
    tpu.wait_indirect_dma semaphore(%arg14 : memref<!tpu.dma_semaphore, #tpu.memory_space<semaphore_mem>>) src(%dma_wait3A_427 : memref<151552x1024xf32, #tpu.memory_space<hbm>>) dst(%dma_wait3A_422 : memref<8x1024xf32, #tpu.memory_space<vmem>>)
    %dma_wait3A_428 = arith.constant 0 : i32
    %dma_wait3A_429 = arith.constant 1 : i32
    %dma_wait3A_430 = arith.constant 0 : i32
    %dma_wait3A_431 = arith.constant 0 : i32
    %dma_wait3A_432 = tpu.memref_slice %arg6[%dma_wait3A_428, %dma_wait3A_430, %dma_wait3A_431] : memref<8x8x1024xf32, #tpu.memory_space<vmem>> -> memref<1x8x1024xf32, #tpu.memory_space<vmem>>
    %dma_wait3A_433 = tpu.memref_squeeze %dma_wait3A_432 : memref<1x8x1024xf32, #tpu.memory_space<vmem>> -> memref<8x1024xf32, #tpu.memory_space<vmem>>
    %dma_wait3A_434 = arith.constant 0 : i32
    %dma_wait3A_435 = arith.constant 0 : i32
    %dma_wait3A_436 = tpu.memref_slice %arg7[%arg1, %dma_wait3A_429, %dma_wait3A_434, %dma_wait3A_435] : memref<16x4x8x1024xf32, #tpu.memory_space<vmem_shared>> -> memref<1x1x8x1024xf32, #tpu.memory_space<vmem_shared>>
    %dma_wait3A_437 = tpu.memref_squeeze %dma_wait3A_436 : memref<1x1x8x1024xf32, #tpu.memory_space<vmem_shared>> -> memref<8x1024xf32, #tpu.memory_space<vmem_shared>>
    %dma_wait3A_438 = arith.constant 0 : i32
    %dma_wait3A_439 = arith.constant 0 : i32
    %dma_wait3A_440 = tpu.memref_slice %arg7[%arg1, %dma_wait3A_429, %dma_wait3A_438, %dma_wait3A_439] : memref<16x4x8x1024xf32, #tpu.memory_space<vmem_shared>> -> memref<1x1x8x1024xf32, #tpu.memory_space<vmem_shared>>
    %dma_wait3A_441 = tpu.memref_squeeze %dma_wait3A_440 : memref<1x1x8x1024xf32, #tpu.memory_space<vmem_shared>> -> memref<8x1024xf32, #tpu.memory_space<vmem_shared>>
    %dma_wait3A_442 = arith.constant 0 : i32
    %dma_wait3A_443 = arith.constant 0 : i32
    %dma_wait3A_444 = tpu.memref_slice %arg6[%dma_wait3A_428, %dma_wait3A_442, %dma_wait3A_443] : memref<8x8x1024xf32, #tpu.memory_space<vmem>> -> memref<1x8x1024xf32, #tpu.memory_space<vmem>>
    %dma_wait3A_445 = tpu.memref_squeeze %dma_wait3A_444 : memref<1x8x1024xf32, #tpu.memory_space<vmem>> -> memref<8x1024xf32, #tpu.memory_space<vmem>>
    tpu.wait_dma2 semaphore(%arg17 : memref<!tpu.dma_semaphore, #tpu.memory_space<semaphore_mem>>) src(%dma_wait3A_445 : memref<8x1024xf32, #tpu.memory_space<vmem>>) dst(%dma_wait3A_441 : memref<8x1024xf32, #tpu.memory_space<vmem_shared>>)
    %add3A_446 = arith.constant 40 : i32
    %add3A_447 = arith.addi %mul3A_2, %add3A_446 : i32
    %dma_start3A_448 = arith.constant 1 : i32
    %dma_start3A_449 = arith.constant 0 : i32
    %dma_start3A_450 = tpu.memref_slice %arg4[%add3A_447, %dma_start3A_449] : memref<32768x1024xf32, #tpu.memory_space<hbm>> -> memref<8x1024xf32, #tpu.memory_space<hbm>>
    %dma_start3A_451 = arith.constant 0 : i32
    %dma_start3A_452 = arith.constant 0 : i32
    %dma_start3A_453 = tpu.memref_slice %arg7[%arg1, %dma_start3A_448, %dma_start3A_451, %dma_start3A_452] : memref<16x4x8x1024xf32, #tpu.memory_space<vmem_shared>> -> memref<1x1x8x1024xf32, #tpu.memory_space<vmem_shared>>
    %dma_start3A_454 = tpu.memref_squeeze %dma_start3A_453 : memref<1x1x8x1024xf32, #tpu.memory_space<vmem_shared>> -> memref<8x1024xf32, #tpu.memory_space<vmem_shared>>
    tpu.enqueue_dma source(%dma_start3A_454 : memref<8x1024xf32, #tpu.memory_space<vmem_shared>>) target(%dma_start3A_450 : memref<8x1024xf32, #tpu.memory_space<hbm>>) target_semaphore(%arg21 : memref<!tpu.dma_semaphore, #tpu.memory_space<semaphore_mem>>)
    %dma_wait3A_455 = arith.constant 2 : i32
    %dma_wait3A_456 = arith.constant 0 : i32
    %dma_wait3A_457 = tpu.memref_slice %arg4[%mul3A_2, %dma_wait3A_456] : memref<32768x1024xf32, #tpu.memory_space<hbm>> -> memref<8x1024xf32, #tpu.memory_space<hbm>>
    %dma_wait3A_458 = arith.constant 0 : i32
    %dma_wait3A_459 = arith.constant 0 : i32
    %dma_wait3A_460 = tpu.memref_slice %arg7[%arg1, %dma_wait3A_455, %dma_wait3A_458, %dma_wait3A_459] : memref<16x4x8x1024xf32, #tpu.memory_space<vmem_shared>> -> memref<1x1x8x1024xf32, #tpu.memory_space<vmem_shared>>
    %dma_wait3A_461 = tpu.memref_squeeze %dma_wait3A_460 : memref<1x1x8x1024xf32, #tpu.memory_space<vmem_shared>> -> memref<8x1024xf32, #tpu.memory_space<vmem_shared>>
    tpu.wait_dma2 semaphore(%arg22 : memref<!tpu.dma_semaphore, #tpu.memory_space<semaphore_mem>>) src(%dma_wait3A_461 : memref<8x1024xf32, #tpu.memory_space<vmem_shared>>) dst(%dma_wait3A_457 : memref<8x1024xf32, #tpu.memory_space<hbm>>)
    %dma_start3A_462 = arith.constant 6 : i32
    %dma_start3A_463 = arith.constant 2 : i32
    %dma_start3A_464 = arith.constant 0 : i32
    %dma_start3A_465 = arith.constant 0 : i32
    %dma_start3A_466 = tpu.memref_slice %arg6[%dma_start3A_462, %dma_start3A_464, %dma_start3A_465] : memref<8x8x1024xf32, #tpu.memory_space<vmem>> -> memref<1x8x1024xf32, #tpu.memory_space<vmem>>
    %dma_start3A_467 = tpu.memref_squeeze %dma_start3A_466 : memref<1x8x1024xf32, #tpu.memory_space<vmem>> -> memref<8x1024xf32, #tpu.memory_space<vmem>>
    %dma_start3A_468 = arith.constant 0 : i32
    %dma_start3A_469 = arith.constant 0 : i32
    %dma_start3A_470 = tpu.memref_slice %arg7[%arg1, %dma_start3A_463, %dma_start3A_468, %dma_start3A_469] : memref<16x4x8x1024xf32, #tpu.memory_space<vmem_shared>> -> memref<1x1x8x1024xf32, #tpu.memory_space<vmem_shared>>
    %dma_start3A_471 = tpu.memref_squeeze %dma_start3A_470 : memref<1x1x8x1024xf32, #tpu.memory_space<vmem_shared>> -> memref<8x1024xf32, #tpu.memory_space<vmem_shared>>
    %dma_start3A_472 = arith.constant 0 : i32
    %dma_start3A_473 = arith.constant 0 : i32
    %dma_start3A_474 = tpu.memref_slice %arg7[%arg1, %dma_start3A_463, %dma_start3A_472, %dma_start3A_473] : memref<16x4x8x1024xf32, #tpu.memory_space<vmem_shared>> -> memref<1x1x8x1024xf32, #tpu.memory_space<vmem_shared>>
    %dma_start3A_475 = tpu.memref_squeeze %dma_start3A_474 : memref<1x1x8x1024xf32, #tpu.memory_space<vmem_shared>> -> memref<8x1024xf32, #tpu.memory_space<vmem_shared>>
    %dma_start3A_476 = arith.constant 0 : i32
    %dma_start3A_477 = arith.constant 0 : i32
    %dma_start3A_478 = tpu.memref_slice %arg6[%dma_start3A_462, %dma_start3A_476, %dma_start3A_477] : memref<8x8x1024xf32, #tpu.memory_space<vmem>> -> memref<1x8x1024xf32, #tpu.memory_space<vmem>>
    %dma_start3A_479 = tpu.memref_squeeze %dma_start3A_478 : memref<1x8x1024xf32, #tpu.memory_space<vmem>> -> memref<8x1024xf32, #tpu.memory_space<vmem>>
    tpu.enqueue_dma source(%dma_start3A_479 : memref<8x1024xf32, #tpu.memory_space<vmem>>) target(%dma_start3A_475 : memref<8x1024xf32, #tpu.memory_space<vmem_shared>>) target_semaphore(%arg18 : memref<!tpu.dma_semaphore, #tpu.memory_space<semaphore_mem>>)
    %dma_start3A_480 = arith.constant 2 : i32
    %dma_start3A_481 = arith.constant 0 : i32
    %dma_start3A_482 = arith.constant 0 : i32
    %dma_start3A_483 = tpu.memref_slice %arg6[%dma_start3A_480, %dma_start3A_481, %dma_start3A_482] : memref<8x8x1024xf32, #tpu.memory_space<vmem>> -> memref<1x8x1024xf32, #tpu.memory_space<vmem>>
    %dma_start3A_484 = tpu.memref_squeeze %dma_start3A_483 : memref<1x8x1024xf32, #tpu.memory_space<vmem>> -> memref<8x1024xf32, #tpu.memory_space<vmem>>
    %dma_start3A_485 = arith.constant 80 : i32
    %dma_start3A_486 = tpu.memref_slice %arg5[%dma_start3A_485] : memref<1024xi32, #tpu.memory_space<vmem>> -> memref<8xi32, #tpu.memory_space<vmem>>
    %dma_start3A_487 = arith.constant 0 : i32
    %dma_start3A_488 = arith.constant 0 : i32
    %dma_start3A_489 = tpu.memref_slice %arg3[%dma_start3A_487, %dma_start3A_488] : memref<151552x1024xf32, #tpu.memory_space<hbm>> -> memref<151552x1024xf32, #tpu.memory_space<hbm>>
    tpu.enqueue_indirect_dma source(%dma_start3A_489 : memref<151552x1024xf32, #tpu.memory_space<hbm>>) target(%dma_start3A_484 : memref<8x1024xf32, #tpu.memory_space<vmem>>) offsets(%dma_start3A_486 : memref<8xi32, #tpu.memory_space<vmem>>) semaphore(%arg10 : memref<!tpu.dma_semaphore, #tpu.memory_space<semaphore_mem>>)
    %dma_wait3A_490 = arith.constant 7 : i32
    %dma_wait3A_491 = arith.constant 0 : i32
    %dma_wait3A_492 = arith.constant 0 : i32
    %dma_wait3A_493 = tpu.memref_slice %arg6[%dma_wait3A_490, %dma_wait3A_491, %dma_wait3A_492] : memref<8x8x1024xf32, #tpu.memory_space<vmem>> -> memref<1x8x1024xf32, #tpu.memory_space<vmem>>
    %dma_wait3A_494 = tpu.memref_squeeze %dma_wait3A_493 : memref<1x8x1024xf32, #tpu.memory_space<vmem>> -> memref<8x1024xf32, #tpu.memory_space<vmem>>
    %dma_wait3A_495 = arith.constant 0 : i32
    %dma_wait3A_496 = tpu.memref_slice %arg5[%dma_wait3A_495] : memref<1024xi32, #tpu.memory_space<vmem>> -> memref<8xi32, #tpu.memory_space<vmem>>
    %dma_wait3A_497 = arith.constant 0 : i32
    %dma_wait3A_498 = arith.constant 0 : i32
    %dma_wait3A_499 = tpu.memref_slice %arg3[%dma_wait3A_497, %dma_wait3A_498] : memref<151552x1024xf32, #tpu.memory_space<hbm>> -> memref<151552x1024xf32, #tpu.memory_space<hbm>>
    tpu.wait_indirect_dma semaphore(%arg15 : memref<!tpu.dma_semaphore, #tpu.memory_space<semaphore_mem>>) src(%dma_wait3A_499 : memref<151552x1024xf32, #tpu.memory_space<hbm>>) dst(%dma_wait3A_494 : memref<8x1024xf32, #tpu.memory_space<vmem>>)
    %dma_wait3A_500 = arith.constant 0 : i32
    %dma_wait3A_501 = arith.constant 2 : i32
    %dma_wait3A_502 = arith.constant 0 : i32
    %dma_wait3A_503 = arith.constant 0 : i32
    %dma_wait3A_504 = tpu.memref_slice %arg6[%dma_wait3A_500, %dma_wait3A_502, %dma_wait3A_503] : memref<8x8x1024xf32, #tpu.memory_space<vmem>> -> memref<1x8x1024xf32, #tpu.memory_space<vmem>>
    %dma_wait3A_505 = tpu.memref_squeeze %dma_wait3A_504 : memref<1x8x1024xf32, #tpu.memory_space<vmem>> -> memref<8x1024xf32, #tpu.memory_space<vmem>>
    %dma_wait3A_506 = arith.constant 0 : i32
    %dma_wait3A_507 = arith.constant 0 : i32
    %dma_wait3A_508 = tpu.memref_slice %arg7[%arg1, %dma_wait3A_501, %dma_wait3A_506, %dma_wait3A_507] : memref<16x4x8x1024xf32, #tpu.memory_space<vmem_shared>> -> memref<1x1x8x1024xf32, #tpu.memory_space<vmem_shared>>
    %dma_wait3A_509 = tpu.memref_squeeze %dma_wait3A_508 : memref<1x1x8x1024xf32, #tpu.memory_space<vmem_shared>> -> memref<8x1024xf32, #tpu.memory_space<vmem_shared>>
    %dma_wait3A_510 = arith.constant 0 : i32
    %dma_wait3A_511 = arith.constant 0 : i32
    %dma_wait3A_512 = tpu.memref_slice %arg7[%arg1, %dma_wait3A_501, %dma_wait3A_510, %dma_wait3A_511] : memref<16x4x8x1024xf32, #tpu.memory_space<vmem_shared>> -> memref<1x1x8x1024xf32, #tpu.memory_space<vmem_shared>>
    %dma_wait3A_513 = tpu.memref_squeeze %dma_wait3A_512 : memref<1x1x8x1024xf32, #tpu.memory_space<vmem_shared>> -> memref<8x1024xf32, #tpu.memory_space<vmem_shared>>
    %dma_wait3A_514 = arith.constant 0 : i32
    %dma_wait3A_515 = arith.constant 0 : i32
    %dma_wait3A_516 = tpu.memref_slice %arg6[%dma_wait3A_500, %dma_wait3A_514, %dma_wait3A_515] : memref<8x8x1024xf32, #tpu.memory_space<vmem>> -> memref<1x8x1024xf32, #tpu.memory_space<vmem>>
    %dma_wait3A_517 = tpu.memref_squeeze %dma_wait3A_516 : memref<1x8x1024xf32, #tpu.memory_space<vmem>> -> memref<8x1024xf32, #tpu.memory_space<vmem>>
    tpu.wait_dma2 semaphore(%arg18 : memref<!tpu.dma_semaphore, #tpu.memory_space<semaphore_mem>>) src(%dma_wait3A_517 : memref<8x1024xf32, #tpu.memory_space<vmem>>) dst(%dma_wait3A_513 : memref<8x1024xf32, #tpu.memory_space<vmem_shared>>)
    %add3A_518 = arith.constant 48 : i32
    %add3A_519 = arith.addi %mul3A_2, %add3A_518 : i32
    %dma_start3A_520 = arith.constant 2 : i32
    %dma_start3A_521 = arith.constant 0 : i32
    %dma_start3A_522 = tpu.memref_slice %arg4[%add3A_519, %dma_start3A_521] : memref<32768x1024xf32, #tpu.memory_space<hbm>> -> memref<8x1024xf32, #tpu.memory_space<hbm>>
    %dma_start3A_523 = arith.constant 0 : i32
    %dma_start3A_524 = arith.constant 0 : i32
    %dma_start3A_525 = tpu.memref_slice %arg7[%arg1, %dma_start3A_520, %dma_start3A_523, %dma_start3A_524] : memref<16x4x8x1024xf32, #tpu.memory_space<vmem_shared>> -> memref<1x1x8x1024xf32, #tpu.memory_space<vmem_shared>>
    %dma_start3A_526 = tpu.memref_squeeze %dma_start3A_525 : memref<1x1x8x1024xf32, #tpu.memory_space<vmem_shared>> -> memref<8x1024xf32, #tpu.memory_space<vmem_shared>>
    tpu.enqueue_dma source(%dma_start3A_526 : memref<8x1024xf32, #tpu.memory_space<vmem_shared>>) target(%dma_start3A_522 : memref<8x1024xf32, #tpu.memory_space<hbm>>) target_semaphore(%arg22 : memref<!tpu.dma_semaphore, #tpu.memory_space<semaphore_mem>>)
    %dma_wait3A_527 = arith.constant 3 : i32
    %dma_wait3A_528 = arith.constant 0 : i32
    %dma_wait3A_529 = tpu.memref_slice %arg4[%mul3A_2, %dma_wait3A_528] : memref<32768x1024xf32, #tpu.memory_space<hbm>> -> memref<8x1024xf32, #tpu.memory_space<hbm>>
    %dma_wait3A_530 = arith.constant 0 : i32
    %dma_wait3A_531 = arith.constant 0 : i32
    %dma_wait3A_532 = tpu.memref_slice %arg7[%arg1, %dma_wait3A_527, %dma_wait3A_530, %dma_wait3A_531] : memref<16x4x8x1024xf32, #tpu.memory_space<vmem_shared>> -> memref<1x1x8x1024xf32, #tpu.memory_space<vmem_shared>>
    %dma_wait3A_533 = tpu.memref_squeeze %dma_wait3A_532 : memref<1x1x8x1024xf32, #tpu.memory_space<vmem_shared>> -> memref<8x1024xf32, #tpu.memory_space<vmem_shared>>
    tpu.wait_dma2 semaphore(%arg23 : memref<!tpu.dma_semaphore, #tpu.memory_space<semaphore_mem>>) src(%dma_wait3A_533 : memref<8x1024xf32, #tpu.memory_space<vmem_shared>>) dst(%dma_wait3A_529 : memref<8x1024xf32, #tpu.memory_space<hbm>>)
    %dma_start3A_534 = arith.constant 7 : i32
    %dma_start3A_535 = arith.constant 3 : i32
    %dma_start3A_536 = arith.constant 0 : i32
    %dma_start3A_537 = arith.constant 0 : i32
    %dma_start3A_538 = tpu.memref_slice %arg6[%dma_start3A_534, %dma_start3A_536, %dma_start3A_537] : memref<8x8x1024xf32, #tpu.memory_space<vmem>> -> memref<1x8x1024xf32, #tpu.memory_space<vmem>>
    %dma_start3A_539 = tpu.memref_squeeze %dma_start3A_538 : memref<1x8x1024xf32, #tpu.memory_space<vmem>> -> memref<8x1024xf32, #tpu.memory_space<vmem>>
    %dma_start3A_540 = arith.constant 0 : i32
    %dma_start3A_541 = arith.constant 0 : i32
    %dma_start3A_542 = tpu.memref_slice %arg7[%arg1, %dma_start3A_535, %dma_start3A_540, %dma_start3A_541] : memref<16x4x8x1024xf32, #tpu.memory_space<vmem_shared>> -> memref<1x1x8x1024xf32, #tpu.memory_space<vmem_shared>>
    %dma_start3A_543 = tpu.memref_squeeze %dma_start3A_542 : memref<1x1x8x1024xf32, #tpu.memory_space<vmem_shared>> -> memref<8x1024xf32, #tpu.memory_space<vmem_shared>>
    %dma_start3A_544 = arith.constant 0 : i32
    %dma_start3A_545 = arith.constant 0 : i32
    %dma_start3A_546 = tpu.memref_slice %arg7[%arg1, %dma_start3A_535, %dma_start3A_544, %dma_start3A_545] : memref<16x4x8x1024xf32, #tpu.memory_space<vmem_shared>> -> memref<1x1x8x1024xf32, #tpu.memory_space<vmem_shared>>
    %dma_start3A_547 = tpu.memref_squeeze %dma_start3A_546 : memref<1x1x8x1024xf32, #tpu.memory_space<vmem_shared>> -> memref<8x1024xf32, #tpu.memory_space<vmem_shared>>
    %dma_start3A_548 = arith.constant 0 : i32
    %dma_start3A_549 = arith.constant 0 : i32
    %dma_start3A_550 = tpu.memref_slice %arg6[%dma_start3A_534, %dma_start3A_548, %dma_start3A_549] : memref<8x8x1024xf32, #tpu.memory_space<vmem>> -> memref<1x8x1024xf32, #tpu.memory_space<vmem>>
    %dma_start3A_551 = tpu.memref_squeeze %dma_start3A_550 : memref<1x8x1024xf32, #tpu.memory_space<vmem>> -> memref<8x1024xf32, #tpu.memory_space<vmem>>
    tpu.enqueue_dma source(%dma_start3A_551 : memref<8x1024xf32, #tpu.memory_space<vmem>>) target(%dma_start3A_547 : memref<8x1024xf32, #tpu.memory_space<vmem_shared>>) target_semaphore(%arg19 : memref<!tpu.dma_semaphore, #tpu.memory_space<semaphore_mem>>)
    %dma_start3A_552 = arith.constant 3 : i32
    %dma_start3A_553 = arith.constant 0 : i32
    %dma_start3A_554 = arith.constant 0 : i32
    %dma_start3A_555 = tpu.memref_slice %arg6[%dma_start3A_552, %dma_start3A_553, %dma_start3A_554] : memref<8x8x1024xf32, #tpu.memory_space<vmem>> -> memref<1x8x1024xf32, #tpu.memory_space<vmem>>
    %dma_start3A_556 = tpu.memref_squeeze %dma_start3A_555 : memref<1x8x1024xf32, #tpu.memory_space<vmem>> -> memref<8x1024xf32, #tpu.memory_space<vmem>>
    %dma_start3A_557 = arith.constant 88 : i32
    %dma_start3A_558 = tpu.memref_slice %arg5[%dma_start3A_557] : memref<1024xi32, #tpu.memory_space<vmem>> -> memref<8xi32, #tpu.memory_space<vmem>>
    %dma_start3A_559 = arith.constant 0 : i32
    %dma_start3A_560 = arith.constant 0 : i32
    %dma_start3A_561 = tpu.memref_slice %arg3[%dma_start3A_559, %dma_start3A_560] : memref<151552x1024xf32, #tpu.memory_space<hbm>> -> memref<151552x1024xf32, #tpu.memory_space<hbm>>
    tpu.enqueue_indirect_dma source(%dma_start3A_561 : memref<151552x1024xf32, #tpu.memory_space<hbm>>) target(%dma_start3A_556 : memref<8x1024xf32, #tpu.memory_space<vmem>>) offsets(%dma_start3A_558 : memref<8xi32, #tpu.memory_space<vmem>>) semaphore(%arg11 : memref<!tpu.dma_semaphore, #tpu.memory_space<semaphore_mem>>)
    %scan3A = arith.constant 0 : i32
    %scan3A_562 = arith.constant 14 : i32
    %scan3A_563 = arith.addi %scan3A, %scan3A_562 : i32
    %scan3A_564 = arith.constant 1 : i32
    scf.for %scan3A_1157 = %scan3A to %scan3A_563 step %scan3A_564  : i32 {
      %mul3A_1158 = arith.constant 1 : i32
      %mul3A_1159 = arith.muli %scan3A_1157, %mul3A_1158 : i32
      %add3A_1160 = arith.constant 1 : i32
      %add3A_1161 = arith.addi %add3A_1160, %mul3A_1159 : i32
      %mul3A_1162 = arith.constant 8 : i32
      %mul3A_1163 = arith.muli %add3A_1161, %mul3A_1162 : i32
      %add3A_1164 = arith.constant 0 : i32
      %add3A_1165 = arith.addi %mul3A_1163, %add3A_1164 : i32
      %dma_wait3A_1166 = arith.constant 0 : i32
      %dma_wait3A_1167 = arith.constant 0 : i32
      %dma_wait3A_1168 = arith.constant 0 : i32
      %dma_wait3A_1169 = tpu.memref_slice %arg6[%dma_wait3A_1166, %dma_wait3A_1167, %dma_wait3A_1168] : memref<8x8x1024xf32, #tpu.memory_space<vmem>> -> memref<1x8x1024xf32, #tpu.memory_space<vmem>>
      %dma_wait3A_1170 = tpu.memref_squeeze %dma_wait3A_1169 : memref<1x8x1024xf32, #tpu.memory_space<vmem>> -> memref<8x1024xf32, #tpu.memory_space<vmem>>
      %dma_wait3A_1171 = arith.constant 0 : i32
      %dma_wait3A_1172 = tpu.memref_slice %arg5[%dma_wait3A_1171] : memref<1024xi32, #tpu.memory_space<vmem>> -> memref<8xi32, #tpu.memory_space<vmem>>
      %dma_wait3A_1173 = arith.constant 0 : i32
      %dma_wait3A_1174 = arith.constant 0 : i32
      %dma_wait3A_1175 = tpu.memref_slice %arg3[%dma_wait3A_1173, %dma_wait3A_1174] : memref<151552x1024xf32, #tpu.memory_space<hbm>> -> memref<151552x1024xf32, #tpu.memory_space<hbm>>
      tpu.wait_indirect_dma semaphore(%arg8 : memref<!tpu.dma_semaphore, #tpu.memory_space<semaphore_mem>>) src(%dma_wait3A_1175 : memref<151552x1024xf32, #tpu.memory_space<hbm>>) dst(%dma_wait3A_1170 : memref<8x1024xf32, #tpu.memory_space<vmem>>)
      %dma_wait3A_1176 = arith.constant 0 : i32
      %dma_wait3A_1177 = arith.constant 3 : i32
      %dma_wait3A_1178 = arith.constant 0 : i32
      %dma_wait3A_1179 = arith.constant 0 : i32
      %dma_wait3A_1180 = tpu.memref_slice %arg6[%dma_wait3A_1176, %dma_wait3A_1178, %dma_wait3A_1179] : memref<8x8x1024xf32, #tpu.memory_space<vmem>> -> memref<1x8x1024xf32, #tpu.memory_space<vmem>>
      %dma_wait3A_1181 = tpu.memref_squeeze %dma_wait3A_1180 : memref<1x8x1024xf32, #tpu.memory_space<vmem>> -> memref<8x1024xf32, #tpu.memory_space<vmem>>
      %dma_wait3A_1182 = arith.constant 0 : i32
      %dma_wait3A_1183 = arith.constant 0 : i32
      %dma_wait3A_1184 = tpu.memref_slice %arg7[%arg1, %dma_wait3A_1177, %dma_wait3A_1182, %dma_wait3A_1183] : memref<16x4x8x1024xf32, #tpu.memory_space<vmem_shared>> -> memref<1x1x8x1024xf32, #tpu.memory_space<vmem_shared>>
      %dma_wait3A_1185 = tpu.memref_squeeze %dma_wait3A_1184 : memref<1x1x8x1024xf32, #tpu.memory_space<vmem_shared>> -> memref<8x1024xf32, #tpu.memory_space<vmem_shared>>
      %dma_wait3A_1186 = arith.constant 0 : i32
      %dma_wait3A_1187 = arith.constant 0 : i32
      %dma_wait3A_1188 = tpu.memref_slice %arg7[%arg1, %dma_wait3A_1177, %dma_wait3A_1186, %dma_wait3A_1187] : memref<16x4x8x1024xf32, #tpu.memory_space<vmem_shared>> -> memref<1x1x8x1024xf32, #tpu.memory_space<vmem_shared>>
      %dma_wait3A_1189 = tpu.memref_squeeze %dma_wait3A_1188 : memref<1x1x8x1024xf32, #tpu.memory_space<vmem_shared>> -> memref<8x1024xf32, #tpu.memory_space<vmem_shared>>
      %dma_wait3A_1190 = arith.constant 0 : i32
      %dma_wait3A_1191 = arith.constant 0 : i32
      %dma_wait3A_1192 = tpu.memref_slice %arg6[%dma_wait3A_1176, %dma_wait3A_1190, %dma_wait3A_1191] : memref<8x8x1024xf32, #tpu.memory_space<vmem>> -> memref<1x8x1024xf32, #tpu.memory_space<vmem>>
      %dma_wait3A_1193 = tpu.memref_squeeze %dma_wait3A_1192 : memref<1x8x1024xf32, #tpu.memory_space<vmem>> -> memref<8x1024xf32, #tpu.memory_space<vmem>>
      tpu.wait_dma2 semaphore(%arg19 : memref<!tpu.dma_semaphore, #tpu.memory_space<semaphore_mem>>) src(%dma_wait3A_1193 : memref<8x1024xf32, #tpu.memory_space<vmem>>) dst(%dma_wait3A_1189 : memref<8x1024xf32, #tpu.memory_space<vmem_shared>>)
      %sub3A = arith.constant 1 : i32
      %sub3A_1194 = arith.subi %add3A_1165, %sub3A : i32
      %mul3A_1195 = arith.constant 8 : i32
      %mul3A_1196 = arith.muli %sub3A_1194, %mul3A_1195 : i32
      %add3A_1197 = arith.addi %mul3A_2, %mul3A_1196 : i32
      %dma_start3A_1198 = arith.constant 3 : i32
      %dma_start3A_1199 = arith.constant 0 : i32
      %dma_start3A_1200 = tpu.memref_slice %arg4[%add3A_1197, %dma_start3A_1199] : memref<32768x1024xf32, #tpu.memory_space<hbm>> -> memref<8x1024xf32, #tpu.memory_space<hbm>>
      %dma_start3A_1201 = arith.constant 0 : i32
      %dma_start3A_1202 = arith.constant 0 : i32
      %dma_start3A_1203 = tpu.memref_slice %arg7[%arg1, %dma_start3A_1198, %dma_start3A_1201, %dma_start3A_1202] : memref<16x4x8x1024xf32, #tpu.memory_space<vmem_shared>> -> memref<1x1x8x1024xf32, #tpu.memory_space<vmem_shared>>
      %dma_start3A_1204 = tpu.memref_squeeze %dma_start3A_1203 : memref<1x1x8x1024xf32, #tpu.memory_space<vmem_shared>> -> memref<8x1024xf32, #tpu.memory_space<vmem_shared>>
      tpu.enqueue_dma source(%dma_start3A_1204 : memref<8x1024xf32, #tpu.memory_space<vmem_shared>>) target(%dma_start3A_1200 : memref<8x1024xf32, #tpu.memory_space<hbm>>) target_semaphore(%arg23 : memref<!tpu.dma_semaphore, #tpu.memory_space<semaphore_mem>>)
      %dma_wait3A_1205 = arith.constant 0 : i32
      %dma_wait3A_1206 = arith.constant 0 : i32
      %dma_wait3A_1207 = tpu.memref_slice %arg4[%mul3A_2, %dma_wait3A_1206] : memref<32768x1024xf32, #tpu.memory_space<hbm>> -> memref<8x1024xf32, #tpu.memory_space<hbm>>
      %dma_wait3A_1208 = arith.constant 0 : i32
      %dma_wait3A_1209 = arith.constant 0 : i32
      %dma_wait3A_1210 = tpu.memref_slice %arg7[%arg1, %dma_wait3A_1205, %dma_wait3A_1208, %dma_wait3A_1209] : memref<16x4x8x1024xf32, #tpu.memory_space<vmem_shared>> -> memref<1x1x8x1024xf32, #tpu.memory_space<vmem_shared>>
      %dma_wait3A_1211 = tpu.memref_squeeze %dma_wait3A_1210 : memref<1x1x8x1024xf32, #tpu.memory_space<vmem_shared>> -> memref<8x1024xf32, #tpu.memory_space<vmem_shared>>
      tpu.wait_dma2 semaphore(%arg20 : memref<!tpu.dma_semaphore, #tpu.memory_space<semaphore_mem>>) src(%dma_wait3A_1211 : memref<8x1024xf32, #tpu.memory_space<vmem_shared>>) dst(%dma_wait3A_1207 : memref<8x1024xf32, #tpu.memory_space<hbm>>)
      %dma_start3A_1212 = arith.constant 0 : i32
      %dma_start3A_1213 = arith.constant 0 : i32
      %dma_start3A_1214 = arith.constant 0 : i32
      %dma_start3A_1215 = arith.constant 0 : i32
      %dma_start3A_1216 = tpu.memref_slice %arg6[%dma_start3A_1212, %dma_start3A_1214, %dma_start3A_1215] : memref<8x8x1024xf32, #tpu.memory_space<vmem>> -> memref<1x8x1024xf32, #tpu.memory_space<vmem>>
      %dma_start3A_1217 = tpu.memref_squeeze %dma_start3A_1216 : memref<1x8x1024xf32, #tpu.memory_space<vmem>> -> memref<8x1024xf32, #tpu.memory_space<vmem>>
      %dma_start3A_1218 = arith.constant 0 : i32
      %dma_start3A_1219 = arith.constant 0 : i32
      %dma_start3A_1220 = tpu.memref_slice %arg7[%arg1, %dma_start3A_1213, %dma_start3A_1218, %dma_start3A_1219] : memref<16x4x8x1024xf32, #tpu.memory_space<vmem_shared>> -> memref<1x1x8x1024xf32, #tpu.memory_space<vmem_shared>>
      %dma_start3A_1221 = tpu.memref_squeeze %dma_start3A_1220 : memref<1x1x8x1024xf32, #tpu.memory_space<vmem_shared>> -> memref<8x1024xf32, #tpu.memory_space<vmem_shared>>
      %dma_start3A_1222 = arith.constant 0 : i32
      %dma_start3A_1223 = arith.constant 0 : i32
      %dma_start3A_1224 = tpu.memref_slice %arg7[%arg1, %dma_start3A_1213, %dma_start3A_1222, %dma_start3A_1223] : memref<16x4x8x1024xf32, #tpu.memory_space<vmem_shared>> -> memref<1x1x8x1024xf32, #tpu.memory_space<vmem_shared>>
      %dma_start3A_1225 = tpu.memref_squeeze %dma_start3A_1224 : memref<1x1x8x1024xf32, #tpu.memory_space<vmem_shared>> -> memref<8x1024xf32, #tpu.memory_space<vmem_shared>>
      %dma_start3A_1226 = arith.constant 0 : i32
      %dma_start3A_1227 = arith.constant 0 : i32
      %dma_start3A_1228 = tpu.memref_slice %arg6[%dma_start3A_1212, %dma_start3A_1226, %dma_start3A_1227] : memref<8x8x1024xf32, #tpu.memory_space<vmem>> -> memref<1x8x1024xf32, #tpu.memory_space<vmem>>
      %dma_start3A_1229 = tpu.memref_squeeze %dma_start3A_1228 : memref<1x8x1024xf32, #tpu.memory_space<vmem>> -> memref<8x1024xf32, #tpu.memory_space<vmem>>
      tpu.enqueue_dma source(%dma_start3A_1229 : memref<8x1024xf32, #tpu.memory_space<vmem>>) target(%dma_start3A_1225 : memref<8x1024xf32, #tpu.memory_space<vmem_shared>>) target_semaphore(%arg16 : memref<!tpu.dma_semaphore, #tpu.memory_space<semaphore_mem>>)
      %add3A_1230 = arith.constant 4 : i32
      %add3A_1231 = arith.addi %add3A_1165, %add3A_1230 : i32
      %mul3A_1232 = arith.constant 8 : i32
      %mul3A_1233 = arith.muli %add3A_1231, %mul3A_1232 : i32
      %dma_start3A_1234 = arith.constant 4 : i32
      %dma_start3A_1235 = arith.constant 0 : i32
      %dma_start3A_1236 = arith.constant 0 : i32
      %dma_start3A_1237 = tpu.memref_slice %arg6[%dma_start3A_1234, %dma_start3A_1235, %dma_start3A_1236] : memref<8x8x1024xf32, #tpu.memory_space<vmem>> -> memref<1x8x1024xf32, #tpu.memory_space<vmem>>
      %dma_start3A_1238 = tpu.memref_squeeze %dma_start3A_1237 : memref<1x8x1024xf32, #tpu.memory_space<vmem>> -> memref<8x1024xf32, #tpu.memory_space<vmem>>
      %dma_start3A_1239 = tpu.memref_slice %arg5[%mul3A_1233] : memref<1024xi32, #tpu.memory_space<vmem>> -> memref<8xi32, #tpu.memory_space<vmem>>
      %dma_start3A_1240 = arith.constant 0 : i32
      %dma_start3A_1241 = arith.constant 0 : i32
      %dma_start3A_1242 = tpu.memref_slice %arg3[%dma_start3A_1240, %dma_start3A_1241] : memref<151552x1024xf32, #tpu.memory_space<hbm>> -> memref<151552x1024xf32, #tpu.memory_space<hbm>>
      tpu.enqueue_indirect_dma source(%dma_start3A_1242 : memref<151552x1024xf32, #tpu.memory_space<hbm>>) target(%dma_start3A_1238 : memref<8x1024xf32, #tpu.memory_space<vmem>>) offsets(%dma_start3A_1239 : memref<8xi32, #tpu.memory_space<vmem>>) semaphore(%arg12 : memref<!tpu.dma_semaphore, #tpu.memory_space<semaphore_mem>>)
      %mul3A_1243 = arith.constant 8 : i32
      %mul3A_1244 = arith.muli %add3A_1161, %mul3A_1243 : i32
      %add3A_1245 = arith.constant 1 : i32
      %add3A_1246 = arith.addi %mul3A_1244, %add3A_1245 : i32
      %dma_wait3A_1247 = arith.constant 1 : i32
      %dma_wait3A_1248 = arith.constant 0 : i32
      %dma_wait3A_1249 = arith.constant 0 : i32
      %dma_wait3A_1250 = tpu.memref_slice %arg6[%dma_wait3A_1247, %dma_wait3A_1248, %dma_wait3A_1249] : memref<8x8x1024xf32, #tpu.memory_space<vmem>> -> memref<1x8x1024xf32, #tpu.memory_space<vmem>>
      %dma_wait3A_1251 = tpu.memref_squeeze %dma_wait3A_1250 : memref<1x8x1024xf32, #tpu.memory_space<vmem>> -> memref<8x1024xf32, #tpu.memory_space<vmem>>
      %dma_wait3A_1252 = arith.constant 0 : i32
      %dma_wait3A_1253 = tpu.memref_slice %arg5[%dma_wait3A_1252] : memref<1024xi32, #tpu.memory_space<vmem>> -> memref<8xi32, #tpu.memory_space<vmem>>
      %dma_wait3A_1254 = arith.constant 0 : i32
      %dma_wait3A_1255 = arith.constant 0 : i32
      %dma_wait3A_1256 = tpu.memref_slice %arg3[%dma_wait3A_1254, %dma_wait3A_1255] : memref<151552x1024xf32, #tpu.memory_space<hbm>> -> memref<151552x1024xf32, #tpu.memory_space<hbm>>
      tpu.wait_indirect_dma semaphore(%arg9 : memref<!tpu.dma_semaphore, #tpu.memory_space<semaphore_mem>>) src(%dma_wait3A_1256 : memref<151552x1024xf32, #tpu.memory_space<hbm>>) dst(%dma_wait3A_1251 : memref<8x1024xf32, #tpu.memory_space<vmem>>)
      %dma_wait3A_1257 = arith.constant 0 : i32
      %dma_wait3A_1258 = arith.constant 0 : i32
      %dma_wait3A_1259 = arith.constant 0 : i32
      %dma_wait3A_1260 = arith.constant 0 : i32
      %dma_wait3A_1261 = tpu.memref_slice %arg6[%dma_wait3A_1257, %dma_wait3A_1259, %dma_wait3A_1260] : memref<8x8x1024xf32, #tpu.memory_space<vmem>> -> memref<1x8x1024xf32, #tpu.memory_space<vmem>>
      %dma_wait3A_1262 = tpu.memref_squeeze %dma_wait3A_1261 : memref<1x8x1024xf32, #tpu.memory_space<vmem>> -> memref<8x1024xf32, #tpu.memory_space<vmem>>
      %dma_wait3A_1263 = arith.constant 0 : i32
      %dma_wait3A_1264 = arith.constant 0 : i32
      %dma_wait3A_1265 = tpu.memref_slice %arg7[%arg1, %dma_wait3A_1258, %dma_wait3A_1263, %dma_wait3A_1264] : memref<16x4x8x1024xf32, #tpu.memory_space<vmem_shared>> -> memref<1x1x8x1024xf32, #tpu.memory_space<vmem_shared>>
      %dma_wait3A_1266 = tpu.memref_squeeze %dma_wait3A_1265 : memref<1x1x8x1024xf32, #tpu.memory_space<vmem_shared>> -> memref<8x1024xf32, #tpu.memory_space<vmem_shared>>
      %dma_wait3A_1267 = arith.constant 0 : i32
      %dma_wait3A_1268 = arith.constant 0 : i32
      %dma_wait3A_1269 = tpu.memref_slice %arg7[%arg1, %dma_wait3A_1258, %dma_wait3A_1267, %dma_wait3A_1268] : memref<16x4x8x1024xf32, #tpu.memory_space<vmem_shared>> -> memref<1x1x8x1024xf32, #tpu.memory_space<vmem_shared>>
      %dma_wait3A_1270 = tpu.memref_squeeze %dma_wait3A_1269 : memref<1x1x8x1024xf32, #tpu.memory_space<vmem_shared>> -> memref<8x1024xf32, #tpu.memory_space<vmem_shared>>
      %dma_wait3A_1271 = arith.constant 0 : i32
      %dma_wait3A_1272 = arith.constant 0 : i32
      %dma_wait3A_1273 = tpu.memref_slice %arg6[%dma_wait3A_1257, %dma_wait3A_1271, %dma_wait3A_1272] : memref<8x8x1024xf32, #tpu.memory_space<vmem>> -> memref<1x8x1024xf32, #tpu.memory_space<vmem>>
      %dma_wait3A_1274 = tpu.memref_squeeze %dma_wait3A_1273 : memref<1x8x1024xf32, #tpu.memory_space<vmem>> -> memref<8x1024xf32, #tpu.memory_space<vmem>>
      tpu.wait_dma2 semaphore(%arg16 : memref<!tpu.dma_semaphore, #tpu.memory_space<semaphore_mem>>) src(%dma_wait3A_1274 : memref<8x1024xf32, #tpu.memory_space<vmem>>) dst(%dma_wait3A_1270 : memref<8x1024xf32, #tpu.memory_space<vmem_shared>>)
      %sub3A_1275 = arith.constant 1 : i32
      %sub3A_1276 = arith.subi %add3A_1246, %sub3A_1275 : i32
      %mul3A_1277 = arith.constant 8 : i32
      %mul3A_1278 = arith.muli %sub3A_1276, %mul3A_1277 : i32
      %add3A_1279 = arith.addi %mul3A_2, %mul3A_1278 : i32
      %dma_start3A_1280 = arith.constant 0 : i32
      %dma_start3A_1281 = arith.constant 0 : i32
      %dma_start3A_1282 = tpu.memref_slice %arg4[%add3A_1279, %dma_start3A_1281] : memref<32768x1024xf32, #tpu.memory_space<hbm>> -> memref<8x1024xf32, #tpu.memory_space<hbm>>
      %dma_start3A_1283 = arith.constant 0 : i32
      %dma_start3A_1284 = arith.constant 0 : i32
      %dma_start3A_1285 = tpu.memref_slice %arg7[%arg1, %dma_start3A_1280, %dma_start3A_1283, %dma_start3A_1284] : memref<16x4x8x1024xf32, #tpu.memory_space<vmem_shared>> -> memref<1x1x8x1024xf32, #tpu.memory_space<vmem_shared>>
      %dma_start3A_1286 = tpu.memref_squeeze %dma_start3A_1285 : memref<1x1x8x1024xf32, #tpu.memory_space<vmem_shared>> -> memref<8x1024xf32, #tpu.memory_space<vmem_shared>>
      tpu.enqueue_dma source(%dma_start3A_1286 : memref<8x1024xf32, #tpu.memory_space<vmem_shared>>) target(%dma_start3A_1282 : memref<8x1024xf32, #tpu.memory_space<hbm>>) target_semaphore(%arg20 : memref<!tpu.dma_semaphore, #tpu.memory_space<semaphore_mem>>)
      %dma_wait3A_1287 = arith.constant 1 : i32
      %dma_wait3A_1288 = arith.constant 0 : i32
      %dma_wait3A_1289 = tpu.memref_slice %arg4[%mul3A_2, %dma_wait3A_1288] : memref<32768x1024xf32, #tpu.memory_space<hbm>> -> memref<8x1024xf32, #tpu.memory_space<hbm>>
      %dma_wait3A_1290 = arith.constant 0 : i32
      %dma_wait3A_1291 = arith.constant 0 : i32
      %dma_wait3A_1292 = tpu.memref_slice %arg7[%arg1, %dma_wait3A_1287, %dma_wait3A_1290, %dma_wait3A_1291] : memref<16x4x8x1024xf32, #tpu.memory_space<vmem_shared>> -> memref<1x1x8x1024xf32, #tpu.memory_space<vmem_shared>>
      %dma_wait3A_1293 = tpu.memref_squeeze %dma_wait3A_1292 : memref<1x1x8x1024xf32, #tpu.memory_space<vmem_shared>> -> memref<8x1024xf32, #tpu.memory_space<vmem_shared>>
      tpu.wait_dma2 semaphore(%arg21 : memref<!tpu.dma_semaphore, #tpu.memory_space<semaphore_mem>>) src(%dma_wait3A_1293 : memref<8x1024xf32, #tpu.memory_space<vmem_shared>>) dst(%dma_wait3A_1289 : memref<8x1024xf32, #tpu.memory_space<hbm>>)
      %dma_start3A_1294 = arith.constant 1 : i32
      %dma_start3A_1295 = arith.constant 1 : i32
      %dma_start3A_1296 = arith.constant 0 : i32
      %dma_start3A_1297 = arith.constant 0 : i32
      %dma_start3A_1298 = tpu.memref_slice %arg6[%dma_start3A_1294, %dma_start3A_1296, %dma_start3A_1297] : memref<8x8x1024xf32, #tpu.memory_space<vmem>> -> memref<1x8x1024xf32, #tpu.memory_space<vmem>>
      %dma_start3A_1299 = tpu.memref_squeeze %dma_start3A_1298 : memref<1x8x1024xf32, #tpu.memory_space<vmem>> -> memref<8x1024xf32, #tpu.memory_space<vmem>>
      %dma_start3A_1300 = arith.constant 0 : i32
      %dma_start3A_1301 = arith.constant 0 : i32
      %dma_start3A_1302 = tpu.memref_slice %arg7[%arg1, %dma_start3A_1295, %dma_start3A_1300, %dma_start3A_1301] : memref<16x4x8x1024xf32, #tpu.memory_space<vmem_shared>> -> memref<1x1x8x1024xf32, #tpu.memory_space<vmem_shared>>
      %dma_start3A_1303 = tpu.memref_squeeze %dma_start3A_1302 : memref<1x1x8x1024xf32, #tpu.memory_space<vmem_shared>> -> memref<8x1024xf32, #tpu.memory_space<vmem_shared>>
      %dma_start3A_1304 = arith.constant 0 : i32
      %dma_start3A_1305 = arith.constant 0 : i32
      %dma_start3A_1306 = tpu.memref_slice %arg7[%arg1, %dma_start3A_1295, %dma_start3A_1304, %dma_start3A_1305] : memref<16x4x8x1024xf32, #tpu.memory_space<vmem_shared>> -> memref<1x1x8x1024xf32, #tpu.memory_space<vmem_shared>>
      %dma_start3A_1307 = tpu.memref_squeeze %dma_start3A_1306 : memref<1x1x8x1024xf32, #tpu.memory_space<vmem_shared>> -> memref<8x1024xf32, #tpu.memory_space<vmem_shared>>
      %dma_start3A_1308 = arith.constant 0 : i32
      %dma_start3A_1309 = arith.constant 0 : i32
      %dma_start3A_1310 = tpu.memref_slice %arg6[%dma_start3A_1294, %dma_start3A_1308, %dma_start3A_1309] : memref<8x8x1024xf32, #tpu.memory_space<vmem>> -> memref<1x8x1024xf32, #tpu.memory_space<vmem>>
      %dma_start3A_1311 = tpu.memref_squeeze %dma_start3A_1310 : memref<1x8x1024xf32, #tpu.memory_space<vmem>> -> memref<8x1024xf32, #tpu.memory_space<vmem>>
      tpu.enqueue_dma source(%dma_start3A_1311 : memref<8x1024xf32, #tpu.memory_space<vmem>>) target(%dma_start3A_1307 : memref<8x1024xf32, #tpu.memory_space<vmem_shared>>) target_semaphore(%arg17 : memref<!tpu.dma_semaphore, #tpu.memory_space<semaphore_mem>>)
      %add3A_1312 = arith.constant 4 : i32
      %add3A_1313 = arith.addi %add3A_1246, %add3A_1312 : i32
      %mul3A_1314 = arith.constant 8 : i32
      %mul3A_1315 = arith.muli %add3A_1313, %mul3A_1314 : i32
      %dma_start3A_1316 = arith.constant 5 : i32
      %dma_start3A_1317 = arith.constant 0 : i32
      %dma_start3A_1318 = arith.constant 0 : i32
      %dma_start3A_1319 = tpu.memref_slice %arg6[%dma_start3A_1316, %dma_start3A_1317, %dma_start3A_1318] : memref<8x8x1024xf32, #tpu.memory_space<vmem>> -> memref<1x8x1024xf32, #tpu.memory_space<vmem>>
      %dma_start3A_1320 = tpu.memref_squeeze %dma_start3A_1319 : memref<1x8x1024xf32, #tpu.memory_space<vmem>> -> memref<8x1024xf32, #tpu.memory_space<vmem>>
      %dma_start3A_1321 = tpu.memref_slice %arg5[%mul3A_1315] : memref<1024xi32, #tpu.memory_space<vmem>> -> memref<8xi32, #tpu.memory_space<vmem>>
      %dma_start3A_1322 = arith.constant 0 : i32
      %dma_start3A_1323 = arith.constant 0 : i32
      %dma_start3A_1324 = tpu.memref_slice %arg3[%dma_start3A_1322, %dma_start3A_1323] : memref<151552x1024xf32, #tpu.memory_space<hbm>> -> memref<151552x1024xf32, #tpu.memory_space<hbm>>
      tpu.enqueue_indirect_dma source(%dma_start3A_1324 : memref<151552x1024xf32, #tpu.memory_space<hbm>>) target(%dma_start3A_1320 : memref<8x1024xf32, #tpu.memory_space<vmem>>) offsets(%dma_start3A_1321 : memref<8xi32, #tpu.memory_space<vmem>>) semaphore(%arg13 : memref<!tpu.dma_semaphore, #tpu.memory_space<semaphore_mem>>)
      %mul3A_1325 = arith.constant 8 : i32
      %mul3A_1326 = arith.muli %add3A_1161, %mul3A_1325 : i32
      %add3A_1327 = arith.constant 2 : i32
      %add3A_1328 = arith.addi %mul3A_1326, %add3A_1327 : i32
      %dma_wait3A_1329 = arith.constant 2 : i32
      %dma_wait3A_1330 = arith.constant 0 : i32
      %dma_wait3A_1331 = arith.constant 0 : i32
      %dma_wait3A_1332 = tpu.memref_slice %arg6[%dma_wait3A_1329, %dma_wait3A_1330, %dma_wait3A_1331] : memref<8x8x1024xf32, #tpu.memory_space<vmem>> -> memref<1x8x1024xf32, #tpu.memory_space<vmem>>
      %dma_wait3A_1333 = tpu.memref_squeeze %dma_wait3A_1332 : memref<1x8x1024xf32, #tpu.memory_space<vmem>> -> memref<8x1024xf32, #tpu.memory_space<vmem>>
      %dma_wait3A_1334 = arith.constant 0 : i32
      %dma_wait3A_1335 = tpu.memref_slice %arg5[%dma_wait3A_1334] : memref<1024xi32, #tpu.memory_space<vmem>> -> memref<8xi32, #tpu.memory_space<vmem>>
      %dma_wait3A_1336 = arith.constant 0 : i32
      %dma_wait3A_1337 = arith.constant 0 : i32
      %dma_wait3A_1338 = tpu.memref_slice %arg3[%dma_wait3A_1336, %dma_wait3A_1337] : memref<151552x1024xf32, #tpu.memory_space<hbm>> -> memref<151552x1024xf32, #tpu.memory_space<hbm>>
      tpu.wait_indirect_dma semaphore(%arg10 : memref<!tpu.dma_semaphore, #tpu.memory_space<semaphore_mem>>) src(%dma_wait3A_1338 : memref<151552x1024xf32, #tpu.memory_space<hbm>>) dst(%dma_wait3A_1333 : memref<8x1024xf32, #tpu.memory_space<vmem>>)
      %dma_wait3A_1339 = arith.constant 0 : i32
      %dma_wait3A_1340 = arith.constant 1 : i32
      %dma_wait3A_1341 = arith.constant 0 : i32
      %dma_wait3A_1342 = arith.constant 0 : i32
      %dma_wait3A_1343 = tpu.memref_slice %arg6[%dma_wait3A_1339, %dma_wait3A_1341, %dma_wait3A_1342] : memref<8x8x1024xf32, #tpu.memory_space<vmem>> -> memref<1x8x1024xf32, #tpu.memory_space<vmem>>
      %dma_wait3A_1344 = tpu.memref_squeeze %dma_wait3A_1343 : memref<1x8x1024xf32, #tpu.memory_space<vmem>> -> memref<8x1024xf32, #tpu.memory_space<vmem>>
      %dma_wait3A_1345 = arith.constant 0 : i32
      %dma_wait3A_1346 = arith.constant 0 : i32
      %dma_wait3A_1347 = tpu.memref_slice %arg7[%arg1, %dma_wait3A_1340, %dma_wait3A_1345, %dma_wait3A_1346] : memref<16x4x8x1024xf32, #tpu.memory_space<vmem_shared>> -> memref<1x1x8x1024xf32, #tpu.memory_space<vmem_shared>>
      %dma_wait3A_1348 = tpu.memref_squeeze %dma_wait3A_1347 : memref<1x1x8x1024xf32, #tpu.memory_space<vmem_shared>> -> memref<8x1024xf32, #tpu.memory_space<vmem_shared>>
      %dma_wait3A_1349 = arith.constant 0 : i32
      %dma_wait3A_1350 = arith.constant 0 : i32
      %dma_wait3A_1351 = tpu.memref_slice %arg7[%arg1, %dma_wait3A_1340, %dma_wait3A_1349, %dma_wait3A_1350] : memref<16x4x8x1024xf32, #tpu.memory_space<vmem_shared>> -> memref<1x1x8x1024xf32, #tpu.memory_space<vmem_shared>>
      %dma_wait3A_1352 = tpu.memref_squeeze %dma_wait3A_1351 : memref<1x1x8x1024xf32, #tpu.memory_space<vmem_shared>> -> memref<8x1024xf32, #tpu.memory_space<vmem_shared>>
      %dma_wait3A_1353 = arith.constant 0 : i32
      %dma_wait3A_1354 = arith.constant 0 : i32
      %dma_wait3A_1355 = tpu.memref_slice %arg6[%dma_wait3A_1339, %dma_wait3A_1353, %dma_wait3A_1354] : memref<8x8x1024xf32, #tpu.memory_space<vmem>> -> memref<1x8x1024xf32, #tpu.memory_space<vmem>>
      %dma_wait3A_1356 = tpu.memref_squeeze %dma_wait3A_1355 : memref<1x8x1024xf32, #tpu.memory_space<vmem>> -> memref<8x1024xf32, #tpu.memory_space<vmem>>
      tpu.wait_dma2 semaphore(%arg17 : memref<!tpu.dma_semaphore, #tpu.memory_space<semaphore_mem>>) src(%dma_wait3A_1356 : memref<8x1024xf32, #tpu.memory_space<vmem>>) dst(%dma_wait3A_1352 : memref<8x1024xf32, #tpu.memory_space<vmem_shared>>)
      %sub3A_1357 = arith.constant 1 : i32
      %sub3A_1358 = arith.subi %add3A_1328, %sub3A_1357 : i32
      %mul3A_1359 = arith.constant 8 : i32
      %mul3A_1360 = arith.muli %sub3A_1358, %mul3A_1359 : i32
      %add3A_1361 = arith.addi %mul3A_2, %mul3A_1360 : i32
      %dma_start3A_1362 = arith.constant 1 : i32
      %dma_start3A_1363 = arith.constant 0 : i32
      %dma_start3A_1364 = tpu.memref_slice %arg4[%add3A_1361, %dma_start3A_1363] : memref<32768x1024xf32, #tpu.memory_space<hbm>> -> memref<8x1024xf32, #tpu.memory_space<hbm>>
      %dma_start3A_1365 = arith.constant 0 : i32
      %dma_start3A_1366 = arith.constant 0 : i32
      %dma_start3A_1367 = tpu.memref_slice %arg7[%arg1, %dma_start3A_1362, %dma_start3A_1365, %dma_start3A_1366] : memref<16x4x8x1024xf32, #tpu.memory_space<vmem_shared>> -> memref<1x1x8x1024xf32, #tpu.memory_space<vmem_shared>>
      %dma_start3A_1368 = tpu.memref_squeeze %dma_start3A_1367 : memref<1x1x8x1024xf32, #tpu.memory_space<vmem_shared>> -> memref<8x1024xf32, #tpu.memory_space<vmem_shared>>
      tpu.enqueue_dma source(%dma_start3A_1368 : memref<8x1024xf32, #tpu.memory_space<vmem_shared>>) target(%dma_start3A_1364 : memref<8x1024xf32, #tpu.memory_space<hbm>>) target_semaphore(%arg21 : memref<!tpu.dma_semaphore, #tpu.memory_space<semaphore_mem>>)
      %dma_wait3A_1369 = arith.constant 2 : i32
      %dma_wait3A_1370 = arith.constant 0 : i32
      %dma_wait3A_1371 = tpu.memref_slice %arg4[%mul3A_2, %dma_wait3A_1370] : memref<32768x1024xf32, #tpu.memory_space<hbm>> -> memref<8x1024xf32, #tpu.memory_space<hbm>>
      %dma_wait3A_1372 = arith.constant 0 : i32
      %dma_wait3A_1373 = arith.constant 0 : i32
      %dma_wait3A_1374 = tpu.memref_slice %arg7[%arg1, %dma_wait3A_1369, %dma_wait3A_1372, %dma_wait3A_1373] : memref<16x4x8x1024xf32, #tpu.memory_space<vmem_shared>> -> memref<1x1x8x1024xf32, #tpu.memory_space<vmem_shared>>
      %dma_wait3A_1375 = tpu.memref_squeeze %dma_wait3A_1374 : memref<1x1x8x1024xf32, #tpu.memory_space<vmem_shared>> -> memref<8x1024xf32, #tpu.memory_space<vmem_shared>>
      tpu.wait_dma2 semaphore(%arg22 : memref<!tpu.dma_semaphore, #tpu.memory_space<semaphore_mem>>) src(%dma_wait3A_1375 : memref<8x1024xf32, #tpu.memory_space<vmem_shared>>) dst(%dma_wait3A_1371 : memref<8x1024xf32, #tpu.memory_space<hbm>>)
      %dma_start3A_1376 = arith.constant 2 : i32
      %dma_start3A_1377 = arith.constant 2 : i32
      %dma_start3A_1378 = arith.constant 0 : i32
      %dma_start3A_1379 = arith.constant 0 : i32
      %dma_start3A_1380 = tpu.memref_slice %arg6[%dma_start3A_1376, %dma_start3A_1378, %dma_start3A_1379] : memref<8x8x1024xf32, #tpu.memory_space<vmem>> -> memref<1x8x1024xf32, #tpu.memory_space<vmem>>
      %dma_start3A_1381 = tpu.memref_squeeze %dma_start3A_1380 : memref<1x8x1024xf32, #tpu.memory_space<vmem>> -> memref<8x1024xf32, #tpu.memory_space<vmem>>
      %dma_start3A_1382 = arith.constant 0 : i32
      %dma_start3A_1383 = arith.constant 0 : i32
      %dma_start3A_1384 = tpu.memref_slice %arg7[%arg1, %dma_start3A_1377, %dma_start3A_1382, %dma_start3A_1383] : memref<16x4x8x1024xf32, #tpu.memory_space<vmem_shared>> -> memref<1x1x8x1024xf32, #tpu.memory_space<vmem_shared>>
      %dma_start3A_1385 = tpu.memref_squeeze %dma_start3A_1384 : memref<1x1x8x1024xf32, #tpu.memory_space<vmem_shared>> -> memref<8x1024xf32, #tpu.memory_space<vmem_shared>>
      %dma_start3A_1386 = arith.constant 0 : i32
      %dma_start3A_1387 = arith.constant 0 : i32
      %dma_start3A_1388 = tpu.memref_slice %arg7[%arg1, %dma_start3A_1377, %dma_start3A_1386, %dma_start3A_1387] : memref<16x4x8x1024xf32, #tpu.memory_space<vmem_shared>> -> memref<1x1x8x1024xf32, #tpu.memory_space<vmem_shared>>
      %dma_start3A_1389 = tpu.memref_squeeze %dma_start3A_1388 : memref<1x1x8x1024xf32, #tpu.memory_space<vmem_shared>> -> memref<8x1024xf32, #tpu.memory_space<vmem_shared>>
      %dma_start3A_1390 = arith.constant 0 : i32
      %dma_start3A_1391 = arith.constant 0 : i32
      %dma_start3A_1392 = tpu.memref_slice %arg6[%dma_start3A_1376, %dma_start3A_1390, %dma_start3A_1391] : memref<8x8x1024xf32, #tpu.memory_space<vmem>> -> memref<1x8x1024xf32, #tpu.memory_space<vmem>>
      %dma_start3A_1393 = tpu.memref_squeeze %dma_start3A_1392 : memref<1x8x1024xf32, #tpu.memory_space<vmem>> -> memref<8x1024xf32, #tpu.memory_space<vmem>>
      tpu.enqueue_dma source(%dma_start3A_1393 : memref<8x1024xf32, #tpu.memory_space<vmem>>) target(%dma_start3A_1389 : memref<8x1024xf32, #tpu.memory_space<vmem_shared>>) target_semaphore(%arg18 : memref<!tpu.dma_semaphore, #tpu.memory_space<semaphore_mem>>)
      %add3A_1394 = arith.constant 4 : i32
      %add3A_1395 = arith.addi %add3A_1328, %add3A_1394 : i32
      %mul3A_1396 = arith.constant 8 : i32
      %mul3A_1397 = arith.muli %add3A_1395, %mul3A_1396 : i32
      %dma_start3A_1398 = arith.constant 6 : i32
      %dma_start3A_1399 = arith.constant 0 : i32
      %dma_start3A_1400 = arith.constant 0 : i32
      %dma_start3A_1401 = tpu.memref_slice %arg6[%dma_start3A_1398, %dma_start3A_1399, %dma_start3A_1400] : memref<8x8x1024xf32, #tpu.memory_space<vmem>> -> memref<1x8x1024xf32, #tpu.memory_space<vmem>>
      %dma_start3A_1402 = tpu.memref_squeeze %dma_start3A_1401 : memref<1x8x1024xf32, #tpu.memory_space<vmem>> -> memref<8x1024xf32, #tpu.memory_space<vmem>>
      %dma_start3A_1403 = tpu.memref_slice %arg5[%mul3A_1397] : memref<1024xi32, #tpu.memory_space<vmem>> -> memref<8xi32, #tpu.memory_space<vmem>>
      %dma_start3A_1404 = arith.constant 0 : i32
      %dma_start3A_1405 = arith.constant 0 : i32
      %dma_start3A_1406 = tpu.memref_slice %arg3[%dma_start3A_1404, %dma_start3A_1405] : memref<151552x1024xf32, #tpu.memory_space<hbm>> -> memref<151552x1024xf32, #tpu.memory_space<hbm>>
      tpu.enqueue_indirect_dma source(%dma_start3A_1406 : memref<151552x1024xf32, #tpu.memory_space<hbm>>) target(%dma_start3A_1402 : memref<8x1024xf32, #tpu.memory_space<vmem>>) offsets(%dma_start3A_1403 : memref<8xi32, #tpu.memory_space<vmem>>) semaphore(%arg14 : memref<!tpu.dma_semaphore, #tpu.memory_space<semaphore_mem>>)
      %mul3A_1407 = arith.constant 8 : i32
      %mul3A_1408 = arith.muli %add3A_1161, %mul3A_1407 : i32
      %add3A_1409 = arith.constant 3 : i32
      %add3A_1410 = arith.addi %mul3A_1408, %add3A_1409 : i32
      %dma_wait3A_1411 = arith.constant 3 : i32
      %dma_wait3A_1412 = arith.constant 0 : i32
      %dma_wait3A_1413 = arith.constant 0 : i32
      %dma_wait3A_1414 = tpu.memref_slice %arg6[%dma_wait3A_1411, %dma_wait3A_1412, %dma_wait3A_1413] : memref<8x8x1024xf32, #tpu.memory_space<vmem>> -> memref<1x8x1024xf32, #tpu.memory_space<vmem>>
      %dma_wait3A_1415 = tpu.memref_squeeze %dma_wait3A_1414 : memref<1x8x1024xf32, #tpu.memory_space<vmem>> -> memref<8x1024xf32, #tpu.memory_space<vmem>>
      %dma_wait3A_1416 = arith.constant 0 : i32
      %dma_wait3A_1417 = tpu.memref_slice %arg5[%dma_wait3A_1416] : memref<1024xi32, #tpu.memory_space<vmem>> -> memref<8xi32, #tpu.memory_space<vmem>>
      %dma_wait3A_1418 = arith.constant 0 : i32
      %dma_wait3A_1419 = arith.constant 0 : i32
      %dma_wait3A_1420 = tpu.memref_slice %arg3[%dma_wait3A_1418, %dma_wait3A_1419] : memref<151552x1024xf32, #tpu.memory_space<hbm>> -> memref<151552x1024xf32, #tpu.memory_space<hbm>>
      tpu.wait_indirect_dma semaphore(%arg11 : memref<!tpu.dma_semaphore, #tpu.memory_space<semaphore_mem>>) src(%dma_wait3A_1420 : memref<151552x1024xf32, #tpu.memory_space<hbm>>) dst(%dma_wait3A_1415 : memref<8x1024xf32, #tpu.memory_space<vmem>>)
      %dma_wait3A_1421 = arith.constant 0 : i32
      %dma_wait3A_1422 = arith.constant 2 : i32
      %dma_wait3A_1423 = arith.constant 0 : i32
      %dma_wait3A_1424 = arith.constant 0 : i32
      %dma_wait3A_1425 = tpu.memref_slice %arg6[%dma_wait3A_1421, %dma_wait3A_1423, %dma_wait3A_1424] : memref<8x8x1024xf32, #tpu.memory_space<vmem>> -> memref<1x8x1024xf32, #tpu.memory_space<vmem>>
      %dma_wait3A_1426 = tpu.memref_squeeze %dma_wait3A_1425 : memref<1x8x1024xf32, #tpu.memory_space<vmem>> -> memref<8x1024xf32, #tpu.memory_space<vmem>>
      %dma_wait3A_1427 = arith.constant 0 : i32
      %dma_wait3A_1428 = arith.constant 0 : i32
      %dma_wait3A_1429 = tpu.memref_slice %arg7[%arg1, %dma_wait3A_1422, %dma_wait3A_1427, %dma_wait3A_1428] : memref<16x4x8x1024xf32, #tpu.memory_space<vmem_shared>> -> memref<1x1x8x1024xf32, #tpu.memory_space<vmem_shared>>
      %dma_wait3A_1430 = tpu.memref_squeeze %dma_wait3A_1429 : memref<1x1x8x1024xf32, #tpu.memory_space<vmem_shared>> -> memref<8x1024xf32, #tpu.memory_space<vmem_shared>>
      %dma_wait3A_1431 = arith.constant 0 : i32
      %dma_wait3A_1432 = arith.constant 0 : i32
      %dma_wait3A_1433 = tpu.memref_slice %arg7[%arg1, %dma_wait3A_1422, %dma_wait3A_1431, %dma_wait3A_1432] : memref<16x4x8x1024xf32, #tpu.memory_space<vmem_shared>> -> memref<1x1x8x1024xf32, #tpu.memory_space<vmem_shared>>
      %dma_wait3A_1434 = tpu.memref_squeeze %dma_wait3A_1433 : memref<1x1x8x1024xf32, #tpu.memory_space<vmem_shared>> -> memref<8x1024xf32, #tpu.memory_space<vmem_shared>>
      %dma_wait3A_1435 = arith.constant 0 : i32
      %dma_wait3A_1436 = arith.constant 0 : i32
      %dma_wait3A_1437 = tpu.memref_slice %arg6[%dma_wait3A_1421, %dma_wait3A_1435, %dma_wait3A_1436] : memref<8x8x1024xf32, #tpu.memory_space<vmem>> -> memref<1x8x1024xf32, #tpu.memory_space<vmem>>
      %dma_wait3A_1438 = tpu.memref_squeeze %dma_wait3A_1437 : memref<1x8x1024xf32, #tpu.memory_space<vmem>> -> memref<8x1024xf32, #tpu.memory_space<vmem>>
      tpu.wait_dma2 semaphore(%arg18 : memref<!tpu.dma_semaphore, #tpu.memory_space<semaphore_mem>>) src(%dma_wait3A_1438 : memref<8x1024xf32, #tpu.memory_space<vmem>>) dst(%dma_wait3A_1434 : memref<8x1024xf32, #tpu.memory_space<vmem_shared>>)
      %sub3A_1439 = arith.constant 1 : i32
      %sub3A_1440 = arith.subi %add3A_1410, %sub3A_1439 : i32
      %mul3A_1441 = arith.constant 8 : i32
      %mul3A_1442 = arith.muli %sub3A_1440, %mul3A_1441 : i32
      %add3A_1443 = arith.addi %mul3A_2, %mul3A_1442 : i32
      %dma_start3A_1444 = arith.constant 2 : i32
      %dma_start3A_1445 = arith.constant 0 : i32
      %dma_start3A_1446 = tpu.memref_slice %arg4[%add3A_1443, %dma_start3A_1445] : memref<32768x1024xf32, #tpu.memory_space<hbm>> -> memref<8x1024xf32, #tpu.memory_space<hbm>>
      %dma_start3A_1447 = arith.constant 0 : i32
      %dma_start3A_1448 = arith.constant 0 : i32
      %dma_start3A_1449 = tpu.memref_slice %arg7[%arg1, %dma_start3A_1444, %dma_start3A_1447, %dma_start3A_1448] : memref<16x4x8x1024xf32, #tpu.memory_space<vmem_shared>> -> memref<1x1x8x1024xf32, #tpu.memory_space<vmem_shared>>
      %dma_start3A_1450 = tpu.memref_squeeze %dma_start3A_1449 : memref<1x1x8x1024xf32, #tpu.memory_space<vmem_shared>> -> memref<8x1024xf32, #tpu.memory_space<vmem_shared>>
      tpu.enqueue_dma source(%dma_start3A_1450 : memref<8x1024xf32, #tpu.memory_space<vmem_shared>>) target(%dma_start3A_1446 : memref<8x1024xf32, #tpu.memory_space<hbm>>) target_semaphore(%arg22 : memref<!tpu.dma_semaphore, #tpu.memory_space<semaphore_mem>>)
      %dma_wait3A_1451 = arith.constant 3 : i32
      %dma_wait3A_1452 = arith.constant 0 : i32
      %dma_wait3A_1453 = tpu.memref_slice %arg4[%mul3A_2, %dma_wait3A_1452] : memref<32768x1024xf32, #tpu.memory_space<hbm>> -> memref<8x1024xf32, #tpu.memory_space<hbm>>
      %dma_wait3A_1454 = arith.constant 0 : i32
      %dma_wait3A_1455 = arith.constant 0 : i32
      %dma_wait3A_1456 = tpu.memref_slice %arg7[%arg1, %dma_wait3A_1451, %dma_wait3A_1454, %dma_wait3A_1455] : memref<16x4x8x1024xf32, #tpu.memory_space<vmem_shared>> -> memref<1x1x8x1024xf32, #tpu.memory_space<vmem_shared>>
      %dma_wait3A_1457 = tpu.memref_squeeze %dma_wait3A_1456 : memref<1x1x8x1024xf32, #tpu.memory_space<vmem_shared>> -> memref<8x1024xf32, #tpu.memory_space<vmem_shared>>
      tpu.wait_dma2 semaphore(%arg23 : memref<!tpu.dma_semaphore, #tpu.memory_space<semaphore_mem>>) src(%dma_wait3A_1457 : memref<8x1024xf32, #tpu.memory_space<vmem_shared>>) dst(%dma_wait3A_1453 : memref<8x1024xf32, #tpu.memory_space<hbm>>)
      %dma_start3A_1458 = arith.constant 3 : i32
      %dma_start3A_1459 = arith.constant 3 : i32
      %dma_start3A_1460 = arith.constant 0 : i32
      %dma_start3A_1461 = arith.constant 0 : i32
      %dma_start3A_1462 = tpu.memref_slice %arg6[%dma_start3A_1458, %dma_start3A_1460, %dma_start3A_1461] : memref<8x8x1024xf32, #tpu.memory_space<vmem>> -> memref<1x8x1024xf32, #tpu.memory_space<vmem>>
      %dma_start3A_1463 = tpu.memref_squeeze %dma_start3A_1462 : memref<1x8x1024xf32, #tpu.memory_space<vmem>> -> memref<8x1024xf32, #tpu.memory_space<vmem>>
      %dma_start3A_1464 = arith.constant 0 : i32
      %dma_start3A_1465 = arith.constant 0 : i32
      %dma_start3A_1466 = tpu.memref_slice %arg7[%arg1, %dma_start3A_1459, %dma_start3A_1464, %dma_start3A_1465] : memref<16x4x8x1024xf32, #tpu.memory_space<vmem_shared>> -> memref<1x1x8x1024xf32, #tpu.memory_space<vmem_shared>>
      %dma_start3A_1467 = tpu.memref_squeeze %dma_start3A_1466 : memref<1x1x8x1024xf32, #tpu.memory_space<vmem_shared>> -> memref<8x1024xf32, #tpu.memory_space<vmem_shared>>
      %dma_start3A_1468 = arith.constant 0 : i32
      %dma_start3A_1469 = arith.constant 0 : i32
      %dma_start3A_1470 = tpu.memref_slice %arg7[%arg1, %dma_start3A_1459, %dma_start3A_1468, %dma_start3A_1469] : memref<16x4x8x1024xf32, #tpu.memory_space<vmem_shared>> -> memref<1x1x8x1024xf32, #tpu.memory_space<vmem_shared>>
      %dma_start3A_1471 = tpu.memref_squeeze %dma_start3A_1470 : memref<1x1x8x1024xf32, #tpu.memory_space<vmem_shared>> -> memref<8x1024xf32, #tpu.memory_space<vmem_shared>>
      %dma_start3A_1472 = arith.constant 0 : i32
      %dma_start3A_1473 = arith.constant 0 : i32
      %dma_start3A_1474 = tpu.memref_slice %arg6[%dma_start3A_1458, %dma_start3A_1472, %dma_start3A_1473] : memref<8x8x1024xf32, #tpu.memory_space<vmem>> -> memref<1x8x1024xf32, #tpu.memory_space<vmem>>
      %dma_start3A_1475 = tpu.memref_squeeze %dma_start3A_1474 : memref<1x8x1024xf32, #tpu.memory_space<vmem>> -> memref<8x1024xf32, #tpu.memory_space<vmem>>
      tpu.enqueue_dma source(%dma_start3A_1475 : memref<8x1024xf32, #tpu.memory_space<vmem>>) target(%dma_start3A_1471 : memref<8x1024xf32, #tpu.memory_space<vmem_shared>>) target_semaphore(%arg19 : memref<!tpu.dma_semaphore, #tpu.memory_space<semaphore_mem>>)
      %add3A_1476 = arith.constant 4 : i32
      %add3A_1477 = arith.addi %add3A_1410, %add3A_1476 : i32
      %mul3A_1478 = arith.constant 8 : i32
      %mul3A_1479 = arith.muli %add3A_1477, %mul3A_1478 : i32
      %dma_start3A_1480 = arith.constant 7 : i32
      %dma_start3A_1481 = arith.constant 0 : i32
      %dma_start3A_1482 = arith.constant 0 : i32
      %dma_start3A_1483 = tpu.memref_slice %arg6[%dma_start3A_1480, %dma_start3A_1481, %dma_start3A_1482] : memref<8x8x1024xf32, #tpu.memory_space<vmem>> -> memref<1x8x1024xf32, #tpu.memory_space<vmem>>
      %dma_start3A_1484 = tpu.memref_squeeze %dma_start3A_1483 : memref<1x8x1024xf32, #tpu.memory_space<vmem>> -> memref<8x1024xf32, #tpu.memory_space<vmem>>
      %dma_start3A_1485 = tpu.memref_slice %arg5[%mul3A_1479] : memref<1024xi32, #tpu.memory_space<vmem>> -> memref<8xi32, #tpu.memory_space<vmem>>
      %dma_start3A_1486 = arith.constant 0 : i32
      %dma_start3A_1487 = arith.constant 0 : i32
      %dma_start3A_1488 = tpu.memref_slice %arg3[%dma_start3A_1486, %dma_start3A_1487] : memref<151552x1024xf32, #tpu.memory_space<hbm>> -> memref<151552x1024xf32, #tpu.memory_space<hbm>>
      tpu.enqueue_indirect_dma source(%dma_start3A_1488 : memref<151552x1024xf32, #tpu.memory_space<hbm>>) target(%dma_start3A_1484 : memref<8x1024xf32, #tpu.memory_space<vmem>>) offsets(%dma_start3A_1485 : memref<8xi32, #tpu.memory_space<vmem>>) semaphore(%arg15 : memref<!tpu.dma_semaphore, #tpu.memory_space<semaphore_mem>>)
      %mul3A_1489 = arith.constant 8 : i32
      %mul3A_1490 = arith.muli %add3A_1161, %mul3A_1489 : i32
      %add3A_1491 = arith.constant 4 : i32
      %add3A_1492 = arith.addi %mul3A_1490, %add3A_1491 : i32
      %dma_wait3A_1493 = arith.constant 4 : i32
      %dma_wait3A_1494 = arith.constant 0 : i32
      %dma_wait3A_1495 = arith.constant 0 : i32
      %dma_wait3A_1496 = tpu.memref_slice %arg6[%dma_wait3A_1493, %dma_wait3A_1494, %dma_wait3A_1495] : memref<8x8x1024xf32, #tpu.memory_space<vmem>> -> memref<1x8x1024xf32, #tpu.memory_space<vmem>>
      %dma_wait3A_1497 = tpu.memref_squeeze %dma_wait3A_1496 : memref<1x8x1024xf32, #tpu.memory_space<vmem>> -> memref<8x1024xf32, #tpu.memory_space<vmem>>
      %dma_wait3A_1498 = arith.constant 0 : i32
      %dma_wait3A_1499 = tpu.memref_slice %arg5[%dma_wait3A_1498] : memref<1024xi32, #tpu.memory_space<vmem>> -> memref<8xi32, #tpu.memory_space<vmem>>
      %dma_wait3A_1500 = arith.constant 0 : i32
      %dma_wait3A_1501 = arith.constant 0 : i32
      %dma_wait3A_1502 = tpu.memref_slice %arg3[%dma_wait3A_1500, %dma_wait3A_1501] : memref<151552x1024xf32, #tpu.memory_space<hbm>> -> memref<151552x1024xf32, #tpu.memory_space<hbm>>
      tpu.wait_indirect_dma semaphore(%arg12 : memref<!tpu.dma_semaphore, #tpu.memory_space<semaphore_mem>>) src(%dma_wait3A_1502 : memref<151552x1024xf32, #tpu.memory_space<hbm>>) dst(%dma_wait3A_1497 : memref<8x1024xf32, #tpu.memory_space<vmem>>)
      %dma_wait3A_1503 = arith.constant 0 : i32
      %dma_wait3A_1504 = arith.constant 3 : i32
      %dma_wait3A_1505 = arith.constant 0 : i32
      %dma_wait3A_1506 = arith.constant 0 : i32
      %dma_wait3A_1507 = tpu.memref_slice %arg6[%dma_wait3A_1503, %dma_wait3A_1505, %dma_wait3A_1506] : memref<8x8x1024xf32, #tpu.memory_space<vmem>> -> memref<1x8x1024xf32, #tpu.memory_space<vmem>>
      %dma_wait3A_1508 = tpu.memref_squeeze %dma_wait3A_1507 : memref<1x8x1024xf32, #tpu.memory_space<vmem>> -> memref<8x1024xf32, #tpu.memory_space<vmem>>
      %dma_wait3A_1509 = arith.constant 0 : i32
      %dma_wait3A_1510 = arith.constant 0 : i32
      %dma_wait3A_1511 = tpu.memref_slice %arg7[%arg1, %dma_wait3A_1504, %dma_wait3A_1509, %dma_wait3A_1510] : memref<16x4x8x1024xf32, #tpu.memory_space<vmem_shared>> -> memref<1x1x8x1024xf32, #tpu.memory_space<vmem_shared>>
      %dma_wait3A_1512 = tpu.memref_squeeze %dma_wait3A_1511 : memref<1x1x8x1024xf32, #tpu.memory_space<vmem_shared>> -> memref<8x1024xf32, #tpu.memory_space<vmem_shared>>
      %dma_wait3A_1513 = arith.constant 0 : i32
      %dma_wait3A_1514 = arith.constant 0 : i32
      %dma_wait3A_1515 = tpu.memref_slice %arg7[%arg1, %dma_wait3A_1504, %dma_wait3A_1513, %dma_wait3A_1514] : memref<16x4x8x1024xf32, #tpu.memory_space<vmem_shared>> -> memref<1x1x8x1024xf32, #tpu.memory_space<vmem_shared>>
      %dma_wait3A_1516 = tpu.memref_squeeze %dma_wait3A_1515 : memref<1x1x8x1024xf32, #tpu.memory_space<vmem_shared>> -> memref<8x1024xf32, #tpu.memory_space<vmem_shared>>
      %dma_wait3A_1517 = arith.constant 0 : i32
      %dma_wait3A_1518 = arith.constant 0 : i32
      %dma_wait3A_1519 = tpu.memref_slice %arg6[%dma_wait3A_1503, %dma_wait3A_1517, %dma_wait3A_1518] : memref<8x8x1024xf32, #tpu.memory_space<vmem>> -> memref<1x8x1024xf32, #tpu.memory_space<vmem>>
      %dma_wait3A_1520 = tpu.memref_squeeze %dma_wait3A_1519 : memref<1x8x1024xf32, #tpu.memory_space<vmem>> -> memref<8x1024xf32, #tpu.memory_space<vmem>>
      tpu.wait_dma2 semaphore(%arg19 : memref<!tpu.dma_semaphore, #tpu.memory_space<semaphore_mem>>) src(%dma_wait3A_1520 : memref<8x1024xf32, #tpu.memory_space<vmem>>) dst(%dma_wait3A_1516 : memref<8x1024xf32, #tpu.memory_space<vmem_shared>>)
      %sub3A_1521 = arith.constant 1 : i32
      %sub3A_1522 = arith.subi %add3A_1492, %sub3A_1521 : i32
      %mul3A_1523 = arith.constant 8 : i32
      %mul3A_1524 = arith.muli %sub3A_1522, %mul3A_1523 : i32
      %add3A_1525 = arith.addi %mul3A_2, %mul3A_1524 : i32
      %dma_start3A_1526 = arith.constant 3 : i32
      %dma_start3A_1527 = arith.constant 0 : i32
      %dma_start3A_1528 = tpu.memref_slice %arg4[%add3A_1525, %dma_start3A_1527] : memref<32768x1024xf32, #tpu.memory_space<hbm>> -> memref<8x1024xf32, #tpu.memory_space<hbm>>
      %dma_start3A_1529 = arith.constant 0 : i32
      %dma_start3A_1530 = arith.constant 0 : i32
      %dma_start3A_1531 = tpu.memref_slice %arg7[%arg1, %dma_start3A_1526, %dma_start3A_1529, %dma_start3A_1530] : memref<16x4x8x1024xf32, #tpu.memory_space<vmem_shared>> -> memref<1x1x8x1024xf32, #tpu.memory_space<vmem_shared>>
      %dma_start3A_1532 = tpu.memref_squeeze %dma_start3A_1531 : memref<1x1x8x1024xf32, #tpu.memory_space<vmem_shared>> -> memref<8x1024xf32, #tpu.memory_space<vmem_shared>>
      tpu.enqueue_dma source(%dma_start3A_1532 : memref<8x1024xf32, #tpu.memory_space<vmem_shared>>) target(%dma_start3A_1528 : memref<8x1024xf32, #tpu.memory_space<hbm>>) target_semaphore(%arg23 : memref<!tpu.dma_semaphore, #tpu.memory_space<semaphore_mem>>)
      %dma_wait3A_1533 = arith.constant 0 : i32
      %dma_wait3A_1534 = arith.constant 0 : i32
      %dma_wait3A_1535 = tpu.memref_slice %arg4[%mul3A_2, %dma_wait3A_1534] : memref<32768x1024xf32, #tpu.memory_space<hbm>> -> memref<8x1024xf32, #tpu.memory_space<hbm>>
      %dma_wait3A_1536 = arith.constant 0 : i32
      %dma_wait3A_1537 = arith.constant 0 : i32
      %dma_wait3A_1538 = tpu.memref_slice %arg7[%arg1, %dma_wait3A_1533, %dma_wait3A_1536, %dma_wait3A_1537] : memref<16x4x8x1024xf32, #tpu.memory_space<vmem_shared>> -> memref<1x1x8x1024xf32, #tpu.memory_space<vmem_shared>>
      %dma_wait3A_1539 = tpu.memref_squeeze %dma_wait3A_1538 : memref<1x1x8x1024xf32, #tpu.memory_space<vmem_shared>> -> memref<8x1024xf32, #tpu.memory_space<vmem_shared>>
      tpu.wait_dma2 semaphore(%arg20 : memref<!tpu.dma_semaphore, #tpu.memory_space<semaphore_mem>>) src(%dma_wait3A_1539 : memref<8x1024xf32, #tpu.memory_space<vmem_shared>>) dst(%dma_wait3A_1535 : memref<8x1024xf32, #tpu.memory_space<hbm>>)
      %dma_start3A_1540 = arith.constant 4 : i32
      %dma_start3A_1541 = arith.constant 0 : i32
      %dma_start3A_1542 = arith.constant 0 : i32
      %dma_start3A_1543 = arith.constant 0 : i32
      %dma_start3A_1544 = tpu.memref_slice %arg6[%dma_start3A_1540, %dma_start3A_1542, %dma_start3A_1543] : memref<8x8x1024xf32, #tpu.memory_space<vmem>> -> memref<1x8x1024xf32, #tpu.memory_space<vmem>>
      %dma_start3A_1545 = tpu.memref_squeeze %dma_start3A_1544 : memref<1x8x1024xf32, #tpu.memory_space<vmem>> -> memref<8x1024xf32, #tpu.memory_space<vmem>>
      %dma_start3A_1546 = arith.constant 0 : i32
      %dma_start3A_1547 = arith.constant 0 : i32
      %dma_start3A_1548 = tpu.memref_slice %arg7[%arg1, %dma_start3A_1541, %dma_start3A_1546, %dma_start3A_1547] : memref<16x4x8x1024xf32, #tpu.memory_space<vmem_shared>> -> memref<1x1x8x1024xf32, #tpu.memory_space<vmem_shared>>
      %dma_start3A_1549 = tpu.memref_squeeze %dma_start3A_1548 : memref<1x1x8x1024xf32, #tpu.memory_space<vmem_shared>> -> memref<8x1024xf32, #tpu.memory_space<vmem_shared>>
      %dma_start3A_1550 = arith.constant 0 : i32
      %dma_start3A_1551 = arith.constant 0 : i32
      %dma_start3A_1552 = tpu.memref_slice %arg7[%arg1, %dma_start3A_1541, %dma_start3A_1550, %dma_start3A_1551] : memref<16x4x8x1024xf32, #tpu.memory_space<vmem_shared>> -> memref<1x1x8x1024xf32, #tpu.memory_space<vmem_shared>>
      %dma_start3A_1553 = tpu.memref_squeeze %dma_start3A_1552 : memref<1x1x8x1024xf32, #tpu.memory_space<vmem_shared>> -> memref<8x1024xf32, #tpu.memory_space<vmem_shared>>
      %dma_start3A_1554 = arith.constant 0 : i32
      %dma_start3A_1555 = arith.constant 0 : i32
      %dma_start3A_1556 = tpu.memref_slice %arg6[%dma_start3A_1540, %dma_start3A_1554, %dma_start3A_1555] : memref<8x8x1024xf32, #tpu.memory_space<vmem>> -> memref<1x8x1024xf32, #tpu.memory_space<vmem>>
      %dma_start3A_1557 = tpu.memref_squeeze %dma_start3A_1556 : memref<1x8x1024xf32, #tpu.memory_space<vmem>> -> memref<8x1024xf32, #tpu.memory_space<vmem>>
      tpu.enqueue_dma source(%dma_start3A_1557 : memref<8x1024xf32, #tpu.memory_space<vmem>>) target(%dma_start3A_1553 : memref<8x1024xf32, #tpu.memory_space<vmem_shared>>) target_semaphore(%arg16 : memref<!tpu.dma_semaphore, #tpu.memory_space<semaphore_mem>>)
      %add3A_1558 = arith.constant 4 : i32
      %add3A_1559 = arith.addi %add3A_1492, %add3A_1558 : i32
      %mul3A_1560 = arith.constant 8 : i32
      %mul3A_1561 = arith.muli %add3A_1559, %mul3A_1560 : i32
      %dma_start3A_1562 = arith.constant 0 : i32
      %dma_start3A_1563 = arith.constant 0 : i32
      %dma_start3A_1564 = arith.constant 0 : i32
      %dma_start3A_1565 = tpu.memref_slice %arg6[%dma_start3A_1562, %dma_start3A_1563, %dma_start3A_1564] : memref<8x8x1024xf32, #tpu.memory_space<vmem>> -> memref<1x8x1024xf32, #tpu.memory_space<vmem>>
      %dma_start3A_1566 = tpu.memref_squeeze %dma_start3A_1565 : memref<1x8x1024xf32, #tpu.memory_space<vmem>> -> memref<8x1024xf32, #tpu.memory_space<vmem>>
      %dma_start3A_1567 = tpu.memref_slice %arg5[%mul3A_1561] : memref<1024xi32, #tpu.memory_space<vmem>> -> memref<8xi32, #tpu.memory_space<vmem>>
      %dma_start3A_1568 = arith.constant 0 : i32
      %dma_start3A_1569 = arith.constant 0 : i32
      %dma_start3A_1570 = tpu.memref_slice %arg3[%dma_start3A_1568, %dma_start3A_1569] : memref<151552x1024xf32, #tpu.memory_space<hbm>> -> memref<151552x1024xf32, #tpu.memory_space<hbm>>
      tpu.enqueue_indirect_dma source(%dma_start3A_1570 : memref<151552x1024xf32, #tpu.memory_space<hbm>>) target(%dma_start3A_1566 : memref<8x1024xf32, #tpu.memory_space<vmem>>) offsets(%dma_start3A_1567 : memref<8xi32, #tpu.memory_space<vmem>>) semaphore(%arg8 : memref<!tpu.dma_semaphore, #tpu.memory_space<semaphore_mem>>)
      %mul3A_1571 = arith.constant 8 : i32
      %mul3A_1572 = arith.muli %add3A_1161, %mul3A_1571 : i32
      %add3A_1573 = arith.constant 5 : i32
      %add3A_1574 = arith.addi %mul3A_1572, %add3A_1573 : i32
      %dma_wait3A_1575 = arith.constant 5 : i32
      %dma_wait3A_1576 = arith.constant 0 : i32
      %dma_wait3A_1577 = arith.constant 0 : i32
      %dma_wait3A_1578 = tpu.memref_slice %arg6[%dma_wait3A_1575, %dma_wait3A_1576, %dma_wait3A_1577] : memref<8x8x1024xf32, #tpu.memory_space<vmem>> -> memref<1x8x1024xf32, #tpu.memory_space<vmem>>
      %dma_wait3A_1579 = tpu.memref_squeeze %dma_wait3A_1578 : memref<1x8x1024xf32, #tpu.memory_space<vmem>> -> memref<8x1024xf32, #tpu.memory_space<vmem>>
      %dma_wait3A_1580 = arith.constant 0 : i32
      %dma_wait3A_1581 = tpu.memref_slice %arg5[%dma_wait3A_1580] : memref<1024xi32, #tpu.memory_space<vmem>> -> memref<8xi32, #tpu.memory_space<vmem>>
      %dma_wait3A_1582 = arith.constant 0 : i32
      %dma_wait3A_1583 = arith.constant 0 : i32
      %dma_wait3A_1584 = tpu.memref_slice %arg3[%dma_wait3A_1582, %dma_wait3A_1583] : memref<151552x1024xf32, #tpu.memory_space<hbm>> -> memref<151552x1024xf32, #tpu.memory_space<hbm>>
      tpu.wait_indirect_dma semaphore(%arg13 : memref<!tpu.dma_semaphore, #tpu.memory_space<semaphore_mem>>) src(%dma_wait3A_1584 : memref<151552x1024xf32, #tpu.memory_space<hbm>>) dst(%dma_wait3A_1579 : memref<8x1024xf32, #tpu.memory_space<vmem>>)
      %dma_wait3A_1585 = arith.constant 0 : i32
      %dma_wait3A_1586 = arith.constant 0 : i32
      %dma_wait3A_1587 = arith.constant 0 : i32
      %dma_wait3A_1588 = arith.constant 0 : i32
      %dma_wait3A_1589 = tpu.memref_slice %arg6[%dma_wait3A_1585, %dma_wait3A_1587, %dma_wait3A_1588] : memref<8x8x1024xf32, #tpu.memory_space<vmem>> -> memref<1x8x1024xf32, #tpu.memory_space<vmem>>
      %dma_wait3A_1590 = tpu.memref_squeeze %dma_wait3A_1589 : memref<1x8x1024xf32, #tpu.memory_space<vmem>> -> memref<8x1024xf32, #tpu.memory_space<vmem>>
      %dma_wait3A_1591 = arith.constant 0 : i32
      %dma_wait3A_1592 = arith.constant 0 : i32
      %dma_wait3A_1593 = tpu.memref_slice %arg7[%arg1, %dma_wait3A_1586, %dma_wait3A_1591, %dma_wait3A_1592] : memref<16x4x8x1024xf32, #tpu.memory_space<vmem_shared>> -> memref<1x1x8x1024xf32, #tpu.memory_space<vmem_shared>>
      %dma_wait3A_1594 = tpu.memref_squeeze %dma_wait3A_1593 : memref<1x1x8x1024xf32, #tpu.memory_space<vmem_shared>> -> memref<8x1024xf32, #tpu.memory_space<vmem_shared>>
      %dma_wait3A_1595 = arith.constant 0 : i32
      %dma_wait3A_1596 = arith.constant 0 : i32
      %dma_wait3A_1597 = tpu.memref_slice %arg7[%arg1, %dma_wait3A_1586, %dma_wait3A_1595, %dma_wait3A_1596] : memref<16x4x8x1024xf32, #tpu.memory_space<vmem_shared>> -> memref<1x1x8x1024xf32, #tpu.memory_space<vmem_shared>>
      %dma_wait3A_1598 = tpu.memref_squeeze %dma_wait3A_1597 : memref<1x1x8x1024xf32, #tpu.memory_space<vmem_shared>> -> memref<8x1024xf32, #tpu.memory_space<vmem_shared>>
      %dma_wait3A_1599 = arith.constant 0 : i32
      %dma_wait3A_1600 = arith.constant 0 : i32
      %dma_wait3A_1601 = tpu.memref_slice %arg6[%dma_wait3A_1585, %dma_wait3A_1599, %dma_wait3A_1600] : memref<8x8x1024xf32, #tpu.memory_space<vmem>> -> memref<1x8x1024xf32, #tpu.memory_space<vmem>>
      %dma_wait3A_1602 = tpu.memref_squeeze %dma_wait3A_1601 : memref<1x8x1024xf32, #tpu.memory_space<vmem>> -> memref<8x1024xf32, #tpu.memory_space<vmem>>
      tpu.wait_dma2 semaphore(%arg16 : memref<!tpu.dma_semaphore, #tpu.memory_space<semaphore_mem>>) src(%dma_wait3A_1602 : memref<8x1024xf32, #tpu.memory_space<vmem>>) dst(%dma_wait3A_1598 : memref<8x1024xf32, #tpu.memory_space<vmem_shared>>)
      %sub3A_1603 = arith.constant 1 : i32
      %sub3A_1604 = arith.subi %add3A_1574, %sub3A_1603 : i32
      %mul3A_1605 = arith.constant 8 : i32
      %mul3A_1606 = arith.muli %sub3A_1604, %mul3A_1605 : i32
      %add3A_1607 = arith.addi %mul3A_2, %mul3A_1606 : i32
      %dma_start3A_1608 = arith.constant 0 : i32
      %dma_start3A_1609 = arith.constant 0 : i32
      %dma_start3A_1610 = tpu.memref_slice %arg4[%add3A_1607, %dma_start3A_1609] : memref<32768x1024xf32, #tpu.memory_space<hbm>> -> memref<8x1024xf32, #tpu.memory_space<hbm>>
      %dma_start3A_1611 = arith.constant 0 : i32
      %dma_start3A_1612 = arith.constant 0 : i32
      %dma_start3A_1613 = tpu.memref_slice %arg7[%arg1, %dma_start3A_1608, %dma_start3A_1611, %dma_start3A_1612] : memref<16x4x8x1024xf32, #tpu.memory_space<vmem_shared>> -> memref<1x1x8x1024xf32, #tpu.memory_space<vmem_shared>>
      %dma_start3A_1614 = tpu.memref_squeeze %dma_start3A_1613 : memref<1x1x8x1024xf32, #tpu.memory_space<vmem_shared>> -> memref<8x1024xf32, #tpu.memory_space<vmem_shared>>
      tpu.enqueue_dma source(%dma_start3A_1614 : memref<8x1024xf32, #tpu.memory_space<vmem_shared>>) target(%dma_start3A_1610 : memref<8x1024xf32, #tpu.memory_space<hbm>>) target_semaphore(%arg20 : memref<!tpu.dma_semaphore, #tpu.memory_space<semaphore_mem>>)
      %dma_wait3A_1615 = arith.constant 1 : i32
      %dma_wait3A_1616 = arith.constant 0 : i32
      %dma_wait3A_1617 = tpu.memref_slice %arg4[%mul3A_2, %dma_wait3A_1616] : memref<32768x1024xf32, #tpu.memory_space<hbm>> -> memref<8x1024xf32, #tpu.memory_space<hbm>>
      %dma_wait3A_1618 = arith.constant 0 : i32
      %dma_wait3A_1619 = arith.constant 0 : i32
      %dma_wait3A_1620 = tpu.memref_slice %arg7[%arg1, %dma_wait3A_1615, %dma_wait3A_1618, %dma_wait3A_1619] : memref<16x4x8x1024xf32, #tpu.memory_space<vmem_shared>> -> memref<1x1x8x1024xf32, #tpu.memory_space<vmem_shared>>
      %dma_wait3A_1621 = tpu.memref_squeeze %dma_wait3A_1620 : memref<1x1x8x1024xf32, #tpu.memory_space<vmem_shared>> -> memref<8x1024xf32, #tpu.memory_space<vmem_shared>>
      tpu.wait_dma2 semaphore(%arg21 : memref<!tpu.dma_semaphore, #tpu.memory_space<semaphore_mem>>) src(%dma_wait3A_1621 : memref<8x1024xf32, #tpu.memory_space<vmem_shared>>) dst(%dma_wait3A_1617 : memref<8x1024xf32, #tpu.memory_space<hbm>>)
      %dma_start3A_1622 = arith.constant 5 : i32
      %dma_start3A_1623 = arith.constant 1 : i32
      %dma_start3A_1624 = arith.constant 0 : i32
      %dma_start3A_1625 = arith.constant 0 : i32
      %dma_start3A_1626 = tpu.memref_slice %arg6[%dma_start3A_1622, %dma_start3A_1624, %dma_start3A_1625] : memref<8x8x1024xf32, #tpu.memory_space<vmem>> -> memref<1x8x1024xf32, #tpu.memory_space<vmem>>
      %dma_start3A_1627 = tpu.memref_squeeze %dma_start3A_1626 : memref<1x8x1024xf32, #tpu.memory_space<vmem>> -> memref<8x1024xf32, #tpu.memory_space<vmem>>
      %dma_start3A_1628 = arith.constant 0 : i32
      %dma_start3A_1629 = arith.constant 0 : i32
      %dma_start3A_1630 = tpu.memref_slice %arg7[%arg1, %dma_start3A_1623, %dma_start3A_1628, %dma_start3A_1629] : memref<16x4x8x1024xf32, #tpu.memory_space<vmem_shared>> -> memref<1x1x8x1024xf32, #tpu.memory_space<vmem_shared>>
      %dma_start3A_1631 = tpu.memref_squeeze %dma_start3A_1630 : memref<1x1x8x1024xf32, #tpu.memory_space<vmem_shared>> -> memref<8x1024xf32, #tpu.memory_space<vmem_shared>>
      %dma_start3A_1632 = arith.constant 0 : i32
      %dma_start3A_1633 = arith.constant 0 : i32
      %dma_start3A_1634 = tpu.memref_slice %arg7[%arg1, %dma_start3A_1623, %dma_start3A_1632, %dma_start3A_1633] : memref<16x4x8x1024xf32, #tpu.memory_space<vmem_shared>> -> memref<1x1x8x1024xf32, #tpu.memory_space<vmem_shared>>
      %dma_start3A_1635 = tpu.memref_squeeze %dma_start3A_1634 : memref<1x1x8x1024xf32, #tpu.memory_space<vmem_shared>> -> memref<8x1024xf32, #tpu.memory_space<vmem_shared>>
      %dma_start3A_1636 = arith.constant 0 : i32
      %dma_start3A_1637 = arith.constant 0 : i32
      %dma_start3A_1638 = tpu.memref_slice %arg6[%dma_start3A_1622, %dma_start3A_1636, %dma_start3A_1637] : memref<8x8x1024xf32, #tpu.memory_space<vmem>> -> memref<1x8x1024xf32, #tpu.memory_space<vmem>>
      %dma_start3A_1639 = tpu.memref_squeeze %dma_start3A_1638 : memref<1x8x1024xf32, #tpu.memory_space<vmem>> -> memref<8x1024xf32, #tpu.memory_space<vmem>>
      tpu.enqueue_dma source(%dma_start3A_1639 : memref<8x1024xf32, #tpu.memory_space<vmem>>) target(%dma_start3A_1635 : memref<8x1024xf32, #tpu.memory_space<vmem_shared>>) target_semaphore(%arg17 : memref<!tpu.dma_semaphore, #tpu.memory_space<semaphore_mem>>)
      %add3A_1640 = arith.constant 4 : i32
      %add3A_1641 = arith.addi %add3A_1574, %add3A_1640 : i32
      %mul3A_1642 = arith.constant 8 : i32
      %mul3A_1643 = arith.muli %add3A_1641, %mul3A_1642 : i32
      %dma_start3A_1644 = arith.constant 1 : i32
      %dma_start3A_1645 = arith.constant 0 : i32
      %dma_start3A_1646 = arith.constant 0 : i32
      %dma_start3A_1647 = tpu.memref_slice %arg6[%dma_start3A_1644, %dma_start3A_1645, %dma_start3A_1646] : memref<8x8x1024xf32, #tpu.memory_space<vmem>> -> memref<1x8x1024xf32, #tpu.memory_space<vmem>>
      %dma_start3A_1648 = tpu.memref_squeeze %dma_start3A_1647 : memref<1x8x1024xf32, #tpu.memory_space<vmem>> -> memref<8x1024xf32, #tpu.memory_space<vmem>>
      %dma_start3A_1649 = tpu.memref_slice %arg5[%mul3A_1643] : memref<1024xi32, #tpu.memory_space<vmem>> -> memref<8xi32, #tpu.memory_space<vmem>>
      %dma_start3A_1650 = arith.constant 0 : i32
      %dma_start3A_1651 = arith.constant 0 : i32
      %dma_start3A_1652 = tpu.memref_slice %arg3[%dma_start3A_1650, %dma_start3A_1651] : memref<151552x1024xf32, #tpu.memory_space<hbm>> -> memref<151552x1024xf32, #tpu.memory_space<hbm>>
      tpu.enqueue_indirect_dma source(%dma_start3A_1652 : memref<151552x1024xf32, #tpu.memory_space<hbm>>) target(%dma_start3A_1648 : memref<8x1024xf32, #tpu.memory_space<vmem>>) offsets(%dma_start3A_1649 : memref<8xi32, #tpu.memory_space<vmem>>) semaphore(%arg9 : memref<!tpu.dma_semaphore, #tpu.memory_space<semaphore_mem>>)
      %mul3A_1653 = arith.constant 8 : i32
      %mul3A_1654 = arith.muli %add3A_1161, %mul3A_1653 : i32
      %add3A_1655 = arith.constant 6 : i32
      %add3A_1656 = arith.addi %mul3A_1654, %add3A_1655 : i32
      %dma_wait3A_1657 = arith.constant 6 : i32
      %dma_wait3A_1658 = arith.constant 0 : i32
      %dma_wait3A_1659 = arith.constant 0 : i32
      %dma_wait3A_1660 = tpu.memref_slice %arg6[%dma_wait3A_1657, %dma_wait3A_1658, %dma_wait3A_1659] : memref<8x8x1024xf32, #tpu.memory_space<vmem>> -> memref<1x8x1024xf32, #tpu.memory_space<vmem>>
      %dma_wait3A_1661 = tpu.memref_squeeze %dma_wait3A_1660 : memref<1x8x1024xf32, #tpu.memory_space<vmem>> -> memref<8x1024xf32, #tpu.memory_space<vmem>>
      %dma_wait3A_1662 = arith.constant 0 : i32
      %dma_wait3A_1663 = tpu.memref_slice %arg5[%dma_wait3A_1662] : memref<1024xi32, #tpu.memory_space<vmem>> -> memref<8xi32, #tpu.memory_space<vmem>>
      %dma_wait3A_1664 = arith.constant 0 : i32
      %dma_wait3A_1665 = arith.constant 0 : i32
      %dma_wait3A_1666 = tpu.memref_slice %arg3[%dma_wait3A_1664, %dma_wait3A_1665] : memref<151552x1024xf32, #tpu.memory_space<hbm>> -> memref<151552x1024xf32, #tpu.memory_space<hbm>>
      tpu.wait_indirect_dma semaphore(%arg14 : memref<!tpu.dma_semaphore, #tpu.memory_space<semaphore_mem>>) src(%dma_wait3A_1666 : memref<151552x1024xf32, #tpu.memory_space<hbm>>) dst(%dma_wait3A_1661 : memref<8x1024xf32, #tpu.memory_space<vmem>>)
      %dma_wait3A_1667 = arith.constant 0 : i32
      %dma_wait3A_1668 = arith.constant 1 : i32
      %dma_wait3A_1669 = arith.constant 0 : i32
      %dma_wait3A_1670 = arith.constant 0 : i32
      %dma_wait3A_1671 = tpu.memref_slice %arg6[%dma_wait3A_1667, %dma_wait3A_1669, %dma_wait3A_1670] : memref<8x8x1024xf32, #tpu.memory_space<vmem>> -> memref<1x8x1024xf32, #tpu.memory_space<vmem>>
      %dma_wait3A_1672 = tpu.memref_squeeze %dma_wait3A_1671 : memref<1x8x1024xf32, #tpu.memory_space<vmem>> -> memref<8x1024xf32, #tpu.memory_space<vmem>>
      %dma_wait3A_1673 = arith.constant 0 : i32
      %dma_wait3A_1674 = arith.constant 0 : i32
      %dma_wait3A_1675 = tpu.memref_slice %arg7[%arg1, %dma_wait3A_1668, %dma_wait3A_1673, %dma_wait3A_1674] : memref<16x4x8x1024xf32, #tpu.memory_space<vmem_shared>> -> memref<1x1x8x1024xf32, #tpu.memory_space<vmem_shared>>
      %dma_wait3A_1676 = tpu.memref_squeeze %dma_wait3A_1675 : memref<1x1x8x1024xf32, #tpu.memory_space<vmem_shared>> -> memref<8x1024xf32, #tpu.memory_space<vmem_shared>>
      %dma_wait3A_1677 = arith.constant 0 : i32
      %dma_wait3A_1678 = arith.constant 0 : i32
      %dma_wait3A_1679 = tpu.memref_slice %arg7[%arg1, %dma_wait3A_1668, %dma_wait3A_1677, %dma_wait3A_1678] : memref<16x4x8x1024xf32, #tpu.memory_space<vmem_shared>> -> memref<1x1x8x1024xf32, #tpu.memory_space<vmem_shared>>
      %dma_wait3A_1680 = tpu.memref_squeeze %dma_wait3A_1679 : memref<1x1x8x1024xf32, #tpu.memory_space<vmem_shared>> -> memref<8x1024xf32, #tpu.memory_space<vmem_shared>>
      %dma_wait3A_1681 = arith.constant 0 : i32
      %dma_wait3A_1682 = arith.constant 0 : i32
      %dma_wait3A_1683 = tpu.memref_slice %arg6[%dma_wait3A_1667, %dma_wait3A_1681, %dma_wait3A_1682] : memref<8x8x1024xf32, #tpu.memory_space<vmem>> -> memref<1x8x1024xf32, #tpu.memory_space<vmem>>
      %dma_wait3A_1684 = tpu.memref_squeeze %dma_wait3A_1683 : memref<1x8x1024xf32, #tpu.memory_space<vmem>> -> memref<8x1024xf32, #tpu.memory_space<vmem>>
      tpu.wait_dma2 semaphore(%arg17 : memref<!tpu.dma_semaphore, #tpu.memory_space<semaphore_mem>>) src(%dma_wait3A_1684 : memref<8x1024xf32, #tpu.memory_space<vmem>>) dst(%dma_wait3A_1680 : memref<8x1024xf32, #tpu.memory_space<vmem_shared>>)
      %sub3A_1685 = arith.constant 1 : i32
      %sub3A_1686 = arith.subi %add3A_1656, %sub3A_1685 : i32
      %mul3A_1687 = arith.constant 8 : i32
      %mul3A_1688 = arith.muli %sub3A_1686, %mul3A_1687 : i32
      %add3A_1689 = arith.addi %mul3A_2, %mul3A_1688 : i32
      %dma_start3A_1690 = arith.constant 1 : i32
      %dma_start3A_1691 = arith.constant 0 : i32
      %dma_start3A_1692 = tpu.memref_slice %arg4[%add3A_1689, %dma_start3A_1691] : memref<32768x1024xf32, #tpu.memory_space<hbm>> -> memref<8x1024xf32, #tpu.memory_space<hbm>>
      %dma_start3A_1693 = arith.constant 0 : i32
      %dma_start3A_1694 = arith.constant 0 : i32
      %dma_start3A_1695 = tpu.memref_slice %arg7[%arg1, %dma_start3A_1690, %dma_start3A_1693, %dma_start3A_1694] : memref<16x4x8x1024xf32, #tpu.memory_space<vmem_shared>> -> memref<1x1x8x1024xf32, #tpu.memory_space<vmem_shared>>
      %dma_start3A_1696 = tpu.memref_squeeze %dma_start3A_1695 : memref<1x1x8x1024xf32, #tpu.memory_space<vmem_shared>> -> memref<8x1024xf32, #tpu.memory_space<vmem_shared>>
      tpu.enqueue_dma source(%dma_start3A_1696 : memref<8x1024xf32, #tpu.memory_space<vmem_shared>>) target(%dma_start3A_1692 : memref<8x1024xf32, #tpu.memory_space<hbm>>) target_semaphore(%arg21 : memref<!tpu.dma_semaphore, #tpu.memory_space<semaphore_mem>>)
      %dma_wait3A_1697 = arith.constant 2 : i32
      %dma_wait3A_1698 = arith.constant 0 : i32
      %dma_wait3A_1699 = tpu.memref_slice %arg4[%mul3A_2, %dma_wait3A_1698] : memref<32768x1024xf32, #tpu.memory_space<hbm>> -> memref<8x1024xf32, #tpu.memory_space<hbm>>
      %dma_wait3A_1700 = arith.constant 0 : i32
      %dma_wait3A_1701 = arith.constant 0 : i32
      %dma_wait3A_1702 = tpu.memref_slice %arg7[%arg1, %dma_wait3A_1697, %dma_wait3A_1700, %dma_wait3A_1701] : memref<16x4x8x1024xf32, #tpu.memory_space<vmem_shared>> -> memref<1x1x8x1024xf32, #tpu.memory_space<vmem_shared>>
      %dma_wait3A_1703 = tpu.memref_squeeze %dma_wait3A_1702 : memref<1x1x8x1024xf32, #tpu.memory_space<vmem_shared>> -> memref<8x1024xf32, #tpu.memory_space<vmem_shared>>
      tpu.wait_dma2 semaphore(%arg22 : memref<!tpu.dma_semaphore, #tpu.memory_space<semaphore_mem>>) src(%dma_wait3A_1703 : memref<8x1024xf32, #tpu.memory_space<vmem_shared>>) dst(%dma_wait3A_1699 : memref<8x1024xf32, #tpu.memory_space<hbm>>)
      %dma_start3A_1704 = arith.constant 6 : i32
      %dma_start3A_1705 = arith.constant 2 : i32
      %dma_start3A_1706 = arith.constant 0 : i32
      %dma_start3A_1707 = arith.constant 0 : i32
      %dma_start3A_1708 = tpu.memref_slice %arg6[%dma_start3A_1704, %dma_start3A_1706, %dma_start3A_1707] : memref<8x8x1024xf32, #tpu.memory_space<vmem>> -> memref<1x8x1024xf32, #tpu.memory_space<vmem>>
      %dma_start3A_1709 = tpu.memref_squeeze %dma_start3A_1708 : memref<1x8x1024xf32, #tpu.memory_space<vmem>> -> memref<8x1024xf32, #tpu.memory_space<vmem>>
      %dma_start3A_1710 = arith.constant 0 : i32
      %dma_start3A_1711 = arith.constant 0 : i32
      %dma_start3A_1712 = tpu.memref_slice %arg7[%arg1, %dma_start3A_1705, %dma_start3A_1710, %dma_start3A_1711] : memref<16x4x8x1024xf32, #tpu.memory_space<vmem_shared>> -> memref<1x1x8x1024xf32, #tpu.memory_space<vmem_shared>>
      %dma_start3A_1713 = tpu.memref_squeeze %dma_start3A_1712 : memref<1x1x8x1024xf32, #tpu.memory_space<vmem_shared>> -> memref<8x1024xf32, #tpu.memory_space<vmem_shared>>
      %dma_start3A_1714 = arith.constant 0 : i32
      %dma_start3A_1715 = arith.constant 0 : i32
      %dma_start3A_1716 = tpu.memref_slice %arg7[%arg1, %dma_start3A_1705, %dma_start3A_1714, %dma_start3A_1715] : memref<16x4x8x1024xf32, #tpu.memory_space<vmem_shared>> -> memref<1x1x8x1024xf32, #tpu.memory_space<vmem_shared>>
      %dma_start3A_1717 = tpu.memref_squeeze %dma_start3A_1716 : memref<1x1x8x1024xf32, #tpu.memory_space<vmem_shared>> -> memref<8x1024xf32, #tpu.memory_space<vmem_shared>>
      %dma_start3A_1718 = arith.constant 0 : i32
      %dma_start3A_1719 = arith.constant 0 : i32
      %dma_start3A_1720 = tpu.memref_slice %arg6[%dma_start3A_1704, %dma_start3A_1718, %dma_start3A_1719] : memref<8x8x1024xf32, #tpu.memory_space<vmem>> -> memref<1x8x1024xf32, #tpu.memory_space<vmem>>
      %dma_start3A_1721 = tpu.memref_squeeze %dma_start3A_1720 : memref<1x8x1024xf32, #tpu.memory_space<vmem>> -> memref<8x1024xf32, #tpu.memory_space<vmem>>
      tpu.enqueue_dma source(%dma_start3A_1721 : memref<8x1024xf32, #tpu.memory_space<vmem>>) target(%dma_start3A_1717 : memref<8x1024xf32, #tpu.memory_space<vmem_shared>>) target_semaphore(%arg18 : memref<!tpu.dma_semaphore, #tpu.memory_space<semaphore_mem>>)
      %add3A_1722 = arith.constant 4 : i32
      %add3A_1723 = arith.addi %add3A_1656, %add3A_1722 : i32
      %mul3A_1724 = arith.constant 8 : i32
      %mul3A_1725 = arith.muli %add3A_1723, %mul3A_1724 : i32
      %dma_start3A_1726 = arith.constant 2 : i32
      %dma_start3A_1727 = arith.constant 0 : i32
      %dma_start3A_1728 = arith.constant 0 : i32
      %dma_start3A_1729 = tpu.memref_slice %arg6[%dma_start3A_1726, %dma_start3A_1727, %dma_start3A_1728] : memref<8x8x1024xf32, #tpu.memory_space<vmem>> -> memref<1x8x1024xf32, #tpu.memory_space<vmem>>
      %dma_start3A_1730 = tpu.memref_squeeze %dma_start3A_1729 : memref<1x8x1024xf32, #tpu.memory_space<vmem>> -> memref<8x1024xf32, #tpu.memory_space<vmem>>
      %dma_start3A_1731 = tpu.memref_slice %arg5[%mul3A_1725] : memref<1024xi32, #tpu.memory_space<vmem>> -> memref<8xi32, #tpu.memory_space<vmem>>
      %dma_start3A_1732 = arith.constant 0 : i32
      %dma_start3A_1733 = arith.constant 0 : i32
      %dma_start3A_1734 = tpu.memref_slice %arg3[%dma_start3A_1732, %dma_start3A_1733] : memref<151552x1024xf32, #tpu.memory_space<hbm>> -> memref<151552x1024xf32, #tpu.memory_space<hbm>>
      tpu.enqueue_indirect_dma source(%dma_start3A_1734 : memref<151552x1024xf32, #tpu.memory_space<hbm>>) target(%dma_start3A_1730 : memref<8x1024xf32, #tpu.memory_space<vmem>>) offsets(%dma_start3A_1731 : memref<8xi32, #tpu.memory_space<vmem>>) semaphore(%arg10 : memref<!tpu.dma_semaphore, #tpu.memory_space<semaphore_mem>>)
      %mul3A_1735 = arith.constant 8 : i32
      %mul3A_1736 = arith.muli %add3A_1161, %mul3A_1735 : i32
      %add3A_1737 = arith.constant 7 : i32
      %add3A_1738 = arith.addi %mul3A_1736, %add3A_1737 : i32
      %dma_wait3A_1739 = arith.constant 7 : i32
      %dma_wait3A_1740 = arith.constant 0 : i32
      %dma_wait3A_1741 = arith.constant 0 : i32
      %dma_wait3A_1742 = tpu.memref_slice %arg6[%dma_wait3A_1739, %dma_wait3A_1740, %dma_wait3A_1741] : memref<8x8x1024xf32, #tpu.memory_space<vmem>> -> memref<1x8x1024xf32, #tpu.memory_space<vmem>>
      %dma_wait3A_1743 = tpu.memref_squeeze %dma_wait3A_1742 : memref<1x8x1024xf32, #tpu.memory_space<vmem>> -> memref<8x1024xf32, #tpu.memory_space<vmem>>
      %dma_wait3A_1744 = arith.constant 0 : i32
      %dma_wait3A_1745 = tpu.memref_slice %arg5[%dma_wait3A_1744] : memref<1024xi32, #tpu.memory_space<vmem>> -> memref<8xi32, #tpu.memory_space<vmem>>
      %dma_wait3A_1746 = arith.constant 0 : i32
      %dma_wait3A_1747 = arith.constant 0 : i32
      %dma_wait3A_1748 = tpu.memref_slice %arg3[%dma_wait3A_1746, %dma_wait3A_1747] : memref<151552x1024xf32, #tpu.memory_space<hbm>> -> memref<151552x1024xf32, #tpu.memory_space<hbm>>
      tpu.wait_indirect_dma semaphore(%arg15 : memref<!tpu.dma_semaphore, #tpu.memory_space<semaphore_mem>>) src(%dma_wait3A_1748 : memref<151552x1024xf32, #tpu.memory_space<hbm>>) dst(%dma_wait3A_1743 : memref<8x1024xf32, #tpu.memory_space<vmem>>)
      %dma_wait3A_1749 = arith.constant 0 : i32
      %dma_wait3A_1750 = arith.constant 2 : i32
      %dma_wait3A_1751 = arith.constant 0 : i32
      %dma_wait3A_1752 = arith.constant 0 : i32
      %dma_wait3A_1753 = tpu.memref_slice %arg6[%dma_wait3A_1749, %dma_wait3A_1751, %dma_wait3A_1752] : memref<8x8x1024xf32, #tpu.memory_space<vmem>> -> memref<1x8x1024xf32, #tpu.memory_space<vmem>>
      %dma_wait3A_1754 = tpu.memref_squeeze %dma_wait3A_1753 : memref<1x8x1024xf32, #tpu.memory_space<vmem>> -> memref<8x1024xf32, #tpu.memory_space<vmem>>
      %dma_wait3A_1755 = arith.constant 0 : i32
      %dma_wait3A_1756 = arith.constant 0 : i32
      %dma_wait3A_1757 = tpu.memref_slice %arg7[%arg1, %dma_wait3A_1750, %dma_wait3A_1755, %dma_wait3A_1756] : memref<16x4x8x1024xf32, #tpu.memory_space<vmem_shared>> -> memref<1x1x8x1024xf32, #tpu.memory_space<vmem_shared>>
      %dma_wait3A_1758 = tpu.memref_squeeze %dma_wait3A_1757 : memref<1x1x8x1024xf32, #tpu.memory_space<vmem_shared>> -> memref<8x1024xf32, #tpu.memory_space<vmem_shared>>
      %dma_wait3A_1759 = arith.constant 0 : i32
      %dma_wait3A_1760 = arith.constant 0 : i32
      %dma_wait3A_1761 = tpu.memref_slice %arg7[%arg1, %dma_wait3A_1750, %dma_wait3A_1759, %dma_wait3A_1760] : memref<16x4x8x1024xf32, #tpu.memory_space<vmem_shared>> -> memref<1x1x8x1024xf32, #tpu.memory_space<vmem_shared>>
      %dma_wait3A_1762 = tpu.memref_squeeze %dma_wait3A_1761 : memref<1x1x8x1024xf32, #tpu.memory_space<vmem_shared>> -> memref<8x1024xf32, #tpu.memory_space<vmem_shared>>
      %dma_wait3A_1763 = arith.constant 0 : i32
      %dma_wait3A_1764 = arith.constant 0 : i32
      %dma_wait3A_1765 = tpu.memref_slice %arg6[%dma_wait3A_1749, %dma_wait3A_1763, %dma_wait3A_1764] : memref<8x8x1024xf32, #tpu.memory_space<vmem>> -> memref<1x8x1024xf32, #tpu.memory_space<vmem>>
      %dma_wait3A_1766 = tpu.memref_squeeze %dma_wait3A_1765 : memref<1x8x1024xf32, #tpu.memory_space<vmem>> -> memref<8x1024xf32, #tpu.memory_space<vmem>>
      tpu.wait_dma2 semaphore(%arg18 : memref<!tpu.dma_semaphore, #tpu.memory_space<semaphore_mem>>) src(%dma_wait3A_1766 : memref<8x1024xf32, #tpu.memory_space<vmem>>) dst(%dma_wait3A_1762 : memref<8x1024xf32, #tpu.memory_space<vmem_shared>>)
      %sub3A_1767 = arith.constant 1 : i32
      %sub3A_1768 = arith.subi %add3A_1738, %sub3A_1767 : i32
      %mul3A_1769 = arith.constant 8 : i32
      %mul3A_1770 = arith.muli %sub3A_1768, %mul3A_1769 : i32
      %add3A_1771 = arith.addi %mul3A_2, %mul3A_1770 : i32
      %dma_start3A_1772 = arith.constant 2 : i32
      %dma_start3A_1773 = arith.constant 0 : i32
      %dma_start3A_1774 = tpu.memref_slice %arg4[%add3A_1771, %dma_start3A_1773] : memref<32768x1024xf32, #tpu.memory_space<hbm>> -> memref<8x1024xf32, #tpu.memory_space<hbm>>
      %dma_start3A_1775 = arith.constant 0 : i32
      %dma_start3A_1776 = arith.constant 0 : i32
      %dma_start3A_1777 = tpu.memref_slice %arg7[%arg1, %dma_start3A_1772, %dma_start3A_1775, %dma_start3A_1776] : memref<16x4x8x1024xf32, #tpu.memory_space<vmem_shared>> -> memref<1x1x8x1024xf32, #tpu.memory_space<vmem_shared>>
      %dma_start3A_1778 = tpu.memref_squeeze %dma_start3A_1777 : memref<1x1x8x1024xf32, #tpu.memory_space<vmem_shared>> -> memref<8x1024xf32, #tpu.memory_space<vmem_shared>>
      tpu.enqueue_dma source(%dma_start3A_1778 : memref<8x1024xf32, #tpu.memory_space<vmem_shared>>) target(%dma_start3A_1774 : memref<8x1024xf32, #tpu.memory_space<hbm>>) target_semaphore(%arg22 : memref<!tpu.dma_semaphore, #tpu.memory_space<semaphore_mem>>)
      %dma_wait3A_1779 = arith.constant 3 : i32
      %dma_wait3A_1780 = arith.constant 0 : i32
      %dma_wait3A_1781 = tpu.memref_slice %arg4[%mul3A_2, %dma_wait3A_1780] : memref<32768x1024xf32, #tpu.memory_space<hbm>> -> memref<8x1024xf32, #tpu.memory_space<hbm>>
      %dma_wait3A_1782 = arith.constant 0 : i32
      %dma_wait3A_1783 = arith.constant 0 : i32
      %dma_wait3A_1784 = tpu.memref_slice %arg7[%arg1, %dma_wait3A_1779, %dma_wait3A_1782, %dma_wait3A_1783] : memref<16x4x8x1024xf32, #tpu.memory_space<vmem_shared>> -> memref<1x1x8x1024xf32, #tpu.memory_space<vmem_shared>>
      %dma_wait3A_1785 = tpu.memref_squeeze %dma_wait3A_1784 : memref<1x1x8x1024xf32, #tpu.memory_space<vmem_shared>> -> memref<8x1024xf32, #tpu.memory_space<vmem_shared>>
      tpu.wait_dma2 semaphore(%arg23 : memref<!tpu.dma_semaphore, #tpu.memory_space<semaphore_mem>>) src(%dma_wait3A_1785 : memref<8x1024xf32, #tpu.memory_space<vmem_shared>>) dst(%dma_wait3A_1781 : memref<8x1024xf32, #tpu.memory_space<hbm>>)
      %dma_start3A_1786 = arith.constant 7 : i32
      %dma_start3A_1787 = arith.constant 3 : i32
      %dma_start3A_1788 = arith.constant 0 : i32
      %dma_start3A_1789 = arith.constant 0 : i32
      %dma_start3A_1790 = tpu.memref_slice %arg6[%dma_start3A_1786, %dma_start3A_1788, %dma_start3A_1789] : memref<8x8x1024xf32, #tpu.memory_space<vmem>> -> memref<1x8x1024xf32, #tpu.memory_space<vmem>>
      %dma_start3A_1791 = tpu.memref_squeeze %dma_start3A_1790 : memref<1x8x1024xf32, #tpu.memory_space<vmem>> -> memref<8x1024xf32, #tpu.memory_space<vmem>>
      %dma_start3A_1792 = arith.constant 0 : i32
      %dma_start3A_1793 = arith.constant 0 : i32
      %dma_start3A_1794 = tpu.memref_slice %arg7[%arg1, %dma_start3A_1787, %dma_start3A_1792, %dma_start3A_1793] : memref<16x4x8x1024xf32, #tpu.memory_space<vmem_shared>> -> memref<1x1x8x1024xf32, #tpu.memory_space<vmem_shared>>
      %dma_start3A_1795 = tpu.memref_squeeze %dma_start3A_1794 : memref<1x1x8x1024xf32, #tpu.memory_space<vmem_shared>> -> memref<8x1024xf32, #tpu.memory_space<vmem_shared>>
      %dma_start3A_1796 = arith.constant 0 : i32
      %dma_start3A_1797 = arith.constant 0 : i32
      %dma_start3A_1798 = tpu.memref_slice %arg7[%arg1, %dma_start3A_1787, %dma_start3A_1796, %dma_start3A_1797] : memref<16x4x8x1024xf32, #tpu.memory_space<vmem_shared>> -> memref<1x1x8x1024xf32, #tpu.memory_space<vmem_shared>>
      %dma_start3A_1799 = tpu.memref_squeeze %dma_start3A_1798 : memref<1x1x8x1024xf32, #tpu.memory_space<vmem_shared>> -> memref<8x1024xf32, #tpu.memory_space<vmem_shared>>
      %dma_start3A_1800 = arith.constant 0 : i32
      %dma_start3A_1801 = arith.constant 0 : i32
      %dma_start3A_1802 = tpu.memref_slice %arg6[%dma_start3A_1786, %dma_start3A_1800, %dma_start3A_1801] : memref<8x8x1024xf32, #tpu.memory_space<vmem>> -> memref<1x8x1024xf32, #tpu.memory_space<vmem>>
      %dma_start3A_1803 = tpu.memref_squeeze %dma_start3A_1802 : memref<1x8x1024xf32, #tpu.memory_space<vmem>> -> memref<8x1024xf32, #tpu.memory_space<vmem>>
      tpu.enqueue_dma source(%dma_start3A_1803 : memref<8x1024xf32, #tpu.memory_space<vmem>>) target(%dma_start3A_1799 : memref<8x1024xf32, #tpu.memory_space<vmem_shared>>) target_semaphore(%arg19 : memref<!tpu.dma_semaphore, #tpu.memory_space<semaphore_mem>>)
      %add3A_1804 = arith.constant 4 : i32
      %add3A_1805 = arith.addi %add3A_1738, %add3A_1804 : i32
      %mul3A_1806 = arith.constant 8 : i32
      %mul3A_1807 = arith.muli %add3A_1805, %mul3A_1806 : i32
      %dma_start3A_1808 = arith.constant 3 : i32
      %dma_start3A_1809 = arith.constant 0 : i32
      %dma_start3A_1810 = arith.constant 0 : i32
      %dma_start3A_1811 = tpu.memref_slice %arg6[%dma_start3A_1808, %dma_start3A_1809, %dma_start3A_1810] : memref<8x8x1024xf32, #tpu.memory_space<vmem>> -> memref<1x8x1024xf32, #tpu.memory_space<vmem>>
      %dma_start3A_1812 = tpu.memref_squeeze %dma_start3A_1811 : memref<1x8x1024xf32, #tpu.memory_space<vmem>> -> memref<8x1024xf32, #tpu.memory_space<vmem>>
      %dma_start3A_1813 = tpu.memref_slice %arg5[%mul3A_1807] : memref<1024xi32, #tpu.memory_space<vmem>> -> memref<8xi32, #tpu.memory_space<vmem>>
      %dma_start3A_1814 = arith.constant 0 : i32
      %dma_start3A_1815 = arith.constant 0 : i32
      %dma_start3A_1816 = tpu.memref_slice %arg3[%dma_start3A_1814, %dma_start3A_1815] : memref<151552x1024xf32, #tpu.memory_space<hbm>> -> memref<151552x1024xf32, #tpu.memory_space<hbm>>
      tpu.enqueue_indirect_dma source(%dma_start3A_1816 : memref<151552x1024xf32, #tpu.memory_space<hbm>>) target(%dma_start3A_1812 : memref<8x1024xf32, #tpu.memory_space<vmem>>) offsets(%dma_start3A_1813 : memref<8xi32, #tpu.memory_space<vmem>>) semaphore(%arg11 : memref<!tpu.dma_semaphore, #tpu.memory_space<semaphore_mem>>)
    }
    %scan3A_565 = arith.constant 14 : i32
    %dma_wait3A_566 = arith.constant 0 : i32
    %dma_wait3A_567 = arith.constant 0 : i32
    %dma_wait3A_568 = arith.constant 0 : i32
    %dma_wait3A_569 = tpu.memref_slice %arg6[%dma_wait3A_566, %dma_wait3A_567, %dma_wait3A_568] : memref<8x8x1024xf32, #tpu.memory_space<vmem>> -> memref<1x8x1024xf32, #tpu.memory_space<vmem>>
    %dma_wait3A_570 = tpu.memref_squeeze %dma_wait3A_569 : memref<1x8x1024xf32, #tpu.memory_space<vmem>> -> memref<8x1024xf32, #tpu.memory_space<vmem>>
    %dma_wait3A_571 = arith.constant 0 : i32
    %dma_wait3A_572 = tpu.memref_slice %arg5[%dma_wait3A_571] : memref<1024xi32, #tpu.memory_space<vmem>> -> memref<8xi32, #tpu.memory_space<vmem>>
    %dma_wait3A_573 = arith.constant 0 : i32
    %dma_wait3A_574 = arith.constant 0 : i32
    %dma_wait3A_575 = tpu.memref_slice %arg3[%dma_wait3A_573, %dma_wait3A_574] : memref<151552x1024xf32, #tpu.memory_space<hbm>> -> memref<151552x1024xf32, #tpu.memory_space<hbm>>
    tpu.wait_indirect_dma semaphore(%arg8 : memref<!tpu.dma_semaphore, #tpu.memory_space<semaphore_mem>>) src(%dma_wait3A_575 : memref<151552x1024xf32, #tpu.memory_space<hbm>>) dst(%dma_wait3A_570 : memref<8x1024xf32, #tpu.memory_space<vmem>>)
    %dma_wait3A_576 = arith.constant 0 : i32
    %dma_wait3A_577 = arith.constant 3 : i32
    %dma_wait3A_578 = arith.constant 0 : i32
    %dma_wait3A_579 = arith.constant 0 : i32
    %dma_wait3A_580 = tpu.memref_slice %arg6[%dma_wait3A_576, %dma_wait3A_578, %dma_wait3A_579] : memref<8x8x1024xf32, #tpu.memory_space<vmem>> -> memref<1x8x1024xf32, #tpu.memory_space<vmem>>
    %dma_wait3A_581 = tpu.memref_squeeze %dma_wait3A_580 : memref<1x8x1024xf32, #tpu.memory_space<vmem>> -> memref<8x1024xf32, #tpu.memory_space<vmem>>
    %dma_wait3A_582 = arith.constant 0 : i32
    %dma_wait3A_583 = arith.constant 0 : i32
    %dma_wait3A_584 = tpu.memref_slice %arg7[%arg1, %dma_wait3A_577, %dma_wait3A_582, %dma_wait3A_583] : memref<16x4x8x1024xf32, #tpu.memory_space<vmem_shared>> -> memref<1x1x8x1024xf32, #tpu.memory_space<vmem_shared>>
    %dma_wait3A_585 = tpu.memref_squeeze %dma_wait3A_584 : memref<1x1x8x1024xf32, #tpu.memory_space<vmem_shared>> -> memref<8x1024xf32, #tpu.memory_space<vmem_shared>>
    %dma_wait3A_586 = arith.constant 0 : i32
    %dma_wait3A_587 = arith.constant 0 : i32
    %dma_wait3A_588 = tpu.memref_slice %arg7[%arg1, %dma_wait3A_577, %dma_wait3A_586, %dma_wait3A_587] : memref<16x4x8x1024xf32, #tpu.memory_space<vmem_shared>> -> memref<1x1x8x1024xf32, #tpu.memory_space<vmem_shared>>
    %dma_wait3A_589 = tpu.memref_squeeze %dma_wait3A_588 : memref<1x1x8x1024xf32, #tpu.memory_space<vmem_shared>> -> memref<8x1024xf32, #tpu.memory_space<vmem_shared>>
    %dma_wait3A_590 = arith.constant 0 : i32
    %dma_wait3A_591 = arith.constant 0 : i32
    %dma_wait3A_592 = tpu.memref_slice %arg6[%dma_wait3A_576, %dma_wait3A_590, %dma_wait3A_591] : memref<8x8x1024xf32, #tpu.memory_space<vmem>> -> memref<1x8x1024xf32, #tpu.memory_space<vmem>>
    %dma_wait3A_593 = tpu.memref_squeeze %dma_wait3A_592 : memref<1x8x1024xf32, #tpu.memory_space<vmem>> -> memref<8x1024xf32, #tpu.memory_space<vmem>>
    tpu.wait_dma2 semaphore(%arg19 : memref<!tpu.dma_semaphore, #tpu.memory_space<semaphore_mem>>) src(%dma_wait3A_593 : memref<8x1024xf32, #tpu.memory_space<vmem>>) dst(%dma_wait3A_589 : memref<8x1024xf32, #tpu.memory_space<vmem_shared>>)
    %add3A_594 = arith.constant 952 : i32
    %add3A_595 = arith.addi %mul3A_2, %add3A_594 : i32
    %dma_start3A_596 = arith.constant 3 : i32
    %dma_start3A_597 = arith.constant 0 : i32
    %dma_start3A_598 = tpu.memref_slice %arg4[%add3A_595, %dma_start3A_597] : memref<32768x1024xf32, #tpu.memory_space<hbm>> -> memref<8x1024xf32, #tpu.memory_space<hbm>>
    %dma_start3A_599 = arith.constant 0 : i32
    %dma_start3A_600 = arith.constant 0 : i32
    %dma_start3A_601 = tpu.memref_slice %arg7[%arg1, %dma_start3A_596, %dma_start3A_599, %dma_start3A_600] : memref<16x4x8x1024xf32, #tpu.memory_space<vmem_shared>> -> memref<1x1x8x1024xf32, #tpu.memory_space<vmem_shared>>
    %dma_start3A_602 = tpu.memref_squeeze %dma_start3A_601 : memref<1x1x8x1024xf32, #tpu.memory_space<vmem_shared>> -> memref<8x1024xf32, #tpu.memory_space<vmem_shared>>
    tpu.enqueue_dma source(%dma_start3A_602 : memref<8x1024xf32, #tpu.memory_space<vmem_shared>>) target(%dma_start3A_598 : memref<8x1024xf32, #tpu.memory_space<hbm>>) target_semaphore(%arg23 : memref<!tpu.dma_semaphore, #tpu.memory_space<semaphore_mem>>)
    %dma_wait3A_603 = arith.constant 0 : i32
    %dma_wait3A_604 = arith.constant 0 : i32
    %dma_wait3A_605 = tpu.memref_slice %arg4[%mul3A_2, %dma_wait3A_604] : memref<32768x1024xf32, #tpu.memory_space<hbm>> -> memref<8x1024xf32, #tpu.memory_space<hbm>>
    %dma_wait3A_606 = arith.constant 0 : i32
    %dma_wait3A_607 = arith.constant 0 : i32
    %dma_wait3A_608 = tpu.memref_slice %arg7[%arg1, %dma_wait3A_603, %dma_wait3A_606, %dma_wait3A_607] : memref<16x4x8x1024xf32, #tpu.memory_space<vmem_shared>> -> memref<1x1x8x1024xf32, #tpu.memory_space<vmem_shared>>
    %dma_wait3A_609 = tpu.memref_squeeze %dma_wait3A_608 : memref<1x1x8x1024xf32, #tpu.memory_space<vmem_shared>> -> memref<8x1024xf32, #tpu.memory_space<vmem_shared>>
    tpu.wait_dma2 semaphore(%arg20 : memref<!tpu.dma_semaphore, #tpu.memory_space<semaphore_mem>>) src(%dma_wait3A_609 : memref<8x1024xf32, #tpu.memory_space<vmem_shared>>) dst(%dma_wait3A_605 : memref<8x1024xf32, #tpu.memory_space<hbm>>)
    %dma_start3A_610 = arith.constant 0 : i32
    %dma_start3A_611 = arith.constant 0 : i32
    %dma_start3A_612 = arith.constant 0 : i32
    %dma_start3A_613 = arith.constant 0 : i32
    %dma_start3A_614 = tpu.memref_slice %arg6[%dma_start3A_610, %dma_start3A_612, %dma_start3A_613] : memref<8x8x1024xf32, #tpu.memory_space<vmem>> -> memref<1x8x1024xf32, #tpu.memory_space<vmem>>
    %dma_start3A_615 = tpu.memref_squeeze %dma_start3A_614 : memref<1x8x1024xf32, #tpu.memory_space<vmem>> -> memref<8x1024xf32, #tpu.memory_space<vmem>>
    %dma_start3A_616 = arith.constant 0 : i32
    %dma_start3A_617 = arith.constant 0 : i32
    %dma_start3A_618 = tpu.memref_slice %arg7[%arg1, %dma_start3A_611, %dma_start3A_616, %dma_start3A_617] : memref<16x4x8x1024xf32, #tpu.memory_space<vmem_shared>> -> memref<1x1x8x1024xf32, #tpu.memory_space<vmem_shared>>
    %dma_start3A_619 = tpu.memref_squeeze %dma_start3A_618 : memref<1x1x8x1024xf32, #tpu.memory_space<vmem_shared>> -> memref<8x1024xf32, #tpu.memory_space<vmem_shared>>
    %dma_start3A_620 = arith.constant 0 : i32
    %dma_start3A_621 = arith.constant 0 : i32
    %dma_start3A_622 = tpu.memref_slice %arg7[%arg1, %dma_start3A_611, %dma_start3A_620, %dma_start3A_621] : memref<16x4x8x1024xf32, #tpu.memory_space<vmem_shared>> -> memref<1x1x8x1024xf32, #tpu.memory_space<vmem_shared>>
    %dma_start3A_623 = tpu.memref_squeeze %dma_start3A_622 : memref<1x1x8x1024xf32, #tpu.memory_space<vmem_shared>> -> memref<8x1024xf32, #tpu.memory_space<vmem_shared>>
    %dma_start3A_624 = arith.constant 0 : i32
    %dma_start3A_625 = arith.constant 0 : i32
    %dma_start3A_626 = tpu.memref_slice %arg6[%dma_start3A_610, %dma_start3A_624, %dma_start3A_625] : memref<8x8x1024xf32, #tpu.memory_space<vmem>> -> memref<1x8x1024xf32, #tpu.memory_space<vmem>>
    %dma_start3A_627 = tpu.memref_squeeze %dma_start3A_626 : memref<1x8x1024xf32, #tpu.memory_space<vmem>> -> memref<8x1024xf32, #tpu.memory_space<vmem>>
    tpu.enqueue_dma source(%dma_start3A_627 : memref<8x1024xf32, #tpu.memory_space<vmem>>) target(%dma_start3A_623 : memref<8x1024xf32, #tpu.memory_space<vmem_shared>>) target_semaphore(%arg16 : memref<!tpu.dma_semaphore, #tpu.memory_space<semaphore_mem>>)
    %dma_start3A_628 = arith.constant 4 : i32
    %dma_start3A_629 = arith.constant 0 : i32
    %dma_start3A_630 = arith.constant 0 : i32
    %dma_start3A_631 = tpu.memref_slice %arg6[%dma_start3A_628, %dma_start3A_629, %dma_start3A_630] : memref<8x8x1024xf32, #tpu.memory_space<vmem>> -> memref<1x8x1024xf32, #tpu.memory_space<vmem>>
    %dma_start3A_632 = tpu.memref_squeeze %dma_start3A_631 : memref<1x8x1024xf32, #tpu.memory_space<vmem>> -> memref<8x1024xf32, #tpu.memory_space<vmem>>
    %dma_start3A_633 = arith.constant 992 : i32
    %dma_start3A_634 = tpu.memref_slice %arg5[%dma_start3A_633] : memref<1024xi32, #tpu.memory_space<vmem>> -> memref<8xi32, #tpu.memory_space<vmem>>
    %dma_start3A_635 = arith.constant 0 : i32
    %dma_start3A_636 = arith.constant 0 : i32
    %dma_start3A_637 = tpu.memref_slice %arg3[%dma_start3A_635, %dma_start3A_636] : memref<151552x1024xf32, #tpu.memory_space<hbm>> -> memref<151552x1024xf32, #tpu.memory_space<hbm>>
    tpu.enqueue_indirect_dma source(%dma_start3A_637 : memref<151552x1024xf32, #tpu.memory_space<hbm>>) target(%dma_start3A_632 : memref<8x1024xf32, #tpu.memory_space<vmem>>) offsets(%dma_start3A_634 : memref<8xi32, #tpu.memory_space<vmem>>) semaphore(%arg12 : memref<!tpu.dma_semaphore, #tpu.memory_space<semaphore_mem>>)
    %dma_wait3A_638 = arith.constant 1 : i32
    %dma_wait3A_639 = arith.constant 0 : i32
    %dma_wait3A_640 = arith.constant 0 : i32
    %dma_wait3A_641 = tpu.memref_slice %arg6[%dma_wait3A_638, %dma_wait3A_639, %dma_wait3A_640] : memref<8x8x1024xf32, #tpu.memory_space<vmem>> -> memref<1x8x1024xf32, #tpu.memory_space<vmem>>
    %dma_wait3A_642 = tpu.memref_squeeze %dma_wait3A_641 : memref<1x8x1024xf32, #tpu.memory_space<vmem>> -> memref<8x1024xf32, #tpu.memory_space<vmem>>
    %dma_wait3A_643 = arith.constant 0 : i32
    %dma_wait3A_644 = tpu.memref_slice %arg5[%dma_wait3A_643] : memref<1024xi32, #tpu.memory_space<vmem>> -> memref<8xi32, #tpu.memory_space<vmem>>
    %dma_wait3A_645 = arith.constant 0 : i32
    %dma_wait3A_646 = arith.constant 0 : i32
    %dma_wait3A_647 = tpu.memref_slice %arg3[%dma_wait3A_645, %dma_wait3A_646] : memref<151552x1024xf32, #tpu.memory_space<hbm>> -> memref<151552x1024xf32, #tpu.memory_space<hbm>>
    tpu.wait_indirect_dma semaphore(%arg9 : memref<!tpu.dma_semaphore, #tpu.memory_space<semaphore_mem>>) src(%dma_wait3A_647 : memref<151552x1024xf32, #tpu.memory_space<hbm>>) dst(%dma_wait3A_642 : memref<8x1024xf32, #tpu.memory_space<vmem>>)
    %dma_wait3A_648 = arith.constant 0 : i32
    %dma_wait3A_649 = arith.constant 0 : i32
    %dma_wait3A_650 = arith.constant 0 : i32
    %dma_wait3A_651 = arith.constant 0 : i32
    %dma_wait3A_652 = tpu.memref_slice %arg6[%dma_wait3A_648, %dma_wait3A_650, %dma_wait3A_651] : memref<8x8x1024xf32, #tpu.memory_space<vmem>> -> memref<1x8x1024xf32, #tpu.memory_space<vmem>>
    %dma_wait3A_653 = tpu.memref_squeeze %dma_wait3A_652 : memref<1x8x1024xf32, #tpu.memory_space<vmem>> -> memref<8x1024xf32, #tpu.memory_space<vmem>>
    %dma_wait3A_654 = arith.constant 0 : i32
    %dma_wait3A_655 = arith.constant 0 : i32
    %dma_wait3A_656 = tpu.memref_slice %arg7[%arg1, %dma_wait3A_649, %dma_wait3A_654, %dma_wait3A_655] : memref<16x4x8x1024xf32, #tpu.memory_space<vmem_shared>> -> memref<1x1x8x1024xf32, #tpu.memory_space<vmem_shared>>
    %dma_wait3A_657 = tpu.memref_squeeze %dma_wait3A_656 : memref<1x1x8x1024xf32, #tpu.memory_space<vmem_shared>> -> memref<8x1024xf32, #tpu.memory_space<vmem_shared>>
    %dma_wait3A_658 = arith.constant 0 : i32
    %dma_wait3A_659 = arith.constant 0 : i32
    %dma_wait3A_660 = tpu.memref_slice %arg7[%arg1, %dma_wait3A_649, %dma_wait3A_658, %dma_wait3A_659] : memref<16x4x8x1024xf32, #tpu.memory_space<vmem_shared>> -> memref<1x1x8x1024xf32, #tpu.memory_space<vmem_shared>>
    %dma_wait3A_661 = tpu.memref_squeeze %dma_wait3A_660 : memref<1x1x8x1024xf32, #tpu.memory_space<vmem_shared>> -> memref<8x1024xf32, #tpu.memory_space<vmem_shared>>
    %dma_wait3A_662 = arith.constant 0 : i32
    %dma_wait3A_663 = arith.constant 0 : i32
    %dma_wait3A_664 = tpu.memref_slice %arg6[%dma_wait3A_648, %dma_wait3A_662, %dma_wait3A_663] : memref<8x8x1024xf32, #tpu.memory_space<vmem>> -> memref<1x8x1024xf32, #tpu.memory_space<vmem>>
    %dma_wait3A_665 = tpu.memref_squeeze %dma_wait3A_664 : memref<1x8x1024xf32, #tpu.memory_space<vmem>> -> memref<8x1024xf32, #tpu.memory_space<vmem>>
    tpu.wait_dma2 semaphore(%arg16 : memref<!tpu.dma_semaphore, #tpu.memory_space<semaphore_mem>>) src(%dma_wait3A_665 : memref<8x1024xf32, #tpu.memory_space<vmem>>) dst(%dma_wait3A_661 : memref<8x1024xf32, #tpu.memory_space<vmem_shared>>)
    %add3A_666 = arith.constant 960 : i32
    %add3A_667 = arith.addi %mul3A_2, %add3A_666 : i32
    %dma_start3A_668 = arith.constant 0 : i32
    %dma_start3A_669 = arith.constant 0 : i32
    %dma_start3A_670 = tpu.memref_slice %arg4[%add3A_667, %dma_start3A_669] : memref<32768x1024xf32, #tpu.memory_space<hbm>> -> memref<8x1024xf32, #tpu.memory_space<hbm>>
    %dma_start3A_671 = arith.constant 0 : i32
    %dma_start3A_672 = arith.constant 0 : i32
    %dma_start3A_673 = tpu.memref_slice %arg7[%arg1, %dma_start3A_668, %dma_start3A_671, %dma_start3A_672] : memref<16x4x8x1024xf32, #tpu.memory_space<vmem_shared>> -> memref<1x1x8x1024xf32, #tpu.memory_space<vmem_shared>>
    %dma_start3A_674 = tpu.memref_squeeze %dma_start3A_673 : memref<1x1x8x1024xf32, #tpu.memory_space<vmem_shared>> -> memref<8x1024xf32, #tpu.memory_space<vmem_shared>>
    tpu.enqueue_dma source(%dma_start3A_674 : memref<8x1024xf32, #tpu.memory_space<vmem_shared>>) target(%dma_start3A_670 : memref<8x1024xf32, #tpu.memory_space<hbm>>) target_semaphore(%arg20 : memref<!tpu.dma_semaphore, #tpu.memory_space<semaphore_mem>>)
    %dma_wait3A_675 = arith.constant 1 : i32
    %dma_wait3A_676 = arith.constant 0 : i32
    %dma_wait3A_677 = tpu.memref_slice %arg4[%mul3A_2, %dma_wait3A_676] : memref<32768x1024xf32, #tpu.memory_space<hbm>> -> memref<8x1024xf32, #tpu.memory_space<hbm>>
    %dma_wait3A_678 = arith.constant 0 : i32
    %dma_wait3A_679 = arith.constant 0 : i32
    %dma_wait3A_680 = tpu.memref_slice %arg7[%arg1, %dma_wait3A_675, %dma_wait3A_678, %dma_wait3A_679] : memref<16x4x8x1024xf32, #tpu.memory_space<vmem_shared>> -> memref<1x1x8x1024xf32, #tpu.memory_space<vmem_shared>>
    %dma_wait3A_681 = tpu.memref_squeeze %dma_wait3A_680 : memref<1x1x8x1024xf32, #tpu.memory_space<vmem_shared>> -> memref<8x1024xf32, #tpu.memory_space<vmem_shared>>
    tpu.wait_dma2 semaphore(%arg21 : memref<!tpu.dma_semaphore, #tpu.memory_space<semaphore_mem>>) src(%dma_wait3A_681 : memref<8x1024xf32, #tpu.memory_space<vmem_shared>>) dst(%dma_wait3A_677 : memref<8x1024xf32, #tpu.memory_space<hbm>>)
    %dma_start3A_682 = arith.constant 1 : i32
    %dma_start3A_683 = arith.constant 1 : i32
    %dma_start3A_684 = arith.constant 0 : i32
    %dma_start3A_685 = arith.constant 0 : i32
    %dma_start3A_686 = tpu.memref_slice %arg6[%dma_start3A_682, %dma_start3A_684, %dma_start3A_685] : memref<8x8x1024xf32, #tpu.memory_space<vmem>> -> memref<1x8x1024xf32, #tpu.memory_space<vmem>>
    %dma_start3A_687 = tpu.memref_squeeze %dma_start3A_686 : memref<1x8x1024xf32, #tpu.memory_space<vmem>> -> memref<8x1024xf32, #tpu.memory_space<vmem>>
    %dma_start3A_688 = arith.constant 0 : i32
    %dma_start3A_689 = arith.constant 0 : i32
    %dma_start3A_690 = tpu.memref_slice %arg7[%arg1, %dma_start3A_683, %dma_start3A_688, %dma_start3A_689] : memref<16x4x8x1024xf32, #tpu.memory_space<vmem_shared>> -> memref<1x1x8x1024xf32, #tpu.memory_space<vmem_shared>>
    %dma_start3A_691 = tpu.memref_squeeze %dma_start3A_690 : memref<1x1x8x1024xf32, #tpu.memory_space<vmem_shared>> -> memref<8x1024xf32, #tpu.memory_space<vmem_shared>>
    %dma_start3A_692 = arith.constant 0 : i32
    %dma_start3A_693 = arith.constant 0 : i32
    %dma_start3A_694 = tpu.memref_slice %arg7[%arg1, %dma_start3A_683, %dma_start3A_692, %dma_start3A_693] : memref<16x4x8x1024xf32, #tpu.memory_space<vmem_shared>> -> memref<1x1x8x1024xf32, #tpu.memory_space<vmem_shared>>
    %dma_start3A_695 = tpu.memref_squeeze %dma_start3A_694 : memref<1x1x8x1024xf32, #tpu.memory_space<vmem_shared>> -> memref<8x1024xf32, #tpu.memory_space<vmem_shared>>
    %dma_start3A_696 = arith.constant 0 : i32
    %dma_start3A_697 = arith.constant 0 : i32
    %dma_start3A_698 = tpu.memref_slice %arg6[%dma_start3A_682, %dma_start3A_696, %dma_start3A_697] : memref<8x8x1024xf32, #tpu.memory_space<vmem>> -> memref<1x8x1024xf32, #tpu.memory_space<vmem>>
    %dma_start3A_699 = tpu.memref_squeeze %dma_start3A_698 : memref<1x8x1024xf32, #tpu.memory_space<vmem>> -> memref<8x1024xf32, #tpu.memory_space<vmem>>
    tpu.enqueue_dma source(%dma_start3A_699 : memref<8x1024xf32, #tpu.memory_space<vmem>>) target(%dma_start3A_695 : memref<8x1024xf32, #tpu.memory_space<vmem_shared>>) target_semaphore(%arg17 : memref<!tpu.dma_semaphore, #tpu.memory_space<semaphore_mem>>)
    %dma_start3A_700 = arith.constant 5 : i32
    %dma_start3A_701 = arith.constant 0 : i32
    %dma_start3A_702 = arith.constant 0 : i32
    %dma_start3A_703 = tpu.memref_slice %arg6[%dma_start3A_700, %dma_start3A_701, %dma_start3A_702] : memref<8x8x1024xf32, #tpu.memory_space<vmem>> -> memref<1x8x1024xf32, #tpu.memory_space<vmem>>
    %dma_start3A_704 = tpu.memref_squeeze %dma_start3A_703 : memref<1x8x1024xf32, #tpu.memory_space<vmem>> -> memref<8x1024xf32, #tpu.memory_space<vmem>>
    %dma_start3A_705 = arith.constant 1000 : i32
    %dma_start3A_706 = tpu.memref_slice %arg5[%dma_start3A_705] : memref<1024xi32, #tpu.memory_space<vmem>> -> memref<8xi32, #tpu.memory_space<vmem>>
    %dma_start3A_707 = arith.constant 0 : i32
    %dma_start3A_708 = arith.constant 0 : i32
    %dma_start3A_709 = tpu.memref_slice %arg3[%dma_start3A_707, %dma_start3A_708] : memref<151552x1024xf32, #tpu.memory_space<hbm>> -> memref<151552x1024xf32, #tpu.memory_space<hbm>>
    tpu.enqueue_indirect_dma source(%dma_start3A_709 : memref<151552x1024xf32, #tpu.memory_space<hbm>>) target(%dma_start3A_704 : memref<8x1024xf32, #tpu.memory_space<vmem>>) offsets(%dma_start3A_706 : memref<8xi32, #tpu.memory_space<vmem>>) semaphore(%arg13 : memref<!tpu.dma_semaphore, #tpu.memory_space<semaphore_mem>>)
    %dma_wait3A_710 = arith.constant 2 : i32
    %dma_wait3A_711 = arith.constant 0 : i32
    %dma_wait3A_712 = arith.constant 0 : i32
    %dma_wait3A_713 = tpu.memref_slice %arg6[%dma_wait3A_710, %dma_wait3A_711, %dma_wait3A_712] : memref<8x8x1024xf32, #tpu.memory_space<vmem>> -> memref<1x8x1024xf32, #tpu.memory_space<vmem>>
    %dma_wait3A_714 = tpu.memref_squeeze %dma_wait3A_713 : memref<1x8x1024xf32, #tpu.memory_space<vmem>> -> memref<8x1024xf32, #tpu.memory_space<vmem>>
    %dma_wait3A_715 = arith.constant 0 : i32
    %dma_wait3A_716 = tpu.memref_slice %arg5[%dma_wait3A_715] : memref<1024xi32, #tpu.memory_space<vmem>> -> memref<8xi32, #tpu.memory_space<vmem>>
    %dma_wait3A_717 = arith.constant 0 : i32
    %dma_wait3A_718 = arith.constant 0 : i32
    %dma_wait3A_719 = tpu.memref_slice %arg3[%dma_wait3A_717, %dma_wait3A_718] : memref<151552x1024xf32, #tpu.memory_space<hbm>> -> memref<151552x1024xf32, #tpu.memory_space<hbm>>
    tpu.wait_indirect_dma semaphore(%arg10 : memref<!tpu.dma_semaphore, #tpu.memory_space<semaphore_mem>>) src(%dma_wait3A_719 : memref<151552x1024xf32, #tpu.memory_space<hbm>>) dst(%dma_wait3A_714 : memref<8x1024xf32, #tpu.memory_space<vmem>>)
    %dma_wait3A_720 = arith.constant 0 : i32
    %dma_wait3A_721 = arith.constant 1 : i32
    %dma_wait3A_722 = arith.constant 0 : i32
    %dma_wait3A_723 = arith.constant 0 : i32
    %dma_wait3A_724 = tpu.memref_slice %arg6[%dma_wait3A_720, %dma_wait3A_722, %dma_wait3A_723] : memref<8x8x1024xf32, #tpu.memory_space<vmem>> -> memref<1x8x1024xf32, #tpu.memory_space<vmem>>
    %dma_wait3A_725 = tpu.memref_squeeze %dma_wait3A_724 : memref<1x8x1024xf32, #tpu.memory_space<vmem>> -> memref<8x1024xf32, #tpu.memory_space<vmem>>
    %dma_wait3A_726 = arith.constant 0 : i32
    %dma_wait3A_727 = arith.constant 0 : i32
    %dma_wait3A_728 = tpu.memref_slice %arg7[%arg1, %dma_wait3A_721, %dma_wait3A_726, %dma_wait3A_727] : memref<16x4x8x1024xf32, #tpu.memory_space<vmem_shared>> -> memref<1x1x8x1024xf32, #tpu.memory_space<vmem_shared>>
    %dma_wait3A_729 = tpu.memref_squeeze %dma_wait3A_728 : memref<1x1x8x1024xf32, #tpu.memory_space<vmem_shared>> -> memref<8x1024xf32, #tpu.memory_space<vmem_shared>>
    %dma_wait3A_730 = arith.constant 0 : i32
    %dma_wait3A_731 = arith.constant 0 : i32
    %dma_wait3A_732 = tpu.memref_slice %arg7[%arg1, %dma_wait3A_721, %dma_wait3A_730, %dma_wait3A_731] : memref<16x4x8x1024xf32, #tpu.memory_space<vmem_shared>> -> memref<1x1x8x1024xf32, #tpu.memory_space<vmem_shared>>
    %dma_wait3A_733 = tpu.memref_squeeze %dma_wait3A_732 : memref<1x1x8x1024xf32, #tpu.memory_space<vmem_shared>> -> memref<8x1024xf32, #tpu.memory_space<vmem_shared>>
    %dma_wait3A_734 = arith.constant 0 : i32
    %dma_wait3A_735 = arith.constant 0 : i32
    %dma_wait3A_736 = tpu.memref_slice %arg6[%dma_wait3A_720, %dma_wait3A_734, %dma_wait3A_735] : memref<8x8x1024xf32, #tpu.memory_space<vmem>> -> memref<1x8x1024xf32, #tpu.memory_space<vmem>>
    %dma_wait3A_737 = tpu.memref_squeeze %dma_wait3A_736 : memref<1x8x1024xf32, #tpu.memory_space<vmem>> -> memref<8x1024xf32, #tpu.memory_space<vmem>>
    tpu.wait_dma2 semaphore(%arg17 : memref<!tpu.dma_semaphore, #tpu.memory_space<semaphore_mem>>) src(%dma_wait3A_737 : memref<8x1024xf32, #tpu.memory_space<vmem>>) dst(%dma_wait3A_733 : memref<8x1024xf32, #tpu.memory_space<vmem_shared>>)
    %add3A_738 = arith.constant 968 : i32
    %add3A_739 = arith.addi %mul3A_2, %add3A_738 : i32
    %dma_start3A_740 = arith.constant 1 : i32
    %dma_start3A_741 = arith.constant 0 : i32
    %dma_start3A_742 = tpu.memref_slice %arg4[%add3A_739, %dma_start3A_741] : memref<32768x1024xf32, #tpu.memory_space<hbm>> -> memref<8x1024xf32, #tpu.memory_space<hbm>>
    %dma_start3A_743 = arith.constant 0 : i32
    %dma_start3A_744 = arith.constant 0 : i32
    %dma_start3A_745 = tpu.memref_slice %arg7[%arg1, %dma_start3A_740, %dma_start3A_743, %dma_start3A_744] : memref<16x4x8x1024xf32, #tpu.memory_space<vmem_shared>> -> memref<1x1x8x1024xf32, #tpu.memory_space<vmem_shared>>
    %dma_start3A_746 = tpu.memref_squeeze %dma_start3A_745 : memref<1x1x8x1024xf32, #tpu.memory_space<vmem_shared>> -> memref<8x1024xf32, #tpu.memory_space<vmem_shared>>
    tpu.enqueue_dma source(%dma_start3A_746 : memref<8x1024xf32, #tpu.memory_space<vmem_shared>>) target(%dma_start3A_742 : memref<8x1024xf32, #tpu.memory_space<hbm>>) target_semaphore(%arg21 : memref<!tpu.dma_semaphore, #tpu.memory_space<semaphore_mem>>)
    %dma_wait3A_747 = arith.constant 2 : i32
    %dma_wait3A_748 = arith.constant 0 : i32
    %dma_wait3A_749 = tpu.memref_slice %arg4[%mul3A_2, %dma_wait3A_748] : memref<32768x1024xf32, #tpu.memory_space<hbm>> -> memref<8x1024xf32, #tpu.memory_space<hbm>>
    %dma_wait3A_750 = arith.constant 0 : i32
    %dma_wait3A_751 = arith.constant 0 : i32
    %dma_wait3A_752 = tpu.memref_slice %arg7[%arg1, %dma_wait3A_747, %dma_wait3A_750, %dma_wait3A_751] : memref<16x4x8x1024xf32, #tpu.memory_space<vmem_shared>> -> memref<1x1x8x1024xf32, #tpu.memory_space<vmem_shared>>
    %dma_wait3A_753 = tpu.memref_squeeze %dma_wait3A_752 : memref<1x1x8x1024xf32, #tpu.memory_space<vmem_shared>> -> memref<8x1024xf32, #tpu.memory_space<vmem_shared>>
    tpu.wait_dma2 semaphore(%arg22 : memref<!tpu.dma_semaphore, #tpu.memory_space<semaphore_mem>>) src(%dma_wait3A_753 : memref<8x1024xf32, #tpu.memory_space<vmem_shared>>) dst(%dma_wait3A_749 : memref<8x1024xf32, #tpu.memory_space<hbm>>)
    %dma_start3A_754 = arith.constant 2 : i32
    %dma_start3A_755 = arith.constant 2 : i32
    %dma_start3A_756 = arith.constant 0 : i32
    %dma_start3A_757 = arith.constant 0 : i32
    %dma_start3A_758 = tpu.memref_slice %arg6[%dma_start3A_754, %dma_start3A_756, %dma_start3A_757] : memref<8x8x1024xf32, #tpu.memory_space<vmem>> -> memref<1x8x1024xf32, #tpu.memory_space<vmem>>
    %dma_start3A_759 = tpu.memref_squeeze %dma_start3A_758 : memref<1x8x1024xf32, #tpu.memory_space<vmem>> -> memref<8x1024xf32, #tpu.memory_space<vmem>>
    %dma_start3A_760 = arith.constant 0 : i32
    %dma_start3A_761 = arith.constant 0 : i32
    %dma_start3A_762 = tpu.memref_slice %arg7[%arg1, %dma_start3A_755, %dma_start3A_760, %dma_start3A_761] : memref<16x4x8x1024xf32, #tpu.memory_space<vmem_shared>> -> memref<1x1x8x1024xf32, #tpu.memory_space<vmem_shared>>
    %dma_start3A_763 = tpu.memref_squeeze %dma_start3A_762 : memref<1x1x8x1024xf32, #tpu.memory_space<vmem_shared>> -> memref<8x1024xf32, #tpu.memory_space<vmem_shared>>
    %dma_start3A_764 = arith.constant 0 : i32
    %dma_start3A_765 = arith.constant 0 : i32
    %dma_start3A_766 = tpu.memref_slice %arg7[%arg1, %dma_start3A_755, %dma_start3A_764, %dma_start3A_765] : memref<16x4x8x1024xf32, #tpu.memory_space<vmem_shared>> -> memref<1x1x8x1024xf32, #tpu.memory_space<vmem_shared>>
    %dma_start3A_767 = tpu.memref_squeeze %dma_start3A_766 : memref<1x1x8x1024xf32, #tpu.memory_space<vmem_shared>> -> memref<8x1024xf32, #tpu.memory_space<vmem_shared>>
    %dma_start3A_768 = arith.constant 0 : i32
    %dma_start3A_769 = arith.constant 0 : i32
    %dma_start3A_770 = tpu.memref_slice %arg6[%dma_start3A_754, %dma_start3A_768, %dma_start3A_769] : memref<8x8x1024xf32, #tpu.memory_space<vmem>> -> memref<1x8x1024xf32, #tpu.memory_space<vmem>>
    %dma_start3A_771 = tpu.memref_squeeze %dma_start3A_770 : memref<1x8x1024xf32, #tpu.memory_space<vmem>> -> memref<8x1024xf32, #tpu.memory_space<vmem>>
    tpu.enqueue_dma source(%dma_start3A_771 : memref<8x1024xf32, #tpu.memory_space<vmem>>) target(%dma_start3A_767 : memref<8x1024xf32, #tpu.memory_space<vmem_shared>>) target_semaphore(%arg18 : memref<!tpu.dma_semaphore, #tpu.memory_space<semaphore_mem>>)
    %dma_start3A_772 = arith.constant 6 : i32
    %dma_start3A_773 = arith.constant 0 : i32
    %dma_start3A_774 = arith.constant 0 : i32
    %dma_start3A_775 = tpu.memref_slice %arg6[%dma_start3A_772, %dma_start3A_773, %dma_start3A_774] : memref<8x8x1024xf32, #tpu.memory_space<vmem>> -> memref<1x8x1024xf32, #tpu.memory_space<vmem>>
    %dma_start3A_776 = tpu.memref_squeeze %dma_start3A_775 : memref<1x8x1024xf32, #tpu.memory_space<vmem>> -> memref<8x1024xf32, #tpu.memory_space<vmem>>
    %dma_start3A_777 = arith.constant 1008 : i32
    %dma_start3A_778 = tpu.memref_slice %arg5[%dma_start3A_777] : memref<1024xi32, #tpu.memory_space<vmem>> -> memref<8xi32, #tpu.memory_space<vmem>>
    %dma_start3A_779 = arith.constant 0 : i32
    %dma_start3A_780 = arith.constant 0 : i32
    %dma_start3A_781 = tpu.memref_slice %arg3[%dma_start3A_779, %dma_start3A_780] : memref<151552x1024xf32, #tpu.memory_space<hbm>> -> memref<151552x1024xf32, #tpu.memory_space<hbm>>
    tpu.enqueue_indirect_dma source(%dma_start3A_781 : memref<151552x1024xf32, #tpu.memory_space<hbm>>) target(%dma_start3A_776 : memref<8x1024xf32, #tpu.memory_space<vmem>>) offsets(%dma_start3A_778 : memref<8xi32, #tpu.memory_space<vmem>>) semaphore(%arg14 : memref<!tpu.dma_semaphore, #tpu.memory_space<semaphore_mem>>)
    %dma_wait3A_782 = arith.constant 3 : i32
    %dma_wait3A_783 = arith.constant 0 : i32
    %dma_wait3A_784 = arith.constant 0 : i32
    %dma_wait3A_785 = tpu.memref_slice %arg6[%dma_wait3A_782, %dma_wait3A_783, %dma_wait3A_784] : memref<8x8x1024xf32, #tpu.memory_space<vmem>> -> memref<1x8x1024xf32, #tpu.memory_space<vmem>>
    %dma_wait3A_786 = tpu.memref_squeeze %dma_wait3A_785 : memref<1x8x1024xf32, #tpu.memory_space<vmem>> -> memref<8x1024xf32, #tpu.memory_space<vmem>>
    %dma_wait3A_787 = arith.constant 0 : i32
    %dma_wait3A_788 = tpu.memref_slice %arg5[%dma_wait3A_787] : memref<1024xi32, #tpu.memory_space<vmem>> -> memref<8xi32, #tpu.memory_space<vmem>>
    %dma_wait3A_789 = arith.constant 0 : i32
    %dma_wait3A_790 = arith.constant 0 : i32
    %dma_wait3A_791 = tpu.memref_slice %arg3[%dma_wait3A_789, %dma_wait3A_790] : memref<151552x1024xf32, #tpu.memory_space<hbm>> -> memref<151552x1024xf32, #tpu.memory_space<hbm>>
    tpu.wait_indirect_dma semaphore(%arg11 : memref<!tpu.dma_semaphore, #tpu.memory_space<semaphore_mem>>) src(%dma_wait3A_791 : memref<151552x1024xf32, #tpu.memory_space<hbm>>) dst(%dma_wait3A_786 : memref<8x1024xf32, #tpu.memory_space<vmem>>)
    %dma_wait3A_792 = arith.constant 0 : i32
    %dma_wait3A_793 = arith.constant 2 : i32
    %dma_wait3A_794 = arith.constant 0 : i32
    %dma_wait3A_795 = arith.constant 0 : i32
    %dma_wait3A_796 = tpu.memref_slice %arg6[%dma_wait3A_792, %dma_wait3A_794, %dma_wait3A_795] : memref<8x8x1024xf32, #tpu.memory_space<vmem>> -> memref<1x8x1024xf32, #tpu.memory_space<vmem>>
    %dma_wait3A_797 = tpu.memref_squeeze %dma_wait3A_796 : memref<1x8x1024xf32, #tpu.memory_space<vmem>> -> memref<8x1024xf32, #tpu.memory_space<vmem>>
    %dma_wait3A_798 = arith.constant 0 : i32
    %dma_wait3A_799 = arith.constant 0 : i32
    %dma_wait3A_800 = tpu.memref_slice %arg7[%arg1, %dma_wait3A_793, %dma_wait3A_798, %dma_wait3A_799] : memref<16x4x8x1024xf32, #tpu.memory_space<vmem_shared>> -> memref<1x1x8x1024xf32, #tpu.memory_space<vmem_shared>>
    %dma_wait3A_801 = tpu.memref_squeeze %dma_wait3A_800 : memref<1x1x8x1024xf32, #tpu.memory_space<vmem_shared>> -> memref<8x1024xf32, #tpu.memory_space<vmem_shared>>
    %dma_wait3A_802 = arith.constant 0 : i32
    %dma_wait3A_803 = arith.constant 0 : i32
    %dma_wait3A_804 = tpu.memref_slice %arg7[%arg1, %dma_wait3A_793, %dma_wait3A_802, %dma_wait3A_803] : memref<16x4x8x1024xf32, #tpu.memory_space<vmem_shared>> -> memref<1x1x8x1024xf32, #tpu.memory_space<vmem_shared>>
    %dma_wait3A_805 = tpu.memref_squeeze %dma_wait3A_804 : memref<1x1x8x1024xf32, #tpu.memory_space<vmem_shared>> -> memref<8x1024xf32, #tpu.memory_space<vmem_shared>>
    %dma_wait3A_806 = arith.constant 0 : i32
    %dma_wait3A_807 = arith.constant 0 : i32
    %dma_wait3A_808 = tpu.memref_slice %arg6[%dma_wait3A_792, %dma_wait3A_806, %dma_wait3A_807] : memref<8x8x1024xf32, #tpu.memory_space<vmem>> -> memref<1x8x1024xf32, #tpu.memory_space<vmem>>
    %dma_wait3A_809 = tpu.memref_squeeze %dma_wait3A_808 : memref<1x8x1024xf32, #tpu.memory_space<vmem>> -> memref<8x1024xf32, #tpu.memory_space<vmem>>
    tpu.wait_dma2 semaphore(%arg18 : memref<!tpu.dma_semaphore, #tpu.memory_space<semaphore_mem>>) src(%dma_wait3A_809 : memref<8x1024xf32, #tpu.memory_space<vmem>>) dst(%dma_wait3A_805 : memref<8x1024xf32, #tpu.memory_space<vmem_shared>>)
    %add3A_810 = arith.constant 976 : i32
    %add3A_811 = arith.addi %mul3A_2, %add3A_810 : i32
    %dma_start3A_812 = arith.constant 2 : i32
    %dma_start3A_813 = arith.constant 0 : i32
    %dma_start3A_814 = tpu.memref_slice %arg4[%add3A_811, %dma_start3A_813] : memref<32768x1024xf32, #tpu.memory_space<hbm>> -> memref<8x1024xf32, #tpu.memory_space<hbm>>
    %dma_start3A_815 = arith.constant 0 : i32
    %dma_start3A_816 = arith.constant 0 : i32
    %dma_start3A_817 = tpu.memref_slice %arg7[%arg1, %dma_start3A_812, %dma_start3A_815, %dma_start3A_816] : memref<16x4x8x1024xf32, #tpu.memory_space<vmem_shared>> -> memref<1x1x8x1024xf32, #tpu.memory_space<vmem_shared>>
    %dma_start3A_818 = tpu.memref_squeeze %dma_start3A_817 : memref<1x1x8x1024xf32, #tpu.memory_space<vmem_shared>> -> memref<8x1024xf32, #tpu.memory_space<vmem_shared>>
    tpu.enqueue_dma source(%dma_start3A_818 : memref<8x1024xf32, #tpu.memory_space<vmem_shared>>) target(%dma_start3A_814 : memref<8x1024xf32, #tpu.memory_space<hbm>>) target_semaphore(%arg22 : memref<!tpu.dma_semaphore, #tpu.memory_space<semaphore_mem>>)
    %dma_wait3A_819 = arith.constant 3 : i32
    %dma_wait3A_820 = arith.constant 0 : i32
    %dma_wait3A_821 = tpu.memref_slice %arg4[%mul3A_2, %dma_wait3A_820] : memref<32768x1024xf32, #tpu.memory_space<hbm>> -> memref<8x1024xf32, #tpu.memory_space<hbm>>
    %dma_wait3A_822 = arith.constant 0 : i32
    %dma_wait3A_823 = arith.constant 0 : i32
    %dma_wait3A_824 = tpu.memref_slice %arg7[%arg1, %dma_wait3A_819, %dma_wait3A_822, %dma_wait3A_823] : memref<16x4x8x1024xf32, #tpu.memory_space<vmem_shared>> -> memref<1x1x8x1024xf32, #tpu.memory_space<vmem_shared>>
    %dma_wait3A_825 = tpu.memref_squeeze %dma_wait3A_824 : memref<1x1x8x1024xf32, #tpu.memory_space<vmem_shared>> -> memref<8x1024xf32, #tpu.memory_space<vmem_shared>>
    tpu.wait_dma2 semaphore(%arg23 : memref<!tpu.dma_semaphore, #tpu.memory_space<semaphore_mem>>) src(%dma_wait3A_825 : memref<8x1024xf32, #tpu.memory_space<vmem_shared>>) dst(%dma_wait3A_821 : memref<8x1024xf32, #tpu.memory_space<hbm>>)
    %dma_start3A_826 = arith.constant 3 : i32
    %dma_start3A_827 = arith.constant 3 : i32
    %dma_start3A_828 = arith.constant 0 : i32
    %dma_start3A_829 = arith.constant 0 : i32
    %dma_start3A_830 = tpu.memref_slice %arg6[%dma_start3A_826, %dma_start3A_828, %dma_start3A_829] : memref<8x8x1024xf32, #tpu.memory_space<vmem>> -> memref<1x8x1024xf32, #tpu.memory_space<vmem>>
    %dma_start3A_831 = tpu.memref_squeeze %dma_start3A_830 : memref<1x8x1024xf32, #tpu.memory_space<vmem>> -> memref<8x1024xf32, #tpu.memory_space<vmem>>
    %dma_start3A_832 = arith.constant 0 : i32
    %dma_start3A_833 = arith.constant 0 : i32
    %dma_start3A_834 = tpu.memref_slice %arg7[%arg1, %dma_start3A_827, %dma_start3A_832, %dma_start3A_833] : memref<16x4x8x1024xf32, #tpu.memory_space<vmem_shared>> -> memref<1x1x8x1024xf32, #tpu.memory_space<vmem_shared>>
    %dma_start3A_835 = tpu.memref_squeeze %dma_start3A_834 : memref<1x1x8x1024xf32, #tpu.memory_space<vmem_shared>> -> memref<8x1024xf32, #tpu.memory_space<vmem_shared>>
    %dma_start3A_836 = arith.constant 0 : i32
    %dma_start3A_837 = arith.constant 0 : i32
    %dma_start3A_838 = tpu.memref_slice %arg7[%arg1, %dma_start3A_827, %dma_start3A_836, %dma_start3A_837] : memref<16x4x8x1024xf32, #tpu.memory_space<vmem_shared>> -> memref<1x1x8x1024xf32, #tpu.memory_space<vmem_shared>>
    %dma_start3A_839 = tpu.memref_squeeze %dma_start3A_838 : memref<1x1x8x1024xf32, #tpu.memory_space<vmem_shared>> -> memref<8x1024xf32, #tpu.memory_space<vmem_shared>>
    %dma_start3A_840 = arith.constant 0 : i32
    %dma_start3A_841 = arith.constant 0 : i32
    %dma_start3A_842 = tpu.memref_slice %arg6[%dma_start3A_826, %dma_start3A_840, %dma_start3A_841] : memref<8x8x1024xf32, #tpu.memory_space<vmem>> -> memref<1x8x1024xf32, #tpu.memory_space<vmem>>
    %dma_start3A_843 = tpu.memref_squeeze %dma_start3A_842 : memref<1x8x1024xf32, #tpu.memory_space<vmem>> -> memref<8x1024xf32, #tpu.memory_space<vmem>>
    tpu.enqueue_dma source(%dma_start3A_843 : memref<8x1024xf32, #tpu.memory_space<vmem>>) target(%dma_start3A_839 : memref<8x1024xf32, #tpu.memory_space<vmem_shared>>) target_semaphore(%arg19 : memref<!tpu.dma_semaphore, #tpu.memory_space<semaphore_mem>>)
    %dma_start3A_844 = arith.constant 7 : i32
    %dma_start3A_845 = arith.constant 0 : i32
    %dma_start3A_846 = arith.constant 0 : i32
    %dma_start3A_847 = tpu.memref_slice %arg6[%dma_start3A_844, %dma_start3A_845, %dma_start3A_846] : memref<8x8x1024xf32, #tpu.memory_space<vmem>> -> memref<1x8x1024xf32, #tpu.memory_space<vmem>>
    %dma_start3A_848 = tpu.memref_squeeze %dma_start3A_847 : memref<1x8x1024xf32, #tpu.memory_space<vmem>> -> memref<8x1024xf32, #tpu.memory_space<vmem>>
    %dma_start3A_849 = arith.constant 1016 : i32
    %dma_start3A_850 = tpu.memref_slice %arg5[%dma_start3A_849] : memref<1024xi32, #tpu.memory_space<vmem>> -> memref<8xi32, #tpu.memory_space<vmem>>
    %dma_start3A_851 = arith.constant 0 : i32
    %dma_start3A_852 = arith.constant 0 : i32
    %dma_start3A_853 = tpu.memref_slice %arg3[%dma_start3A_851, %dma_start3A_852] : memref<151552x1024xf32, #tpu.memory_space<hbm>> -> memref<151552x1024xf32, #tpu.memory_space<hbm>>
    tpu.enqueue_indirect_dma source(%dma_start3A_853 : memref<151552x1024xf32, #tpu.memory_space<hbm>>) target(%dma_start3A_848 : memref<8x1024xf32, #tpu.memory_space<vmem>>) offsets(%dma_start3A_850 : memref<8xi32, #tpu.memory_space<vmem>>) semaphore(%arg15 : memref<!tpu.dma_semaphore, #tpu.memory_space<semaphore_mem>>)
    %dma_wait3A_854 = arith.constant 4 : i32
    %dma_wait3A_855 = arith.constant 0 : i32
    %dma_wait3A_856 = arith.constant 0 : i32
    %dma_wait3A_857 = tpu.memref_slice %arg6[%dma_wait3A_854, %dma_wait3A_855, %dma_wait3A_856] : memref<8x8x1024xf32, #tpu.memory_space<vmem>> -> memref<1x8x1024xf32, #tpu.memory_space<vmem>>
    %dma_wait3A_858 = tpu.memref_squeeze %dma_wait3A_857 : memref<1x8x1024xf32, #tpu.memory_space<vmem>> -> memref<8x1024xf32, #tpu.memory_space<vmem>>
    %dma_wait3A_859 = arith.constant 0 : i32
    %dma_wait3A_860 = tpu.memref_slice %arg5[%dma_wait3A_859] : memref<1024xi32, #tpu.memory_space<vmem>> -> memref<8xi32, #tpu.memory_space<vmem>>
    %dma_wait3A_861 = arith.constant 0 : i32
    %dma_wait3A_862 = arith.constant 0 : i32
    %dma_wait3A_863 = tpu.memref_slice %arg3[%dma_wait3A_861, %dma_wait3A_862] : memref<151552x1024xf32, #tpu.memory_space<hbm>> -> memref<151552x1024xf32, #tpu.memory_space<hbm>>
    tpu.wait_indirect_dma semaphore(%arg12 : memref<!tpu.dma_semaphore, #tpu.memory_space<semaphore_mem>>) src(%dma_wait3A_863 : memref<151552x1024xf32, #tpu.memory_space<hbm>>) dst(%dma_wait3A_858 : memref<8x1024xf32, #tpu.memory_space<vmem>>)
    %dma_wait3A_864 = arith.constant 0 : i32
    %dma_wait3A_865 = arith.constant 3 : i32
    %dma_wait3A_866 = arith.constant 0 : i32
    %dma_wait3A_867 = arith.constant 0 : i32
    %dma_wait3A_868 = tpu.memref_slice %arg6[%dma_wait3A_864, %dma_wait3A_866, %dma_wait3A_867] : memref<8x8x1024xf32, #tpu.memory_space<vmem>> -> memref<1x8x1024xf32, #tpu.memory_space<vmem>>
    %dma_wait3A_869 = tpu.memref_squeeze %dma_wait3A_868 : memref<1x8x1024xf32, #tpu.memory_space<vmem>> -> memref<8x1024xf32, #tpu.memory_space<vmem>>
    %dma_wait3A_870 = arith.constant 0 : i32
    %dma_wait3A_871 = arith.constant 0 : i32
    %dma_wait3A_872 = tpu.memref_slice %arg7[%arg1, %dma_wait3A_865, %dma_wait3A_870, %dma_wait3A_871] : memref<16x4x8x1024xf32, #tpu.memory_space<vmem_shared>> -> memref<1x1x8x1024xf32, #tpu.memory_space<vmem_shared>>
    %dma_wait3A_873 = tpu.memref_squeeze %dma_wait3A_872 : memref<1x1x8x1024xf32, #tpu.memory_space<vmem_shared>> -> memref<8x1024xf32, #tpu.memory_space<vmem_shared>>
    %dma_wait3A_874 = arith.constant 0 : i32
    %dma_wait3A_875 = arith.constant 0 : i32
    %dma_wait3A_876 = tpu.memref_slice %arg7[%arg1, %dma_wait3A_865, %dma_wait3A_874, %dma_wait3A_875] : memref<16x4x8x1024xf32, #tpu.memory_space<vmem_shared>> -> memref<1x1x8x1024xf32, #tpu.memory_space<vmem_shared>>
    %dma_wait3A_877 = tpu.memref_squeeze %dma_wait3A_876 : memref<1x1x8x1024xf32, #tpu.memory_space<vmem_shared>> -> memref<8x1024xf32, #tpu.memory_space<vmem_shared>>
    %dma_wait3A_878 = arith.constant 0 : i32
    %dma_wait3A_879 = arith.constant 0 : i32
    %dma_wait3A_880 = tpu.memref_slice %arg6[%dma_wait3A_864, %dma_wait3A_878, %dma_wait3A_879] : memref<8x8x1024xf32, #tpu.memory_space<vmem>> -> memref<1x8x1024xf32, #tpu.memory_space<vmem>>
    %dma_wait3A_881 = tpu.memref_squeeze %dma_wait3A_880 : memref<1x8x1024xf32, #tpu.memory_space<vmem>> -> memref<8x1024xf32, #tpu.memory_space<vmem>>
    tpu.wait_dma2 semaphore(%arg19 : memref<!tpu.dma_semaphore, #tpu.memory_space<semaphore_mem>>) src(%dma_wait3A_881 : memref<8x1024xf32, #tpu.memory_space<vmem>>) dst(%dma_wait3A_877 : memref<8x1024xf32, #tpu.memory_space<vmem_shared>>)
    %add3A_882 = arith.constant 984 : i32
    %add3A_883 = arith.addi %mul3A_2, %add3A_882 : i32
    %dma_start3A_884 = arith.constant 3 : i32
    %dma_start3A_885 = arith.constant 0 : i32
    %dma_start3A_886 = tpu.memref_slice %arg4[%add3A_883, %dma_start3A_885] : memref<32768x1024xf32, #tpu.memory_space<hbm>> -> memref<8x1024xf32, #tpu.memory_space<hbm>>
    %dma_start3A_887 = arith.constant 0 : i32
    %dma_start3A_888 = arith.constant 0 : i32
    %dma_start3A_889 = tpu.memref_slice %arg7[%arg1, %dma_start3A_884, %dma_start3A_887, %dma_start3A_888] : memref<16x4x8x1024xf32, #tpu.memory_space<vmem_shared>> -> memref<1x1x8x1024xf32, #tpu.memory_space<vmem_shared>>
    %dma_start3A_890 = tpu.memref_squeeze %dma_start3A_889 : memref<1x1x8x1024xf32, #tpu.memory_space<vmem_shared>> -> memref<8x1024xf32, #tpu.memory_space<vmem_shared>>
    tpu.enqueue_dma source(%dma_start3A_890 : memref<8x1024xf32, #tpu.memory_space<vmem_shared>>) target(%dma_start3A_886 : memref<8x1024xf32, #tpu.memory_space<hbm>>) target_semaphore(%arg23 : memref<!tpu.dma_semaphore, #tpu.memory_space<semaphore_mem>>)
    %dma_wait3A_891 = arith.constant 0 : i32
    %dma_wait3A_892 = arith.constant 0 : i32
    %dma_wait3A_893 = tpu.memref_slice %arg4[%mul3A_2, %dma_wait3A_892] : memref<32768x1024xf32, #tpu.memory_space<hbm>> -> memref<8x1024xf32, #tpu.memory_space<hbm>>
    %dma_wait3A_894 = arith.constant 0 : i32
    %dma_wait3A_895 = arith.constant 0 : i32
    %dma_wait3A_896 = tpu.memref_slice %arg7[%arg1, %dma_wait3A_891, %dma_wait3A_894, %dma_wait3A_895] : memref<16x4x8x1024xf32, #tpu.memory_space<vmem_shared>> -> memref<1x1x8x1024xf32, #tpu.memory_space<vmem_shared>>
    %dma_wait3A_897 = tpu.memref_squeeze %dma_wait3A_896 : memref<1x1x8x1024xf32, #tpu.memory_space<vmem_shared>> -> memref<8x1024xf32, #tpu.memory_space<vmem_shared>>
    tpu.wait_dma2 semaphore(%arg20 : memref<!tpu.dma_semaphore, #tpu.memory_space<semaphore_mem>>) src(%dma_wait3A_897 : memref<8x1024xf32, #tpu.memory_space<vmem_shared>>) dst(%dma_wait3A_893 : memref<8x1024xf32, #tpu.memory_space<hbm>>)
    %dma_start3A_898 = arith.constant 4 : i32
    %dma_start3A_899 = arith.constant 0 : i32
    %dma_start3A_900 = arith.constant 0 : i32
    %dma_start3A_901 = arith.constant 0 : i32
    %dma_start3A_902 = tpu.memref_slice %arg6[%dma_start3A_898, %dma_start3A_900, %dma_start3A_901] : memref<8x8x1024xf32, #tpu.memory_space<vmem>> -> memref<1x8x1024xf32, #tpu.memory_space<vmem>>
    %dma_start3A_903 = tpu.memref_squeeze %dma_start3A_902 : memref<1x8x1024xf32, #tpu.memory_space<vmem>> -> memref<8x1024xf32, #tpu.memory_space<vmem>>
    %dma_start3A_904 = arith.constant 0 : i32
    %dma_start3A_905 = arith.constant 0 : i32
    %dma_start3A_906 = tpu.memref_slice %arg7[%arg1, %dma_start3A_899, %dma_start3A_904, %dma_start3A_905] : memref<16x4x8x1024xf32, #tpu.memory_space<vmem_shared>> -> memref<1x1x8x1024xf32, #tpu.memory_space<vmem_shared>>
    %dma_start3A_907 = tpu.memref_squeeze %dma_start3A_906 : memref<1x1x8x1024xf32, #tpu.memory_space<vmem_shared>> -> memref<8x1024xf32, #tpu.memory_space<vmem_shared>>
    %dma_start3A_908 = arith.constant 0 : i32
    %dma_start3A_909 = arith.constant 0 : i32
    %dma_start3A_910 = tpu.memref_slice %arg7[%arg1, %dma_start3A_899, %dma_start3A_908, %dma_start3A_909] : memref<16x4x8x1024xf32, #tpu.memory_space<vmem_shared>> -> memref<1x1x8x1024xf32, #tpu.memory_space<vmem_shared>>
    %dma_start3A_911 = tpu.memref_squeeze %dma_start3A_910 : memref<1x1x8x1024xf32, #tpu.memory_space<vmem_shared>> -> memref<8x1024xf32, #tpu.memory_space<vmem_shared>>
    %dma_start3A_912 = arith.constant 0 : i32
    %dma_start3A_913 = arith.constant 0 : i32
    %dma_start3A_914 = tpu.memref_slice %arg6[%dma_start3A_898, %dma_start3A_912, %dma_start3A_913] : memref<8x8x1024xf32, #tpu.memory_space<vmem>> -> memref<1x8x1024xf32, #tpu.memory_space<vmem>>
    %dma_start3A_915 = tpu.memref_squeeze %dma_start3A_914 : memref<1x8x1024xf32, #tpu.memory_space<vmem>> -> memref<8x1024xf32, #tpu.memory_space<vmem>>
    tpu.enqueue_dma source(%dma_start3A_915 : memref<8x1024xf32, #tpu.memory_space<vmem>>) target(%dma_start3A_911 : memref<8x1024xf32, #tpu.memory_space<vmem_shared>>) target_semaphore(%arg16 : memref<!tpu.dma_semaphore, #tpu.memory_space<semaphore_mem>>)
    %dma_wait3A_916 = arith.constant 5 : i32
    %dma_wait3A_917 = arith.constant 0 : i32
    %dma_wait3A_918 = arith.constant 0 : i32
    %dma_wait3A_919 = tpu.memref_slice %arg6[%dma_wait3A_916, %dma_wait3A_917, %dma_wait3A_918] : memref<8x8x1024xf32, #tpu.memory_space<vmem>> -> memref<1x8x1024xf32, #tpu.memory_space<vmem>>
    %dma_wait3A_920 = tpu.memref_squeeze %dma_wait3A_919 : memref<1x8x1024xf32, #tpu.memory_space<vmem>> -> memref<8x1024xf32, #tpu.memory_space<vmem>>
    %dma_wait3A_921 = arith.constant 0 : i32
    %dma_wait3A_922 = tpu.memref_slice %arg5[%dma_wait3A_921] : memref<1024xi32, #tpu.memory_space<vmem>> -> memref<8xi32, #tpu.memory_space<vmem>>
    %dma_wait3A_923 = arith.constant 0 : i32
    %dma_wait3A_924 = arith.constant 0 : i32
    %dma_wait3A_925 = tpu.memref_slice %arg3[%dma_wait3A_923, %dma_wait3A_924] : memref<151552x1024xf32, #tpu.memory_space<hbm>> -> memref<151552x1024xf32, #tpu.memory_space<hbm>>
    tpu.wait_indirect_dma semaphore(%arg13 : memref<!tpu.dma_semaphore, #tpu.memory_space<semaphore_mem>>) src(%dma_wait3A_925 : memref<151552x1024xf32, #tpu.memory_space<hbm>>) dst(%dma_wait3A_920 : memref<8x1024xf32, #tpu.memory_space<vmem>>)
    %dma_wait3A_926 = arith.constant 0 : i32
    %dma_wait3A_927 = arith.constant 0 : i32
    %dma_wait3A_928 = arith.constant 0 : i32
    %dma_wait3A_929 = arith.constant 0 : i32
    %dma_wait3A_930 = tpu.memref_slice %arg6[%dma_wait3A_926, %dma_wait3A_928, %dma_wait3A_929] : memref<8x8x1024xf32, #tpu.memory_space<vmem>> -> memref<1x8x1024xf32, #tpu.memory_space<vmem>>
    %dma_wait3A_931 = tpu.memref_squeeze %dma_wait3A_930 : memref<1x8x1024xf32, #tpu.memory_space<vmem>> -> memref<8x1024xf32, #tpu.memory_space<vmem>>
    %dma_wait3A_932 = arith.constant 0 : i32
    %dma_wait3A_933 = arith.constant 0 : i32
    %dma_wait3A_934 = tpu.memref_slice %arg7[%arg1, %dma_wait3A_927, %dma_wait3A_932, %dma_wait3A_933] : memref<16x4x8x1024xf32, #tpu.memory_space<vmem_shared>> -> memref<1x1x8x1024xf32, #tpu.memory_space<vmem_shared>>
    %dma_wait3A_935 = tpu.memref_squeeze %dma_wait3A_934 : memref<1x1x8x1024xf32, #tpu.memory_space<vmem_shared>> -> memref<8x1024xf32, #tpu.memory_space<vmem_shared>>
    %dma_wait3A_936 = arith.constant 0 : i32
    %dma_wait3A_937 = arith.constant 0 : i32
    %dma_wait3A_938 = tpu.memref_slice %arg7[%arg1, %dma_wait3A_927, %dma_wait3A_936, %dma_wait3A_937] : memref<16x4x8x1024xf32, #tpu.memory_space<vmem_shared>> -> memref<1x1x8x1024xf32, #tpu.memory_space<vmem_shared>>
    %dma_wait3A_939 = tpu.memref_squeeze %dma_wait3A_938 : memref<1x1x8x1024xf32, #tpu.memory_space<vmem_shared>> -> memref<8x1024xf32, #tpu.memory_space<vmem_shared>>
    %dma_wait3A_940 = arith.constant 0 : i32
    %dma_wait3A_941 = arith.constant 0 : i32
    %dma_wait3A_942 = tpu.memref_slice %arg6[%dma_wait3A_926, %dma_wait3A_940, %dma_wait3A_941] : memref<8x8x1024xf32, #tpu.memory_space<vmem>> -> memref<1x8x1024xf32, #tpu.memory_space<vmem>>
    %dma_wait3A_943 = tpu.memref_squeeze %dma_wait3A_942 : memref<1x8x1024xf32, #tpu.memory_space<vmem>> -> memref<8x1024xf32, #tpu.memory_space<vmem>>
    tpu.wait_dma2 semaphore(%arg16 : memref<!tpu.dma_semaphore, #tpu.memory_space<semaphore_mem>>) src(%dma_wait3A_943 : memref<8x1024xf32, #tpu.memory_space<vmem>>) dst(%dma_wait3A_939 : memref<8x1024xf32, #tpu.memory_space<vmem_shared>>)
    %add3A_944 = arith.constant 992 : i32
    %add3A_945 = arith.addi %mul3A_2, %add3A_944 : i32
    %dma_start3A_946 = arith.constant 0 : i32
    %dma_start3A_947 = arith.constant 0 : i32
    %dma_start3A_948 = tpu.memref_slice %arg4[%add3A_945, %dma_start3A_947] : memref<32768x1024xf32, #tpu.memory_space<hbm>> -> memref<8x1024xf32, #tpu.memory_space<hbm>>
    %dma_start3A_949 = arith.constant 0 : i32
    %dma_start3A_950 = arith.constant 0 : i32
    %dma_start3A_951 = tpu.memref_slice %arg7[%arg1, %dma_start3A_946, %dma_start3A_949, %dma_start3A_950] : memref<16x4x8x1024xf32, #tpu.memory_space<vmem_shared>> -> memref<1x1x8x1024xf32, #tpu.memory_space<vmem_shared>>
    %dma_start3A_952 = tpu.memref_squeeze %dma_start3A_951 : memref<1x1x8x1024xf32, #tpu.memory_space<vmem_shared>> -> memref<8x1024xf32, #tpu.memory_space<vmem_shared>>
    tpu.enqueue_dma source(%dma_start3A_952 : memref<8x1024xf32, #tpu.memory_space<vmem_shared>>) target(%dma_start3A_948 : memref<8x1024xf32, #tpu.memory_space<hbm>>) target_semaphore(%arg20 : memref<!tpu.dma_semaphore, #tpu.memory_space<semaphore_mem>>)
    %dma_wait3A_953 = arith.constant 1 : i32
    %dma_wait3A_954 = arith.constant 0 : i32
    %dma_wait3A_955 = tpu.memref_slice %arg4[%mul3A_2, %dma_wait3A_954] : memref<32768x1024xf32, #tpu.memory_space<hbm>> -> memref<8x1024xf32, #tpu.memory_space<hbm>>
    %dma_wait3A_956 = arith.constant 0 : i32
    %dma_wait3A_957 = arith.constant 0 : i32
    %dma_wait3A_958 = tpu.memref_slice %arg7[%arg1, %dma_wait3A_953, %dma_wait3A_956, %dma_wait3A_957] : memref<16x4x8x1024xf32, #tpu.memory_space<vmem_shared>> -> memref<1x1x8x1024xf32, #tpu.memory_space<vmem_shared>>
    %dma_wait3A_959 = tpu.memref_squeeze %dma_wait3A_958 : memref<1x1x8x1024xf32, #tpu.memory_space<vmem_shared>> -> memref<8x1024xf32, #tpu.memory_space<vmem_shared>>
    tpu.wait_dma2 semaphore(%arg21 : memref<!tpu.dma_semaphore, #tpu.memory_space<semaphore_mem>>) src(%dma_wait3A_959 : memref<8x1024xf32, #tpu.memory_space<vmem_shared>>) dst(%dma_wait3A_955 : memref<8x1024xf32, #tpu.memory_space<hbm>>)
    %dma_start3A_960 = arith.constant 5 : i32
    %dma_start3A_961 = arith.constant 1 : i32
    %dma_start3A_962 = arith.constant 0 : i32
    %dma_start3A_963 = arith.constant 0 : i32
    %dma_start3A_964 = tpu.memref_slice %arg6[%dma_start3A_960, %dma_start3A_962, %dma_start3A_963] : memref<8x8x1024xf32, #tpu.memory_space<vmem>> -> memref<1x8x1024xf32, #tpu.memory_space<vmem>>
    %dma_start3A_965 = tpu.memref_squeeze %dma_start3A_964 : memref<1x8x1024xf32, #tpu.memory_space<vmem>> -> memref<8x1024xf32, #tpu.memory_space<vmem>>
    %dma_start3A_966 = arith.constant 0 : i32
    %dma_start3A_967 = arith.constant 0 : i32
    %dma_start3A_968 = tpu.memref_slice %arg7[%arg1, %dma_start3A_961, %dma_start3A_966, %dma_start3A_967] : memref<16x4x8x1024xf32, #tpu.memory_space<vmem_shared>> -> memref<1x1x8x1024xf32, #tpu.memory_space<vmem_shared>>
    %dma_start3A_969 = tpu.memref_squeeze %dma_start3A_968 : memref<1x1x8x1024xf32, #tpu.memory_space<vmem_shared>> -> memref<8x1024xf32, #tpu.memory_space<vmem_shared>>
    %dma_start3A_970 = arith.constant 0 : i32
    %dma_start3A_971 = arith.constant 0 : i32
    %dma_start3A_972 = tpu.memref_slice %arg7[%arg1, %dma_start3A_961, %dma_start3A_970, %dma_start3A_971] : memref<16x4x8x1024xf32, #tpu.memory_space<vmem_shared>> -> memref<1x1x8x1024xf32, #tpu.memory_space<vmem_shared>>
    %dma_start3A_973 = tpu.memref_squeeze %dma_start3A_972 : memref<1x1x8x1024xf32, #tpu.memory_space<vmem_shared>> -> memref<8x1024xf32, #tpu.memory_space<vmem_shared>>
    %dma_start3A_974 = arith.constant 0 : i32
    %dma_start3A_975 = arith.constant 0 : i32
    %dma_start3A_976 = tpu.memref_slice %arg6[%dma_start3A_960, %dma_start3A_974, %dma_start3A_975] : memref<8x8x1024xf32, #tpu.memory_space<vmem>> -> memref<1x8x1024xf32, #tpu.memory_space<vmem>>
    %dma_start3A_977 = tpu.memref_squeeze %dma_start3A_976 : memref<1x8x1024xf32, #tpu.memory_space<vmem>> -> memref<8x1024xf32, #tpu.memory_space<vmem>>
    tpu.enqueue_dma source(%dma_start3A_977 : memref<8x1024xf32, #tpu.memory_space<vmem>>) target(%dma_start3A_973 : memref<8x1024xf32, #tpu.memory_space<vmem_shared>>) target_semaphore(%arg17 : memref<!tpu.dma_semaphore, #tpu.memory_space<semaphore_mem>>)
    %dma_wait3A_978 = arith.constant 6 : i32
    %dma_wait3A_979 = arith.constant 0 : i32
    %dma_wait3A_980 = arith.constant 0 : i32
    %dma_wait3A_981 = tpu.memref_slice %arg6[%dma_wait3A_978, %dma_wait3A_979, %dma_wait3A_980] : memref<8x8x1024xf32, #tpu.memory_space<vmem>> -> memref<1x8x1024xf32, #tpu.memory_space<vmem>>
    %dma_wait3A_982 = tpu.memref_squeeze %dma_wait3A_981 : memref<1x8x1024xf32, #tpu.memory_space<vmem>> -> memref<8x1024xf32, #tpu.memory_space<vmem>>
    %dma_wait3A_983 = arith.constant 0 : i32
    %dma_wait3A_984 = tpu.memref_slice %arg5[%dma_wait3A_983] : memref<1024xi32, #tpu.memory_space<vmem>> -> memref<8xi32, #tpu.memory_space<vmem>>
    %dma_wait3A_985 = arith.constant 0 : i32
    %dma_wait3A_986 = arith.constant 0 : i32
    %dma_wait3A_987 = tpu.memref_slice %arg3[%dma_wait3A_985, %dma_wait3A_986] : memref<151552x1024xf32, #tpu.memory_space<hbm>> -> memref<151552x1024xf32, #tpu.memory_space<hbm>>
    tpu.wait_indirect_dma semaphore(%arg14 : memref<!tpu.dma_semaphore, #tpu.memory_space<semaphore_mem>>) src(%dma_wait3A_987 : memref<151552x1024xf32, #tpu.memory_space<hbm>>) dst(%dma_wait3A_982 : memref<8x1024xf32, #tpu.memory_space<vmem>>)
    %dma_wait3A_988 = arith.constant 0 : i32
    %dma_wait3A_989 = arith.constant 1 : i32
    %dma_wait3A_990 = arith.constant 0 : i32
    %dma_wait3A_991 = arith.constant 0 : i32
    %dma_wait3A_992 = tpu.memref_slice %arg6[%dma_wait3A_988, %dma_wait3A_990, %dma_wait3A_991] : memref<8x8x1024xf32, #tpu.memory_space<vmem>> -> memref<1x8x1024xf32, #tpu.memory_space<vmem>>
    %dma_wait3A_993 = tpu.memref_squeeze %dma_wait3A_992 : memref<1x8x1024xf32, #tpu.memory_space<vmem>> -> memref<8x1024xf32, #tpu.memory_space<vmem>>
    %dma_wait3A_994 = arith.constant 0 : i32
    %dma_wait3A_995 = arith.constant 0 : i32
    %dma_wait3A_996 = tpu.memref_slice %arg7[%arg1, %dma_wait3A_989, %dma_wait3A_994, %dma_wait3A_995] : memref<16x4x8x1024xf32, #tpu.memory_space<vmem_shared>> -> memref<1x1x8x1024xf32, #tpu.memory_space<vmem_shared>>
    %dma_wait3A_997 = tpu.memref_squeeze %dma_wait3A_996 : memref<1x1x8x1024xf32, #tpu.memory_space<vmem_shared>> -> memref<8x1024xf32, #tpu.memory_space<vmem_shared>>
    %dma_wait3A_998 = arith.constant 0 : i32
    %dma_wait3A_999 = arith.constant 0 : i32
    %dma_wait3A_1000 = tpu.memref_slice %arg7[%arg1, %dma_wait3A_989, %dma_wait3A_998, %dma_wait3A_999] : memref<16x4x8x1024xf32, #tpu.memory_space<vmem_shared>> -> memref<1x1x8x1024xf32, #tpu.memory_space<vmem_shared>>
    %dma_wait3A_1001 = tpu.memref_squeeze %dma_wait3A_1000 : memref<1x1x8x1024xf32, #tpu.memory_space<vmem_shared>> -> memref<8x1024xf32, #tpu.memory_space<vmem_shared>>
    %dma_wait3A_1002 = arith.constant 0 : i32
    %dma_wait3A_1003 = arith.constant 0 : i32
    %dma_wait3A_1004 = tpu.memref_slice %arg6[%dma_wait3A_988, %dma_wait3A_1002, %dma_wait3A_1003] : memref<8x8x1024xf32, #tpu.memory_space<vmem>> -> memref<1x8x1024xf32, #tpu.memory_space<vmem>>
    %dma_wait3A_1005 = tpu.memref_squeeze %dma_wait3A_1004 : memref<1x8x1024xf32, #tpu.memory_space<vmem>> -> memref<8x1024xf32, #tpu.memory_space<vmem>>
    tpu.wait_dma2 semaphore(%arg17 : memref<!tpu.dma_semaphore, #tpu.memory_space<semaphore_mem>>) src(%dma_wait3A_1005 : memref<8x1024xf32, #tpu.memory_space<vmem>>) dst(%dma_wait3A_1001 : memref<8x1024xf32, #tpu.memory_space<vmem_shared>>)
    %add3A_1006 = arith.constant 1000 : i32
    %add3A_1007 = arith.addi %mul3A_2, %add3A_1006 : i32
    %dma_start3A_1008 = arith.constant 1 : i32
    %dma_start3A_1009 = arith.constant 0 : i32
    %dma_start3A_1010 = tpu.memref_slice %arg4[%add3A_1007, %dma_start3A_1009] : memref<32768x1024xf32, #tpu.memory_space<hbm>> -> memref<8x1024xf32, #tpu.memory_space<hbm>>
    %dma_start3A_1011 = arith.constant 0 : i32
    %dma_start3A_1012 = arith.constant 0 : i32
    %dma_start3A_1013 = tpu.memref_slice %arg7[%arg1, %dma_start3A_1008, %dma_start3A_1011, %dma_start3A_1012] : memref<16x4x8x1024xf32, #tpu.memory_space<vmem_shared>> -> memref<1x1x8x1024xf32, #tpu.memory_space<vmem_shared>>
    %dma_start3A_1014 = tpu.memref_squeeze %dma_start3A_1013 : memref<1x1x8x1024xf32, #tpu.memory_space<vmem_shared>> -> memref<8x1024xf32, #tpu.memory_space<vmem_shared>>
    tpu.enqueue_dma source(%dma_start3A_1014 : memref<8x1024xf32, #tpu.memory_space<vmem_shared>>) target(%dma_start3A_1010 : memref<8x1024xf32, #tpu.memory_space<hbm>>) target_semaphore(%arg21 : memref<!tpu.dma_semaphore, #tpu.memory_space<semaphore_mem>>)
    %dma_wait3A_1015 = arith.constant 2 : i32
    %dma_wait3A_1016 = arith.constant 0 : i32
    %dma_wait3A_1017 = tpu.memref_slice %arg4[%mul3A_2, %dma_wait3A_1016] : memref<32768x1024xf32, #tpu.memory_space<hbm>> -> memref<8x1024xf32, #tpu.memory_space<hbm>>
    %dma_wait3A_1018 = arith.constant 0 : i32
    %dma_wait3A_1019 = arith.constant 0 : i32
    %dma_wait3A_1020 = tpu.memref_slice %arg7[%arg1, %dma_wait3A_1015, %dma_wait3A_1018, %dma_wait3A_1019] : memref<16x4x8x1024xf32, #tpu.memory_space<vmem_shared>> -> memref<1x1x8x1024xf32, #tpu.memory_space<vmem_shared>>
    %dma_wait3A_1021 = tpu.memref_squeeze %dma_wait3A_1020 : memref<1x1x8x1024xf32, #tpu.memory_space<vmem_shared>> -> memref<8x1024xf32, #tpu.memory_space<vmem_shared>>
    tpu.wait_dma2 semaphore(%arg22 : memref<!tpu.dma_semaphore, #tpu.memory_space<semaphore_mem>>) src(%dma_wait3A_1021 : memref<8x1024xf32, #tpu.memory_space<vmem_shared>>) dst(%dma_wait3A_1017 : memref<8x1024xf32, #tpu.memory_space<hbm>>)
    %dma_start3A_1022 = arith.constant 6 : i32
    %dma_start3A_1023 = arith.constant 2 : i32
    %dma_start3A_1024 = arith.constant 0 : i32
    %dma_start3A_1025 = arith.constant 0 : i32
    %dma_start3A_1026 = tpu.memref_slice %arg6[%dma_start3A_1022, %dma_start3A_1024, %dma_start3A_1025] : memref<8x8x1024xf32, #tpu.memory_space<vmem>> -> memref<1x8x1024xf32, #tpu.memory_space<vmem>>
    %dma_start3A_1027 = tpu.memref_squeeze %dma_start3A_1026 : memref<1x8x1024xf32, #tpu.memory_space<vmem>> -> memref<8x1024xf32, #tpu.memory_space<vmem>>
    %dma_start3A_1028 = arith.constant 0 : i32
    %dma_start3A_1029 = arith.constant 0 : i32
    %dma_start3A_1030 = tpu.memref_slice %arg7[%arg1, %dma_start3A_1023, %dma_start3A_1028, %dma_start3A_1029] : memref<16x4x8x1024xf32, #tpu.memory_space<vmem_shared>> -> memref<1x1x8x1024xf32, #tpu.memory_space<vmem_shared>>
    %dma_start3A_1031 = tpu.memref_squeeze %dma_start3A_1030 : memref<1x1x8x1024xf32, #tpu.memory_space<vmem_shared>> -> memref<8x1024xf32, #tpu.memory_space<vmem_shared>>
    %dma_start3A_1032 = arith.constant 0 : i32
    %dma_start3A_1033 = arith.constant 0 : i32
    %dma_start3A_1034 = tpu.memref_slice %arg7[%arg1, %dma_start3A_1023, %dma_start3A_1032, %dma_start3A_1033] : memref<16x4x8x1024xf32, #tpu.memory_space<vmem_shared>> -> memref<1x1x8x1024xf32, #tpu.memory_space<vmem_shared>>
    %dma_start3A_1035 = tpu.memref_squeeze %dma_start3A_1034 : memref<1x1x8x1024xf32, #tpu.memory_space<vmem_shared>> -> memref<8x1024xf32, #tpu.memory_space<vmem_shared>>
    %dma_start3A_1036 = arith.constant 0 : i32
    %dma_start3A_1037 = arith.constant 0 : i32
    %dma_start3A_1038 = tpu.memref_slice %arg6[%dma_start3A_1022, %dma_start3A_1036, %dma_start3A_1037] : memref<8x8x1024xf32, #tpu.memory_space<vmem>> -> memref<1x8x1024xf32, #tpu.memory_space<vmem>>
    %dma_start3A_1039 = tpu.memref_squeeze %dma_start3A_1038 : memref<1x8x1024xf32, #tpu.memory_space<vmem>> -> memref<8x1024xf32, #tpu.memory_space<vmem>>
    tpu.enqueue_dma source(%dma_start3A_1039 : memref<8x1024xf32, #tpu.memory_space<vmem>>) target(%dma_start3A_1035 : memref<8x1024xf32, #tpu.memory_space<vmem_shared>>) target_semaphore(%arg18 : memref<!tpu.dma_semaphore, #tpu.memory_space<semaphore_mem>>)
    %dma_wait3A_1040 = arith.constant 7 : i32
    %dma_wait3A_1041 = arith.constant 0 : i32
    %dma_wait3A_1042 = arith.constant 0 : i32
    %dma_wait3A_1043 = tpu.memref_slice %arg6[%dma_wait3A_1040, %dma_wait3A_1041, %dma_wait3A_1042] : memref<8x8x1024xf32, #tpu.memory_space<vmem>> -> memref<1x8x1024xf32, #tpu.memory_space<vmem>>
    %dma_wait3A_1044 = tpu.memref_squeeze %dma_wait3A_1043 : memref<1x8x1024xf32, #tpu.memory_space<vmem>> -> memref<8x1024xf32, #tpu.memory_space<vmem>>
    %dma_wait3A_1045 = arith.constant 0 : i32
    %dma_wait3A_1046 = tpu.memref_slice %arg5[%dma_wait3A_1045] : memref<1024xi32, #tpu.memory_space<vmem>> -> memref<8xi32, #tpu.memory_space<vmem>>
    %dma_wait3A_1047 = arith.constant 0 : i32
    %dma_wait3A_1048 = arith.constant 0 : i32
    %dma_wait3A_1049 = tpu.memref_slice %arg3[%dma_wait3A_1047, %dma_wait3A_1048] : memref<151552x1024xf32, #tpu.memory_space<hbm>> -> memref<151552x1024xf32, #tpu.memory_space<hbm>>
    tpu.wait_indirect_dma semaphore(%arg15 : memref<!tpu.dma_semaphore, #tpu.memory_space<semaphore_mem>>) src(%dma_wait3A_1049 : memref<151552x1024xf32, #tpu.memory_space<hbm>>) dst(%dma_wait3A_1044 : memref<8x1024xf32, #tpu.memory_space<vmem>>)
    %dma_wait3A_1050 = arith.constant 0 : i32
    %dma_wait3A_1051 = arith.constant 2 : i32
    %dma_wait3A_1052 = arith.constant 0 : i32
    %dma_wait3A_1053 = arith.constant 0 : i32
    %dma_wait3A_1054 = tpu.memref_slice %arg6[%dma_wait3A_1050, %dma_wait3A_1052, %dma_wait3A_1053] : memref<8x8x1024xf32, #tpu.memory_space<vmem>> -> memref<1x8x1024xf32, #tpu.memory_space<vmem>>
    %dma_wait3A_1055 = tpu.memref_squeeze %dma_wait3A_1054 : memref<1x8x1024xf32, #tpu.memory_space<vmem>> -> memref<8x1024xf32, #tpu.memory_space<vmem>>
    %dma_wait3A_1056 = arith.constant 0 : i32
    %dma_wait3A_1057 = arith.constant 0 : i32
    %dma_wait3A_1058 = tpu.memref_slice %arg7[%arg1, %dma_wait3A_1051, %dma_wait3A_1056, %dma_wait3A_1057] : memref<16x4x8x1024xf32, #tpu.memory_space<vmem_shared>> -> memref<1x1x8x1024xf32, #tpu.memory_space<vmem_shared>>
    %dma_wait3A_1059 = tpu.memref_squeeze %dma_wait3A_1058 : memref<1x1x8x1024xf32, #tpu.memory_space<vmem_shared>> -> memref<8x1024xf32, #tpu.memory_space<vmem_shared>>
    %dma_wait3A_1060 = arith.constant 0 : i32
    %dma_wait3A_1061 = arith.constant 0 : i32
    %dma_wait3A_1062 = tpu.memref_slice %arg7[%arg1, %dma_wait3A_1051, %dma_wait3A_1060, %dma_wait3A_1061] : memref<16x4x8x1024xf32, #tpu.memory_space<vmem_shared>> -> memref<1x1x8x1024xf32, #tpu.memory_space<vmem_shared>>
    %dma_wait3A_1063 = tpu.memref_squeeze %dma_wait3A_1062 : memref<1x1x8x1024xf32, #tpu.memory_space<vmem_shared>> -> memref<8x1024xf32, #tpu.memory_space<vmem_shared>>
    %dma_wait3A_1064 = arith.constant 0 : i32
    %dma_wait3A_1065 = arith.constant 0 : i32
    %dma_wait3A_1066 = tpu.memref_slice %arg6[%dma_wait3A_1050, %dma_wait3A_1064, %dma_wait3A_1065] : memref<8x8x1024xf32, #tpu.memory_space<vmem>> -> memref<1x8x1024xf32, #tpu.memory_space<vmem>>
    %dma_wait3A_1067 = tpu.memref_squeeze %dma_wait3A_1066 : memref<1x8x1024xf32, #tpu.memory_space<vmem>> -> memref<8x1024xf32, #tpu.memory_space<vmem>>
    tpu.wait_dma2 semaphore(%arg18 : memref<!tpu.dma_semaphore, #tpu.memory_space<semaphore_mem>>) src(%dma_wait3A_1067 : memref<8x1024xf32, #tpu.memory_space<vmem>>) dst(%dma_wait3A_1063 : memref<8x1024xf32, #tpu.memory_space<vmem_shared>>)
    %add3A_1068 = arith.constant 1008 : i32
    %add3A_1069 = arith.addi %mul3A_2, %add3A_1068 : i32
    %dma_start3A_1070 = arith.constant 2 : i32
    %dma_start3A_1071 = arith.constant 0 : i32
    %dma_start3A_1072 = tpu.memref_slice %arg4[%add3A_1069, %dma_start3A_1071] : memref<32768x1024xf32, #tpu.memory_space<hbm>> -> memref<8x1024xf32, #tpu.memory_space<hbm>>
    %dma_start3A_1073 = arith.constant 0 : i32
    %dma_start3A_1074 = arith.constant 0 : i32
    %dma_start3A_1075 = tpu.memref_slice %arg7[%arg1, %dma_start3A_1070, %dma_start3A_1073, %dma_start3A_1074] : memref<16x4x8x1024xf32, #tpu.memory_space<vmem_shared>> -> memref<1x1x8x1024xf32, #tpu.memory_space<vmem_shared>>
    %dma_start3A_1076 = tpu.memref_squeeze %dma_start3A_1075 : memref<1x1x8x1024xf32, #tpu.memory_space<vmem_shared>> -> memref<8x1024xf32, #tpu.memory_space<vmem_shared>>
    tpu.enqueue_dma source(%dma_start3A_1076 : memref<8x1024xf32, #tpu.memory_space<vmem_shared>>) target(%dma_start3A_1072 : memref<8x1024xf32, #tpu.memory_space<hbm>>) target_semaphore(%arg22 : memref<!tpu.dma_semaphore, #tpu.memory_space<semaphore_mem>>)
    %dma_wait3A_1077 = arith.constant 3 : i32
    %dma_wait3A_1078 = arith.constant 0 : i32
    %dma_wait3A_1079 = tpu.memref_slice %arg4[%mul3A_2, %dma_wait3A_1078] : memref<32768x1024xf32, #tpu.memory_space<hbm>> -> memref<8x1024xf32, #tpu.memory_space<hbm>>
    %dma_wait3A_1080 = arith.constant 0 : i32
    %dma_wait3A_1081 = arith.constant 0 : i32
    %dma_wait3A_1082 = tpu.memref_slice %arg7[%arg1, %dma_wait3A_1077, %dma_wait3A_1080, %dma_wait3A_1081] : memref<16x4x8x1024xf32, #tpu.memory_space<vmem_shared>> -> memref<1x1x8x1024xf32, #tpu.memory_space<vmem_shared>>
    %dma_wait3A_1083 = tpu.memref_squeeze %dma_wait3A_1082 : memref<1x1x8x1024xf32, #tpu.memory_space<vmem_shared>> -> memref<8x1024xf32, #tpu.memory_space<vmem_shared>>
    tpu.wait_dma2 semaphore(%arg23 : memref<!tpu.dma_semaphore, #tpu.memory_space<semaphore_mem>>) src(%dma_wait3A_1083 : memref<8x1024xf32, #tpu.memory_space<vmem_shared>>) dst(%dma_wait3A_1079 : memref<8x1024xf32, #tpu.memory_space<hbm>>)
    %dma_start3A_1084 = arith.constant 7 : i32
    %dma_start3A_1085 = arith.constant 3 : i32
    %dma_start3A_1086 = arith.constant 0 : i32
    %dma_start3A_1087 = arith.constant 0 : i32
    %dma_start3A_1088 = tpu.memref_slice %arg6[%dma_start3A_1084, %dma_start3A_1086, %dma_start3A_1087] : memref<8x8x1024xf32, #tpu.memory_space<vmem>> -> memref<1x8x1024xf32, #tpu.memory_space<vmem>>
    %dma_start3A_1089 = tpu.memref_squeeze %dma_start3A_1088 : memref<1x8x1024xf32, #tpu.memory_space<vmem>> -> memref<8x1024xf32, #tpu.memory_space<vmem>>
    %dma_start3A_1090 = arith.constant 0 : i32
    %dma_start3A_1091 = arith.constant 0 : i32
    %dma_start3A_1092 = tpu.memref_slice %arg7[%arg1, %dma_start3A_1085, %dma_start3A_1090, %dma_start3A_1091] : memref<16x4x8x1024xf32, #tpu.memory_space<vmem_shared>> -> memref<1x1x8x1024xf32, #tpu.memory_space<vmem_shared>>
    %dma_start3A_1093 = tpu.memref_squeeze %dma_start3A_1092 : memref<1x1x8x1024xf32, #tpu.memory_space<vmem_shared>> -> memref<8x1024xf32, #tpu.memory_space<vmem_shared>>
    %dma_start3A_1094 = arith.constant 0 : i32
    %dma_start3A_1095 = arith.constant 0 : i32
    %dma_start3A_1096 = tpu.memref_slice %arg7[%arg1, %dma_start3A_1085, %dma_start3A_1094, %dma_start3A_1095] : memref<16x4x8x1024xf32, #tpu.memory_space<vmem_shared>> -> memref<1x1x8x1024xf32, #tpu.memory_space<vmem_shared>>
    %dma_start3A_1097 = tpu.memref_squeeze %dma_start3A_1096 : memref<1x1x8x1024xf32, #tpu.memory_space<vmem_shared>> -> memref<8x1024xf32, #tpu.memory_space<vmem_shared>>
    %dma_start3A_1098 = arith.constant 0 : i32
    %dma_start3A_1099 = arith.constant 0 : i32
    %dma_start3A_1100 = tpu.memref_slice %arg6[%dma_start3A_1084, %dma_start3A_1098, %dma_start3A_1099] : memref<8x8x1024xf32, #tpu.memory_space<vmem>> -> memref<1x8x1024xf32, #tpu.memory_space<vmem>>
    %dma_start3A_1101 = tpu.memref_squeeze %dma_start3A_1100 : memref<1x8x1024xf32, #tpu.memory_space<vmem>> -> memref<8x1024xf32, #tpu.memory_space<vmem>>
    tpu.enqueue_dma source(%dma_start3A_1101 : memref<8x1024xf32, #tpu.memory_space<vmem>>) target(%dma_start3A_1097 : memref<8x1024xf32, #tpu.memory_space<vmem_shared>>) target_semaphore(%arg19 : memref<!tpu.dma_semaphore, #tpu.memory_space<semaphore_mem>>)
    %dma_wait3A_1102 = arith.constant 0 : i32
    %dma_wait3A_1103 = arith.constant 3 : i32
    %dma_wait3A_1104 = arith.constant 0 : i32
    %dma_wait3A_1105 = arith.constant 0 : i32
    %dma_wait3A_1106 = tpu.memref_slice %arg6[%dma_wait3A_1102, %dma_wait3A_1104, %dma_wait3A_1105] : memref<8x8x1024xf32, #tpu.memory_space<vmem>> -> memref<1x8x1024xf32, #tpu.memory_space<vmem>>
    %dma_wait3A_1107 = tpu.memref_squeeze %dma_wait3A_1106 : memref<1x8x1024xf32, #tpu.memory_space<vmem>> -> memref<8x1024xf32, #tpu.memory_space<vmem>>
    %dma_wait3A_1108 = arith.constant 0 : i32
    %dma_wait3A_1109 = arith.constant 0 : i32
    %dma_wait3A_1110 = tpu.memref_slice %arg7[%arg1, %dma_wait3A_1103, %dma_wait3A_1108, %dma_wait3A_1109] : memref<16x4x8x1024xf32, #tpu.memory_space<vmem_shared>> -> memref<1x1x8x1024xf32, #tpu.memory_space<vmem_shared>>
    %dma_wait3A_1111 = tpu.memref_squeeze %dma_wait3A_1110 : memref<1x1x8x1024xf32, #tpu.memory_space<vmem_shared>> -> memref<8x1024xf32, #tpu.memory_space<vmem_shared>>
    %dma_wait3A_1112 = arith.constant 0 : i32
    %dma_wait3A_1113 = arith.constant 0 : i32
    %dma_wait3A_1114 = tpu.memref_slice %arg7[%arg1, %dma_wait3A_1103, %dma_wait3A_1112, %dma_wait3A_1113] : memref<16x4x8x1024xf32, #tpu.memory_space<vmem_shared>> -> memref<1x1x8x1024xf32, #tpu.memory_space<vmem_shared>>
    %dma_wait3A_1115 = tpu.memref_squeeze %dma_wait3A_1114 : memref<1x1x8x1024xf32, #tpu.memory_space<vmem_shared>> -> memref<8x1024xf32, #tpu.memory_space<vmem_shared>>
    %dma_wait3A_1116 = arith.constant 0 : i32
    %dma_wait3A_1117 = arith.constant 0 : i32
    %dma_wait3A_1118 = tpu.memref_slice %arg6[%dma_wait3A_1102, %dma_wait3A_1116, %dma_wait3A_1117] : memref<8x8x1024xf32, #tpu.memory_space<vmem>> -> memref<1x8x1024xf32, #tpu.memory_space<vmem>>
    %dma_wait3A_1119 = tpu.memref_squeeze %dma_wait3A_1118 : memref<1x8x1024xf32, #tpu.memory_space<vmem>> -> memref<8x1024xf32, #tpu.memory_space<vmem>>
    tpu.wait_dma2 semaphore(%arg19 : memref<!tpu.dma_semaphore, #tpu.memory_space<semaphore_mem>>) src(%dma_wait3A_1119 : memref<8x1024xf32, #tpu.memory_space<vmem>>) dst(%dma_wait3A_1115 : memref<8x1024xf32, #tpu.memory_space<vmem_shared>>)
    %add3A_1120 = arith.constant 1016 : i32
    %add3A_1121 = arith.addi %mul3A_2, %add3A_1120 : i32
    %dma_start3A_1122 = arith.constant 3 : i32
    %dma_start3A_1123 = arith.constant 0 : i32
    %dma_start3A_1124 = tpu.memref_slice %arg4[%add3A_1121, %dma_start3A_1123] : memref<32768x1024xf32, #tpu.memory_space<hbm>> -> memref<8x1024xf32, #tpu.memory_space<hbm>>
    %dma_start3A_1125 = arith.constant 0 : i32
    %dma_start3A_1126 = arith.constant 0 : i32
    %dma_start3A_1127 = tpu.memref_slice %arg7[%arg1, %dma_start3A_1122, %dma_start3A_1125, %dma_start3A_1126] : memref<16x4x8x1024xf32, #tpu.memory_space<vmem_shared>> -> memref<1x1x8x1024xf32, #tpu.memory_space<vmem_shared>>
    %dma_start3A_1128 = tpu.memref_squeeze %dma_start3A_1127 : memref<1x1x8x1024xf32, #tpu.memory_space<vmem_shared>> -> memref<8x1024xf32, #tpu.memory_space<vmem_shared>>
    tpu.enqueue_dma source(%dma_start3A_1128 : memref<8x1024xf32, #tpu.memory_space<vmem_shared>>) target(%dma_start3A_1124 : memref<8x1024xf32, #tpu.memory_space<hbm>>) target_semaphore(%arg23 : memref<!tpu.dma_semaphore, #tpu.memory_space<semaphore_mem>>)
    %dma_wait3A_1129 = arith.constant 0 : i32
    %dma_wait3A_1130 = arith.constant 0 : i32
    %dma_wait3A_1131 = tpu.memref_slice %arg4[%mul3A_2, %dma_wait3A_1130] : memref<32768x1024xf32, #tpu.memory_space<hbm>> -> memref<8x1024xf32, #tpu.memory_space<hbm>>
    %dma_wait3A_1132 = arith.constant 0 : i32
    %dma_wait3A_1133 = arith.constant 0 : i32
    %dma_wait3A_1134 = tpu.memref_slice %arg7[%arg1, %dma_wait3A_1129, %dma_wait3A_1132, %dma_wait3A_1133] : memref<16x4x8x1024xf32, #tpu.memory_space<vmem_shared>> -> memref<1x1x8x1024xf32, #tpu.memory_space<vmem_shared>>
    %dma_wait3A_1135 = tpu.memref_squeeze %dma_wait3A_1134 : memref<1x1x8x1024xf32, #tpu.memory_space<vmem_shared>> -> memref<8x1024xf32, #tpu.memory_space<vmem_shared>>
    tpu.wait_dma2 semaphore(%arg20 : memref<!tpu.dma_semaphore, #tpu.memory_space<semaphore_mem>>) src(%dma_wait3A_1135 : memref<8x1024xf32, #tpu.memory_space<vmem_shared>>) dst(%dma_wait3A_1131 : memref<8x1024xf32, #tpu.memory_space<hbm>>)
    %dma_wait3A_1136 = arith.constant 1 : i32
    %dma_wait3A_1137 = arith.constant 0 : i32
    %dma_wait3A_1138 = tpu.memref_slice %arg4[%mul3A_2, %dma_wait3A_1137] : memref<32768x1024xf32, #tpu.memory_space<hbm>> -> memref<8x1024xf32, #tpu.memory_space<hbm>>
    %dma_wait3A_1139 = arith.constant 0 : i32
    %dma_wait3A_1140 = arith.constant 0 : i32
    %dma_wait3A_1141 = tpu.memref_slice %arg7[%arg1, %dma_wait3A_1136, %dma_wait3A_1139, %dma_wait3A_1140] : memref<16x4x8x1024xf32, #tpu.memory_space<vmem_shared>> -> memref<1x1x8x1024xf32, #tpu.memory_space<vmem_shared>>
    %dma_wait3A_1142 = tpu.memref_squeeze %dma_wait3A_1141 : memref<1x1x8x1024xf32, #tpu.memory_space<vmem_shared>> -> memref<8x1024xf32, #tpu.memory_space<vmem_shared>>
    tpu.wait_dma2 semaphore(%arg21 : memref<!tpu.dma_semaphore, #tpu.memory_space<semaphore_mem>>) src(%dma_wait3A_1142 : memref<8x1024xf32, #tpu.memory_space<vmem_shared>>) dst(%dma_wait3A_1138 : memref<8x1024xf32, #tpu.memory_space<hbm>>)
    %dma_wait3A_1143 = arith.constant 2 : i32
    %dma_wait3A_1144 = arith.constant 0 : i32
    %dma_wait3A_1145 = tpu.memref_slice %arg4[%mul3A_2, %dma_wait3A_1144] : memref<32768x1024xf32, #tpu.memory_space<hbm>> -> memref<8x1024xf32, #tpu.memory_space<hbm>>
    %dma_wait3A_1146 = arith.constant 0 : i32
    %dma_wait3A_1147 = arith.constant 0 : i32
    %dma_wait3A_1148 = tpu.memref_slice %arg7[%arg1, %dma_wait3A_1143, %dma_wait3A_1146, %dma_wait3A_1147] : memref<16x4x8x1024xf32, #tpu.memory_space<vmem_shared>> -> memref<1x1x8x1024xf32, #tpu.memory_space<vmem_shared>>
    %dma_wait3A_1149 = tpu.memref_squeeze %dma_wait3A_1148 : memref<1x1x8x1024xf32, #tpu.memory_space<vmem_shared>> -> memref<8x1024xf32, #tpu.memory_space<vmem_shared>>
    tpu.wait_dma2 semaphore(%arg22 : memref<!tpu.dma_semaphore, #tpu.memory_space<semaphore_mem>>) src(%dma_wait3A_1149 : memref<8x1024xf32, #tpu.memory_space<vmem_shared>>) dst(%dma_wait3A_1145 : memref<8x1024xf32, #tpu.memory_space<hbm>>)
    %dma_wait3A_1150 = arith.constant 3 : i32
    %dma_wait3A_1151 = arith.constant 0 : i32
    %dma_wait3A_1152 = tpu.memref_slice %arg4[%mul3A_2, %dma_wait3A_1151] : memref<32768x1024xf32, #tpu.memory_space<hbm>> -> memref<8x1024xf32, #tpu.memory_space<hbm>>
    %dma_wait3A_1153 = arith.constant 0 : i32
    %dma_wait3A_1154 = arith.constant 0 : i32
    %dma_wait3A_1155 = tpu.memref_slice %arg7[%arg1, %dma_wait3A_1150, %dma_wait3A_1153, %dma_wait3A_1154] : memref<16x4x8x1024xf32, #tpu.memory_space<vmem_shared>> -> memref<1x1x8x1024xf32, #tpu.memory_space<vmem_shared>>
    %dma_wait3A_1156 = tpu.memref_squeeze %dma_wait3A_1155 : memref<1x1x8x1024xf32, #tpu.memory_space<vmem_shared>> -> memref<8x1024xf32, #tpu.memory_space<vmem_shared>>
    tpu.wait_dma2 semaphore(%arg23 : memref<!tpu.dma_semaphore, #tpu.memory_space<semaphore_mem>>) src(%dma_wait3A_1156 : memref<8x1024xf32, #tpu.memory_space<vmem_shared>>) dst(%dma_wait3A_1152 : memref<8x1024xf32, #tpu.memory_space<hbm>>)
    return
  }
}

</mosaic_0001>

<sc_bundles>
// kernel: kernel.3.cloned.1.call-start
scs
__scs_entry_jumppad:
0x0: {  	(pc) =	sbr.rel $0x88, $3  }
0x1: {  	(tag) =	ssettag $0x0;
	lr =	simm.s32 $0x1  }
0x2: {  	[smem:$0x3F9F] =	sst lr;
	_ =	strace $0xD0000000  }
0x3: {  	_ = 	snop  }
0x4: {  	_ = 	snop  }
0x5: {  	_ = 	snop  }
0x6: {  	_ = 	snop  }
0x7: {  	_ = 	snop  }
__scs_overlays_trampoline_lowered:
0x8: {  	[smem:$0x3FAE] =	sst s0  }
0x9: {  	[smem:$0x3FAF] =	sst s1  }
0xa: {  	[smem:$0x3FB0] =	sst s2  }
0xb: {  	[smem:$0x3FB1] =	sst s3  }
0xc: {  	[smem:$0x3FB2] =	sst s4  }
0xd: {  	[smem:$0x3FB3] =	sst s5  }
0xe: {  	[smem:$0x3FB4] =	sst s6  }
0xf: {  	[smem:$0x3FB5] =	sst s7  }
0x10: {  	[smem:$0x3FB6] =	sst s8  }
0x11: {  	[smem:$0x3FB7] =	sst s9;
	s0 =	simm.s32 @!p0 $0x0  }
0x12: {  	s1 =	sld [smem:$0x3F9D];
	s0 =	simm.s32 @p0 $0x1  }
0x13: {  	[smem:$0x3FB8] =	sst s0;
	s0 =	simm.s32 @!p1 $0x0  }
0x14: {  	s2 =	sld [smem:$0x3F9C];
	s0 =	simm.s32 @p1 $0x1  }
0x15: {  	[smem:$0x3FB9] =	sst s0;
	s0 =	simm.s32 @!p2 $0x0  }
0x16: {  	s3 =	sld [smem:$0x3FDB];
	s0 =	simm.s32 @p2 $0x1  }
0x17: {  	s4 =	simm.s32 $0x1BF5;
	[smem:$0x3FBB] =	sst s0  }
0x18: {  	s0 =	sld [smem:$0x3F9E];
	_ =	swait.ge [sflag:s4], $0x0  }
0x19: {  	s7 =	sld [smem:$0x3F9F]  }
0x1a: {  	s8 =	sadd.s32 $0xFFFFE003, lr  }
0x1b: {  	s9 =	sadd.s32 $0xFFFFFEF7, lr;
	s5 =	simm.s32 $0xFFFFFFFF;
	p2 =	slt.u32 s8, $0xFFFFF086  }
0x1c: {  	p1 =	slt.u32 s9, $0xF7A;
	s5 =	simm.s32 @!p2 $0x0  }
0x1d: {  	s5 =	simm.s32 @p1 $0x1;
	p0 =	seq.s32 s7, s2  }
0x1e: {  	s7 =	smul.u32 @!p0 $0xF7A, s2;
	p2 =	seq.s32 @!p0 s5, $0x0  }
0x1f: {  	s9 =	smul.u32 $0xF7A, s1;
	s8 =	simm.s32 @!p0 $0x1BF5;
	p2 =	por !p2, p0  }
0x20: {  	[sflag:s8] =	ssyncset.s32 @!p0 $0xFFFFF086;
	s6 =	sadd.s32 @!p0 s3, s7;
	s7 =	simm.s32 @!p0 $0x108  }
0x21: {  	s3 =	sadd.s32 s3, s9;
	s6 =	sadd.s32 @!p0 $0x88, s6;
	s7 =	simm.s32 @p2 $0x1082  }
0x22: {  	[simem:s7], [sflag:s8] =	dma.local @!p0 [hbm:s6], $0xF7A  }
0x23: {  	s9 =	sor.u32 $0xD0000000, s2;
	s6 =	simm.s32 $0x108;
	_ =	swait.ge @!p0 [sflag:s8], $0x0  }
0x24: {  	s3 =	sadd.s32 $0x88, s3;
	s6 =	simm.s32 @!p1 $0x1082;
	[sflag:s4] =	ssyncset.s32 $0xFFFFF086  }
0x25: {  	[simem:s6], [sflag:s4] =	dma.local [hbm:s3], $0xF7A  }
0x26: {  	[smem:$0x3F9F] =	sst s1;
	(tag) =	ssettag s2;
	_ =	strace s9  }
0x27: {  	s1 =	sld [smem:$0x3FAF]  }
0x28: {  	s2 =	sld [smem:$0x3FB0]  }
0x29: {  	s4 =	sld [smem:$0x3FB2]  }
0x2a: {  	p0 =	seq.s32 s5, $0x0;
	s5 =	sld [smem:$0x3FB3]  }
0x2b: {  	s6 =	sld [smem:$0x3FB4]  }
0x2c: {  	s7 =	sld [smem:$0x3FB5]  }
0x2d: {  	s3 =	simm.s32 $0x108;
	s8 =	sld [smem:$0x3FB6]  }
0x2e: {  	s3 =	simm.s32 @!p0 $0x1082;
	s9 =	sld [smem:$0x3FB7]  }
0x2f: {  	lr =	sadd.s32 s0, s3;
	s0 =	sld [smem:$0x3FAE]  }
0x30: {  	s3 =	sld [smem:$0x3FB1]  }
0x31: {  	[smem:$0x3FBA] =	sst s10  }
0x32: {  	s10 =	sld [smem:$0x3FB8];
	_ =	sdelay $0x3  }
0x33: {  	p0 =	seq.s32 s10, $0x1;
	s10 =	sld [smem:$0x3FBA];
	_ =	sdelay $0x3  }
0x34: {  	[smem:$0x3FBA] =	sst s10  }
0x35: {  	s10 =	sld [smem:$0x3FB9];
	_ =	sdelay $0x3  }
0x36: {  	p1 =	seq.s32 s10, $0x1;
	s10 =	sld [smem:$0x3FBA];
	_ =	sdelay $0x3  }
0x37: {  	[smem:$0x3FBA] =	sst s10  }
0x38: {  	s10 =	sld [smem:$0x3FBB]  }
0x39: {  	_ = 	snop;
	(pc) =	sbr.ind lr, $3  }
0x3a: {  	_ = 	snop  }
0x3b: {  	_ = 	snop  }
0x3c: {  	p2 =	seq.s32 s10, $0x1;
	s10 =	sld [smem:$0x3FBA]  }
0x3d: {  	_ =	shalt  }
0x3e: {  	_ =	shalt  }
0x3f: {  	_ =	shalt  }
0x40: {  	_ =	shalt  }
0x41: {  	_ =	shalt  }
0x42: {  	_ =	shalt  }
0x43: {  	_ =	shalt  }
0x44: {  	_ =	shalt  }
0x45: {  	_ =	shalt  }
0x46: {  	_ =	shalt  }
0x47: {  	_ =	shalt  }
0x48: {  	_ =	shalt  }
0x49: {  	_ =	shalt  }
0x4a: {  	_ =	shalt  }
0x4b: {  	_ =	shalt  }
0x4c: {  	_ =	shalt  }
0x4d: {  	_ =	shalt  }
0x4e: {  	_ =	shalt  }
0x4f: {  	_ =	shalt  }
0x50: {  	_ =	shalt  }
0x51: {  	_ =	shalt  }
0x52: {  	_ =	shalt  }
0x53: {  	_ =	shalt  }
0x54: {  	_ =	shalt  }
0x55: {  	_ =	shalt  }
0x56: {  	_ =	shalt  }
0x57: {  	_ =	shalt  }
0x58: {  	_ =	shalt  }
0x59: {  	_ =	shalt  }
0x5a: {  	_ =	shalt  }
0x5b: {  	_ =	shalt  }
0x5c: {  	_ =	shalt  }
0x5d: {  	_ =	shalt  }
0x5e: {  	_ =	shalt  }
0x5f: {  	_ =	shalt  }
0x60: {  	_ =	shalt  }
0x61: {  	_ =	shalt  }
0x62: {  	_ =	shalt  }
0x63: {  	_ =	shalt  }
0x64: {  	_ =	shalt  }
0x65: {  	_ =	shalt  }
0x66: {  	_ =	shalt  }
0x67: {  	_ =	shalt  }
0x68: {  	_ =	shalt  }
0x69: {  	_ =	shalt  }
0x6a: {  	_ =	shalt  }
0x6b: {  	_ =	shalt  }
0x6c: {  	_ =	shalt  }
0x6d: {  	_ =	shalt  }
0x6e: {  	_ =	shalt  }
0x6f: {  	_ =	shalt  }
0x70: {  	_ =	shalt  }
0x71: {  	_ =	shalt  }
0x72: {  	_ =	shalt  }
0x73: {  	_ =	shalt  }
0x74: {  	_ =	shalt  }
0x75: {  	_ =	shalt  }
0x76: {  	_ =	shalt  }
0x77: {  	_ =	shalt  }
0x78: {  	_ =	shalt  }
0x79: {  	_ =	shalt  }
0x7a: {  	_ =	shalt  }
0x7b: {  	_ =	shalt  }
0x7c: {  	_ =	shalt  }
0x7d: {  	_ =	shalt  }
0x7e: {  	_ =	shalt  }
0x7f: {  	_ =	shalt  }
0x80: {  	_ =	shalt  }
0x81: {  	_ =	shalt  }
0x82: {  	_ =	shalt  }
0x83: {  	_ =	shalt  }
0x84: {  	_ =	shalt  }
0x85: {  	_ =	shalt  }
0x86: {  	_ =	shalt  }
0x87: {  	_ =	shalt  }
.Lfunc_end0:
.L_simem_size_0:
called_computation_lowered:
.L_overlay_start_0:
0x88: {  	s2 =	sld [smem:$0x3FD9]  }
0x89: {  	s3 =	sld [smem:$0x3FFE];
	_ =	sdelay $0x1  }
0x8a: {  	s1 =	srdreg.scid  }
0x8b: {  	s0 =	sand.u32 $0x1, s1  }
0x8c: {  	s17 =	sshll.u32 s0, $0xA;
	s2 =	sadd.s32 s3, s2  }
0x8d: {  	s2 =	sadd.s32 s2, s17  }
0x8e: {  	[smem:$0x3FC6] =	sst s2  }
0x8f: {  	_ = 	snop  }
0x90: {  	s2 =	sld [smem:$0x3FC8]  }
0x91: {  	s18 =	sld [smem:$0x3FD0];
	(tm) =	ssettm $0x1  }
0x92: {  	s4 =	sld [smem:$0x3FFB];
	_ =	sdelay $0x3  }
0x93: {  	_ =	strace s4  }
0x94: {  	s4 =	sld [smem:$0x3FFC];
	_ =	sdelay $0x3  }
0x95: {  	_ =	strace s4  }
0x96: {  	s4 =	sld [smem:$0x3FFD];
	_ =	sdelay $0x3  }
0x97: {  	_ =	strace s4  }
0x98: {  	_ =	strace $0x8FFFFFFF  }
0x99: {  	s19 =	sld [smem:$0x3FDB];
	_ =	sdelay $0x1  }
0x9a: {  	s5 =	simm.s32 $_scs_section_size  }
0x9b: {  	s6 =	simm.s32 $_size__tile_overlayer_lowered;
	s7 =	simm.s32 $_tile_overlayer_lowered  }
0x9c: {  	s22 =	simm.s32 $0x1BFF;
	s21 =	sshll.u32 s7, $0x1;
	s4 =	sadd.s32 s5, s19  }
0x9d: {  	s8 =	simm.s32 $0x0;
	s20 =	sshll.u32 s6, $0x1;
	s6 =	sadd.s32 s21, s4  }
0x9e: {  	[timem:s8], [sflag:s22] =	dma.local [hbm:s6], s20  }
0x9f: {  	_ =	swait.ge [sflag:s22], s20  }
0xa0: {  	s5 =	ssub.s32 $0x0, s20;
	[sflag:s22] =	ssyncset.done $0x0  }
0xa1: {  	[sflag:s22] =	ssyncadd.s32 s5;
	_ =	sdelay $0x1  }
0xa2: {  	s23 =	simm.s32 $0x1B8B  }
0xa3: {  	_ =	swait.ge [sflag:s23], $0x1  }
0xa4: {  	[sflag:s23] =	ssyncset.done $0x0  }
0xa5: {  	s25 =	simm.s32 $0x1B8E;
	s24 =	sld [smem:$0x3FFE];
	[sflag:s23] =	ssyncadd.s32 $0xFFFFFFFF  }
0xa6: {  	s26 =	simm.s32 $execute0_lowered;
	[smem:$0x3FD2] =	sst s25  }
0xa7: {  	s6 =	sshll.u32 s26, $0x1;
	_ =	strace $0x80000046;
	[dreg:$0x1] =	wrdreg $0xFFFFFFFF  }
0xa8: {  	s28 =	simm.s32 $_size_execute0_lowered;
	s4 =	sadd.s32 s4, s6;
	[dreg:$0x0] =	wrdreg $0x0  }
0xa9: {  	s6 =	sshll.u32 s28, $0x1;
	[dreg:$0x2] =	wrdreg s4  }
0xaa: {  	[dreg:$0x3] =	wrdreg s6  }
0xab: {  	[dreg:$0x4] =	wrdreg $0xC0  }
0xac: {  	_ =	task [dreg:s8], $0x5FFFF  }
0xad: {  	[dreg:$0x1] =	wrdreg $0xFFFFFFFF  }
0xae: {  	[dreg:$0x0] =	wrdreg $0x60  }
0xaf: {  	[dreg:$0x2] =	wrdreg s24  }
0xb0: {  	[dreg:$0x3] =	wrdreg s2  }
0xb1: {  	[dreg:$0x4] =	wrdreg s18  }
0xb2: {  	[dreg:$0x5] =	wrdreg $0x104000  }
0xb3: {  	[dreg:$0x6] =	wrdreg $0x9  }
0xb4: {  	_ =	task.clear_ibuf [dreg:s8], $0x7FFFF;
	_ =	strace $0x90000046  }
0xb5: {  	s29 =	simm.s32 $0x9;
	_ =	strace $0x80000048  }
0xb6: {  	_ =	swait.ge [sflag:s29], $0x1  }
0xb7: {  	[sflag:s29] =	ssyncadd.s32 $0xFFFFFFFF  }
0xb8: {  	_ =	strace $0x90000048  }
0xb9: {  	_ =	sfence  }
0xba: {  	s30 =	sld [smem:$0x0];
	_ =	sdelay $0x2  }
0xbb: {  	s31 =	sshll.u32 s1, $0xD;
	s1 =	sshrl.u32 s1, $0x2  }
0xbc: {  	s3 =	sand.u32 $0x4000, s31;
	s1 =	sadd.s32 s1, s30  }
0xbd: {  	s0 =	sor.u32 s3, s0;
	s1 =	sshll.u32 s1, $0x11  }
0xbe: {  	s0 =	sor.u32 s1, s0  }
0xbf: {  	s0 =	sadd.s32 $0x8F2B, s0  }
0xc0: {  	[sflag:s0] =	ssyncadd.remote.s32 $0x1  }
0xc1: {  	_ =	sfence.sel $0xFFFF  }
0xc2: {  	[dreg:$0x0] =	wrdreg $0xFFFFFFFF;
	(pc) =	sbr.abs _section_cstart, $3  }
0xc3: {  	[dreg:$0x1] =	wrdreg $0xFFFFFFFF  }
0xc4: {  	_ =	task.clear_ibuf [dreg:s8], $0x2FFFF;
	_ =	strace $0x9FFFFFFF  }
0xc5: {  	(tm) =	ssettm $0x7FFFFFFF  }
tec
execute0_lowered:
.L_overlay_start_1:
0x0: {  	(tag) =	ssettag $0x1  }
0x1: {  	s0 =	rddreg [dreg:$0x0]  }
0x2: {  	s1 =	rddreg [dreg:$0x1]  }
0x3: {  	s2 =	srdreg.scid;
	s4 =	rddreg [dreg:$0x2]  }
0x4: {  	s11 =	stileid.u32;
	s7 =	rddreg [dreg:$0x3];
	s29 =	simm.s32 $0x0  }
0x5: {  	s2 =	sand.u32 $0x1, s2;
	s3 =	sshll.u32 s11, $0xB;
	[smem:$0x7FF] =	sst s29  }
0x6: {  	s26 =	sadd.s32 $0x100, s1;
	s28 =	sshll.u32 s11, $0xF;
	s30 =	sadd.s32 $0x200, s1  }
0x7: {  	s5 =	sshll.u32 s2, $0xA;
	_ =	strace $0x80000047;
	[smem:$0x7FB] =	sst s26  }
0x8: {  	s8 =	ssub.s32 $0x2, s2;
	[smem:$0x7FC] =	sst s30;
	s7 =	sadd.s32 s28, s7  }
0x9: {  	s6 =	sor.u32 s5, s3;
	s25 =	sshrl.u32 s8, $0x1;
	s3 =	sadd.s32 $0x300, s1  }
0xa: {  	[dreg:$0x18] =	wrdreg s7;
	s12 =	sadd.s32 $0x6000, s7;
	s5 =	sshrl.u32 s6, $0x3  }
0xb: {  	s8 =	ssub.s32 s8, s25;
	s9 =	sshll.u32 s6, $0x7;
	[smem:$0x7FD] =	sst s3  }
0xc: {  	[dreg:$0x1b] =	wrdreg s12;
	s0 =	sadd.s32 s5, s0;
	s5 =	sadd.s32 $0x2000, s7  }
0xd: {  	s13 =	sadd.s32 s4, s9;
	s9 =	sadd.s32 $0x4000, s7;
	[dreg:$0x19] =	wrdreg s5  }
0xe: {  	s25 =	smax.u32 s8, $0x1;
	[dreg:$0x1a] =	wrdreg s9  }
0xf: {  	[dreg:$0x14] =	wrdreg s25  }
0x10: {  	s0 =	sadd.s32 $0x400, s0;
	[dreg:$0x7] =	wrdreg s13  }
0x11: {  	s6 =	sadd.s32 $0x400, s13;
	[dreg:$0x6] =	wrdreg s0  }
0x12: {  	s10 =	sadd.s32 $0x800, s13;
	[dreg:$0x8] =	wrdreg s6  }
0x13: {  	s14 =	sadd.s32 $0xC00, s13;
	[dreg:$0x9] =	wrdreg s10  }
0x14: {  	s15 =	sadd.s32 $0x1000, s13;
	[dreg:$0xa] =	wrdreg s14  }
0x15: {  	s16 =	sadd.s32 $0x1400, s13;
	[dreg:$0xb] =	wrdreg s15  }
0x16: {  	s17 =	sadd.s32 $0x1800, s13;
	[dreg:$0xc] =	wrdreg s16  }
0x17: {  	s18 =	sadd.s32 $0x1DC00, s13;
	[dreg:$0xd] =	wrdreg s17  }
0x18: {  	s20 =	sadd.s32 $0x1E000, s13;
	[dreg:$0xe] =	wrdreg s18  }
0x19: {  	s31 =	simm.s32 $0x1C00;
	s21 =	sadd.s32 $0x1E400, s13;
	[dreg:$0xf] =	wrdreg s20  }
0x1a: {  	s19 =	sshll.u32 s11, $0x12;
	s22 =	sadd.s32 $0x1E800, s13;
	[dreg:$0x10] =	wrdreg s21  }
0x1b: {  	s2 =	sshll.u32 s2, $0x11;
	s23 =	sadd.s32 $0x1EC00, s13;
	[dreg:$0x11] =	wrdreg s22  }
0x1c: {  	s12 =	simm.s32 $0x5400;
	s24 =	sadd.s32 $0x1F000, s13;
	[dreg:$0x12] =	wrdreg s23  }
0x1d: {  	s8 =	simm.s32 $0xC00;
	s26 =	sadd.s32 $0x1F400, s13;
	[dreg:$0x13] =	wrdreg s24  }
0x1e: {  	s7 =	simm.s32 $0x3400;
	s28 =	sadd.s32 $0x1F800, s13;
	[dreg:$0x15] =	wrdreg s26  }
0x1f: {  	s30 =	sadd.s32 $0x1FC00, s13;
	s9 =	simm.s32 $0x2C00;
	[dreg:$0x16] =	wrdreg s28  }
0x20: {  	s5 =	simm.s32 $0x4C00;
	s0 =	sadd.s32 s19, s4;
	[dreg:$0x17] =	wrdreg s30  }
0x21: {  	v0 =	vlaneseq.u32;
	s24 =	simm.s32 $0x1400;
	s10 =	simm.s32 $0x3C00;
	s14 =	simm.s32 $0x5C00  }
0x22: {  	v1 =	vshrl.u32 v0, $0x3;
	s21 =	simm.s32 $0x6C00;
	s15 =	simm.s32 $0x7400;
	s0 =	sadd.s32 s2, s0  }
0x23: {  	vm0 =	vmmov $0xffff;
	v0 =	vand.u32 $0x7, v0;
	v1 =	vmul.u32 $0x8, v1;
	s16 =	simm.s32 $0x7C00;
	s2 =	simm.s32 $0x0;
	[dreg:$0x5] =	wrdreg s0  }
.LBB2_1:
0x24: {  	[dreg:$0x1c] =	wrdreg s2  }
0x25: {  	s0 =	rddreg [dreg:$0x6];
	s23 =	simm.s32 $0x11  }
0x26: {  	[tilespmem:s29], [sflag:$0x11] =	stream.linear.gather [hbm4b:s0+s29], $0x400, $0x38;
	[tilespmem:$0x18400] =	vst v63  }
0x27: {  	_ =	swait.ge [sflag:s23], $0x400  }
0x28: {  	[sflag:s23] =	ssyncset.done $0x0  }
0x29: {  	[sflag:s23] =	ssyncadd.s32 $0xFFFFFC00  }
0x2a: {  	v2 =	vld.msk [tilespmem:$0x0], $0xff;
	_ =	sdelay $0x4  }
0x2b: {  	v3 =	vshll.u32 v2, $0x3  }
0x2c: {  	v2 =	vand.u32 $0x7, v2;
	v3 =	vand.u32 $0xFFFFFFC0, v3  }
0x2d: {  	v2 =	vor.u32 v2, v3  }
0x2e: {  	v2 =	vperm.xlane v2, v0;
	_ =	sdelay $0x1  }
0x2f: {  	v2 =	vadd.s32 v1, v2;
	_ =	sdelay $0x2  }
0x30: {  	s17 =	sld [smem:$0x7FB]  }
0x31: {  	s25 =	simm.s32 $0x400;
	s1 =	rddreg [dreg:$0x1]  }
0x32: {  	[tilespmem:s25], [sflag:$0x1] =	stream.indirect_vreg.gather [hbm4b:s1+s29], $0x80, v2, vm0, $0xb8;
	[tilespmem:$0x18400] =	vst v63  }
0x33: {  	s23 =	sld [smem:$0x7FC]  }
0x34: {  	[tilespmem:s8], [sflag:$0x1] =	stream.indirect_vreg.gather [hbm4b:s17+s29], $0x80, v2, vm0, $0xb8;
	[tilespmem:$0x18400] =	vst v63  }
0x35: {  	s6 =	sld [smem:$0x7FD]  }
0x36: {  	[tilespmem:s24], [sflag:$0x1] =	stream.indirect_vreg.gather [hbm4b:s23+s29], $0x80, v2, vm0, $0xb8;
	[tilespmem:$0x18400] =	vst v63  }
0x37: {  	_ = 	snop  }
0x38: {  	[tilespmem:s31], [sflag:$0x1] =	stream.indirect_vreg.gather [hbm4b:s6+s29], $0x80, v2, vm0, $0xb8;
	[tilespmem:$0x18400] =	vst v63  }
0x39: {  	v2 =	vld.msk [tilespmem:$0x8], $0xff;
	_ =	sdelay $0x4  }
0x3a: {  	v3 =	vshll.u32 v2, $0x3  }
0x3b: {  	v2 =	vand.u32 $0x7, v2;
	v3 =	vand.u32 $0xFFFFFFC0, v3  }
0x3c: {  	v2 =	vor.u32 v2, v3  }
0x3d: {  	v2 =	vperm.xlane v2, v0;
	_ =	sdelay $0x1  }
0x3e: {  	v2 =	vadd.s32 v1, v2;
	_ =	sdelay $0x3  }
0x3f: {  	s26 =	simm.s32 $0x2400  }
0x40: {  	[tilespmem:s26], [sflag:$0x2] =	stream.indirect_vreg.gather [hbm4b:s1+s29], $0x80, v2, vm0, $0xb8;
	[tilespmem:$0x18400] =	vst v63  }
0x41: {  	_ = 	snop  }
0x42: {  	[tilespmem:s9], [sflag:$0x2] =	stream.indirect_vreg.gather [hbm4b:s17+s29], $0x80, v2, vm0, $0xb8;
	[tilespmem:$0x18400] =	vst v63  }
0x43: {  	_ = 	snop  }
0x44: {  	[tilespmem:s7], [sflag:$0x2] =	stream.indirect_vreg.gather [hbm4b:s23+s29], $0x80, v2, vm0, $0xb8;
	[tilespmem:$0x18400] =	vst v63  }
0x45: {  	_ = 	snop  }
0x46: {  	[tilespmem:s10], [sflag:$0x2] =	stream.indirect_vreg.gather [hbm4b:s6+s29], $0x80, v2, vm0, $0xb8;
	[tilespmem:$0x18400] =	vst v63  }
0x47: {  	v2 =	vld.msk [tilespmem:$0x10], $0xff;
	_ =	sdelay $0x4  }
0x48: {  	v3 =	vshll.u32 v2, $0x3  }
0x49: {  	v2 =	vand.u32 $0x7, v2;
	v3 =	vand.u32 $0xFFFFFFC0, v3  }
0x4a: {  	v2 =	vor.u32 v2, v3  }
0x4b: {  	v2 =	vperm.xlane v2, v0;
	_ =	sdelay $0x1  }
0x4c: {  	v2 =	vadd.s32 v1, v2;
	_ =	sdelay $0x3  }
0x4d: {  	s10 =	simm.s32 $0x4400  }
0x4e: {  	[tilespmem:s10], [sflag:$0x3] =	stream.indirect_vreg.gather [hbm4b:s1+s29], $0x80, v2, vm0, $0xb8;
	[tilespmem:$0x18400] =	vst v63  }
0x4f: {  	_ = 	snop  }
0x50: {  	[tilespmem:s5], [sflag:$0x3] =	stream.indirect_vreg.gather [hbm4b:s17+s29], $0x80, v2, vm0, $0xb8;
	[tilespmem:$0x18400] =	vst v63  }
0x51: {  	_ = 	snop  }
0x52: {  	[tilespmem:s12], [sflag:$0x3] =	stream.indirect_vreg.gather [hbm4b:s23+s29], $0x80, v2, vm0, $0xb8;
	[tilespmem:$0x18400] =	vst v63  }
0x53: {  	_ = 	snop  }
0x54: {  	[tilespmem:s14], [sflag:$0x3] =	stream.indirect_vreg.gather [hbm4b:s6+s29], $0x80, v2, vm0, $0xb8;
	[tilespmem:$0x18400] =	vst v63  }
0x55: {  	v2 =	vld.msk [tilespmem:$0x18], $0xff;
	_ =	sdelay $0x4  }
0x56: {  	v3 =	vshll.u32 v2, $0x3  }
0x57: {  	v2 =	vand.u32 $0x7, v2;
	v3 =	vand.u32 $0xFFFFFFC0, v3  }
0x58: {  	v2 =	vor.u32 v2, v3  }
0x59: {  	v2 =	vperm.xlane v2, v0;
	_ =	sdelay $0x1  }
0x5a: {  	v2 =	vadd.s32 v1, v2;
	_ =	sdelay $0x3  }
0x5b: {  	s13 =	simm.s32 $0x6400  }
0x5c: {  	[tilespmem:s13], [sflag:$0x4] =	stream.indirect_vreg.gather [hbm4b:s1+s29], $0x80, v2, vm0, $0xb8;
	[tilespmem:$0x18400] =	vst v63  }
0x5d: {  	_ = 	snop  }
0x5e: {  	[tilespmem:s21], [sflag:$0x4] =	stream.indirect_vreg.gather [hbm4b:s17+s29], $0x80, v2, vm0, $0xb8;
	[tilespmem:$0x18400] =	vst v63  }
0x5f: {  	_ = 	snop  }
0x60: {  	[tilespmem:s15], [sflag:$0x4] =	stream.indirect_vreg.gather [hbm4b:s23+s29], $0x80, v2, vm0, $0xb8;
	[tilespmem:$0x18400] =	vst v63  }
0x61: {  	s14 =	simm.s32 $0x1  }
0x62: {  	[tilespmem:s16], [sflag:$0x4] =	stream.indirect_vreg.gather [hbm4b:s6+s29], $0x80, v2, vm0, $0xb8;
	[tilespmem:$0x18400] =	vst v63  }
0x63: {  	_ =	swait.ge [sflag:s14], $0x2000  }
0x64: {  	[sflag:s14] =	ssyncset.done $0x0  }
0x65: {  	s11 =	simm.s32 $0x400;
	s7 =	rddreg [dreg:$0x18];
	[sflag:s14] =	ssyncadd.s32 $0xFFFFE000  }
0x66: {  	[spmem:s7] =	stream.linear.scatter [tilespmem:s11], [sflag:$0x9], $0x2000, $0x38;
	[tilespmem:$0x18400] =	vst v63  }
0x67: {  	v2 =	vld.msk [tilespmem:$0x20], $0xff;
	_ =	sdelay $0x4  }
0x68: {  	v3 =	vshll.u32 v2, $0x3  }
0x69: {  	v2 =	vand.u32 $0x7, v2;
	v3 =	vand.u32 $0xFFFFFFC0, v3  }
0x6a: {  	v2 =	vor.u32 v2, v3  }
0x6b: {  	v2 =	vperm.xlane v2, v0;
	_ =	sdelay $0x1  }
0x6c: {  	v2 =	vadd.s32 v1, v2;
	_ =	sdelay $0x3  }
0x6d: {  	s15 =	simm.s32 $0x8400  }
0x6e: {  	[tilespmem:s15], [sflag:$0x5] =	stream.indirect_vreg.gather [hbm4b:s1+s29], $0x80, v2, vm0, $0xb8;
	[tilespmem:$0x18400] =	vst v63  }
0x6f: {  	s16 =	simm.s32 $0x8C00  }
0x70: {  	[tilespmem:s16], [sflag:$0x5] =	stream.indirect_vreg.gather [hbm4b:s17+s29], $0x80, v2, vm0, $0xb8;
	[tilespmem:$0x18400] =	vst v63  }
0x71: {  	s18 =	simm.s32 $0x9400  }
0x72: {  	[tilespmem:s18], [sflag:$0x5] =	stream.indirect_vreg.gather [hbm4b:s23+s29], $0x80, v2, vm0, $0xb8;
	[tilespmem:$0x18400] =	vst v63  }
0x73: {  	s19 =	simm.s32 $0x9C00;
	s20 =	simm.s32 $0x2  }
0x74: {  	[tilespmem:s19], [sflag:$0x5] =	stream.indirect_vreg.gather [hbm4b:s6+s29], $0x80, v2, vm0, $0xb8;
	[tilespmem:$0x18400] =	vst v63  }
0x75: {  	_ =	swait.ge [sflag:s20], $0x2000  }
0x76: {  	[sflag:s20] =	ssyncset.done $0x0  }
0x77: {  	s18 =	simm.s32 $0x9;
	[sflag:s20] =	ssyncadd.s32 $0xFFFFE000  }
0x78: {  	s22 =	stileid.u32;
	_ =	swait.ge [sflag:s18], $0x2000  }
0x79: {  	s30 =	sshrl.u32 s7, $0x3;
	s15 =	sshll.u32 s22, $0x6;
	[sflag:s18] =	ssyncset.done $0x0  }
0x7a: {  	s19 =	sor.u32 $0x1C0D, s15;
	s25 =	rddreg [dreg:$0x7];
	[sflag:s18] =	ssyncadd.s32 $0xFFFFE000  }
0x7b: {  	[hbm:s25], [sflag:s19] =	dma.local [spmem:s30], $0x400  }
0x7c: {  	s28 =	simm.s32 $0x2400;
	s10 =	rddreg [dreg:$0x19]  }
0x7d: {  	[spmem:s10] =	stream.linear.scatter [tilespmem:s28], [sflag:$0xA], $0x2000, $0x38;
	[tilespmem:$0x18400] =	vst v63  }
0x7e: {  	v2 =	vld.msk [tilespmem:$0x28], $0xff;
	_ =	sdelay $0x4  }
0x7f: {  	v3 =	vshll.u32 v2, $0x3  }
0x80: {  	v2 =	vand.u32 $0x7, v2;
	v3 =	vand.u32 $0xFFFFFFC0, v3  }
0x81: {  	v2 =	vor.u32 v2, v3  }
0x82: {  	v2 =	vperm.xlane v2, v0;
	_ =	sdelay $0x1  }
0x83: {  	v2 =	vadd.s32 v1, v2;
	_ =	sdelay $0x3  }
0x84: {  	s0 =	simm.s32 $0xA400  }
0x85: {  	[tilespmem:s0], [sflag:$0x6] =	stream.indirect_vreg.gather [hbm4b:s1+s29], $0x80, v2, vm0, $0xb8;
	[tilespmem:$0x18400] =	vst v63  }
0x86: {  	s26 =	simm.s32 $0xAC00  }
0x87: {  	[tilespmem:s26], [sflag:$0x6] =	stream.indirect_vreg.gather [hbm4b:s17+s29], $0x80, v2, vm0, $0xb8;
	[tilespmem:$0x18400] =	vst v63  }
0x88: {  	s28 =	simm.s32 $0xB400  }
0x89: {  	[tilespmem:s28], [sflag:$0x6] =	stream.indirect_vreg.gather [hbm4b:s23+s29], $0x80, v2, vm0, $0xb8;
	[tilespmem:$0x18400] =	vst v63  }
0x8a: {  	s2 =	simm.s32 $0xBC00;
	s11 =	simm.s32 $0x3  }
0x8b: {  	[tilespmem:s2], [sflag:$0x6] =	stream.indirect_vreg.gather [hbm4b:s6+s29], $0x80, v2, vm0, $0xb8;
	[tilespmem:$0x18400] =	vst v63  }
0x8c: {  	_ =	swait.ge [sflag:s11], $0x2000  }
0x8d: {  	[sflag:s11] =	ssyncset.done $0x0  }
0x8e: {  	s28 =	simm.s32 $0xA;
	[sflag:s11] =	ssyncadd.s32 $0xFFFFE000  }
0x8f: {  	_ =	swait.ge [sflag:s28], $0x2000  }
0x90: {  	s2 =	sor.u32 $0x1C0E, s15;
	[sflag:s28] =	ssyncset.done $0x0  }
0x91: {  	s11 =	sshrl.u32 s10, $0x3;
	s12 =	rddreg [dreg:$0x8];
	[sflag:s28] =	ssyncadd.s32 $0xFFFFE000  }
0x92: {  	[hbm:s12], [sflag:s2] =	dma.local [spmem:s11], $0x400  }
0x93: {  	s3 =	simm.s32 $0x4400;
	s12 =	rddreg [dreg:$0x1a]  }
0x94: {  	[spmem:s12] =	stream.linear.scatter [tilespmem:s3], [sflag:$0xB], $0x2000, $0x38;
	[tilespmem:$0x18400] =	vst v63  }
0x95: {  	v2 =	vld.msk [tilespmem:$0x30], $0xff;
	_ =	sdelay $0x4  }
0x96: {  	v3 =	vshll.u32 v2, $0x3  }
0x97: {  	v2 =	vand.u32 $0x7, v2;
	v3 =	vand.u32 $0xFFFFFFC0, v3  }
0x98: {  	v2 =	vor.u32 v2, v3  }
0x99: {  	v2 =	vperm.xlane v2, v0;
	_ =	sdelay $0x1  }
0x9a: {  	v2 =	vadd.s32 v1, v2;
	_ =	sdelay $0x3  }
0x9b: {  	s3 =	simm.s32 $0xC400  }
0x9c: {  	[tilespmem:s3], [sflag:$0x7] =	stream.indirect_vreg.gather [hbm4b:s1+s29], $0x80, v2, vm0, $0xb8;
	[tilespmem:$0x18400] =	vst v63  }
0x9d: {  	s13 =	simm.s32 $0xCC00  }
0x9e: {  	[tilespmem:s13], [sflag:$0x7] =	stream.indirect_vreg.gather [hbm4b:s17+s29], $0x80, v2, vm0, $0xb8;
	[tilespmem:$0x18400] =	vst v63  }
0x9f: {  	s16 =	simm.s32 $0xD400  }
0xa0: {  	[tilespmem:s16], [sflag:$0x7] =	stream.indirect_vreg.gather [hbm4b:s23+s29], $0x80, v2, vm0, $0xb8;
	[tilespmem:$0x18400] =	vst v63  }
0xa1: {  	s22 =	simm.s32 $0x4;
	s20 =	simm.s32 $0xDC00  }
0xa2: {  	[tilespmem:s20], [sflag:$0x7] =	stream.indirect_vreg.gather [hbm4b:s6+s29], $0x80, v2, vm0, $0xb8;
	[tilespmem:$0x18400] =	vst v63  }
0xa3: {  	_ =	swait.ge [sflag:s22], $0x2000  }
0xa4: {  	[sflag:s22] =	ssyncset.done $0x0  }
0xa5: {  	s20 =	simm.s32 $0xB;
	[sflag:s22] =	ssyncadd.s32 $0xFFFFE000  }
0xa6: {  	_ =	swait.ge [sflag:s20], $0x2000  }
0xa7: {  	s26 =	sshrl.u32 s12, $0x3;
	[sflag:s20] =	ssyncset.done $0x0  }
0xa8: {  	s13 =	sor.u32 $0x1C0F, s15;
	s25 =	rddreg [dreg:$0x9];
	[sflag:s20] =	ssyncadd.s32 $0xFFFFE000  }
0xa9: {  	[hbm:s25], [sflag:s13] =	dma.local [spmem:s26], $0x400  }
0xaa: {  	s4 =	simm.s32 $0x6400;
	s14 =	rddreg [dreg:$0x1b]  }
0xab: {  	[spmem:s14] =	stream.linear.scatter [tilespmem:s4], [sflag:$0xC], $0x2000, $0x38;
	[tilespmem:$0x18400] =	vst v63  }
0xac: {  	v2 =	vld.msk [tilespmem:$0x38], $0xff;
	_ =	sdelay $0x4  }
0xad: {  	v3 =	vshll.u32 v2, $0x3  }
0xae: {  	v2 =	vand.u32 $0x7, v2;
	v3 =	vand.u32 $0xFFFFFFC0, v3  }
0xaf: {  	v2 =	vor.u32 v2, v3  }
0xb0: {  	v2 =	vperm.xlane v2, v0;
	_ =	sdelay $0x1  }
0xb1: {  	v2 =	vadd.s32 v1, v2;
	_ =	sdelay $0x3  }
0xb2: {  	s16 =	simm.s32 $0xE400  }
0xb3: {  	[tilespmem:s16], [sflag:$0x8] =	stream.indirect_vreg.gather [hbm4b:s1+s29], $0x80, v2, vm0, $0xb8;
	[tilespmem:$0x18400] =	vst v63  }
0xb4: {  	s25 =	simm.s32 $0xEC00  }
0xb5: {  	[tilespmem:s25], [sflag:$0x8] =	stream.indirect_vreg.gather [hbm4b:s17+s29], $0x80, v2, vm0, $0xb8;
	[tilespmem:$0x18400] =	vst v63  }
0xb6: {  	s4 =	simm.s32 $0xF400  }
0xb7: {  	[tilespmem:s4], [sflag:$0x8] =	stream.indirect_vreg.gather [hbm4b:s23+s29], $0x80, v2, vm0, $0xb8;
	[tilespmem:$0x18400] =	vst v63  }
0xb8: {  	s22 =	simm.s32 $0xFC00;
	s4 =	simm.s32 $0x5  }
0xb9: {  	[tilespmem:s22], [sflag:$0x8] =	stream.indirect_vreg.gather [hbm4b:s6+s29], $0x80, v2, vm0, $0xb8;
	[tilespmem:$0x18400] =	vst v63  }
0xba: {  	_ =	swait.ge [sflag:s4], $0x2000  }
0xbb: {  	[sflag:s4] =	ssyncset.done $0x0  }
0xbc: {  	s22 =	simm.s32 $0xC;
	[sflag:s4] =	ssyncadd.s32 $0xFFFFE000  }
0xbd: {  	_ =	swait.ge [sflag:s22], $0x2000  }
0xbe: {  	[sflag:s22] =	ssyncset.done $0x0  }
0xbf: {  	s25 =	rddreg [dreg:$0xa];
	[sflag:s22] =	ssyncadd.s32 $0xFFFFE000;
	s22 =	sor.u32 $0x1C10, s15  }
0xc0: {  	s15 =	sshrl.u32 s14, $0x3;
	[smem:$0x7F6] =	sst s22  }
0xc1: {  	[smem:$0x7F7] =	sst s15  }
0xc2: {  	[hbm:s25], [sflag:s22] =	dma.local [spmem:s15], $0x400  }
0xc3: {  	s25 =	simm.s32 $0xD  }
0xc4: {  	_ =	swait.ge [sflag:s25], $0x400  }
0xc5: {  	[sflag:s25] =	ssyncset.done $0x0  }
0xc6: {  	s15 =	simm.s32 $0x8400;
	[sflag:s25] =	ssyncadd.s32 $0xFFFFFC00  }
0xc7: {  	[spmem:s7] =	stream.linear.scatter [tilespmem:s15], [sflag:$0x9], $0x2000, $0x38;
	[tilespmem:$0x18400] =	vst v63  }
0xc8: {  	v2 =	vld.msk [tilespmem:$0x40], $0xff;
	_ =	sdelay $0x4  }
0xc9: {  	v3 =	vshll.u32 v2, $0x3  }
0xca: {  	v2 =	vand.u32 $0x7, v2;
	v3 =	vand.u32 $0xFFFFFFC0, v3  }
0xcb: {  	v2 =	vor.u32 v2, v3  }
0xcc: {  	v2 =	vperm.xlane v2, v0;
	_ =	sdelay $0x1  }
0xcd: {  	v2 =	vadd.s32 v1, v2;
	_ =	sdelay $0x3  }
0xce: {  	s22 =	simm.s32 $0x400  }
0xcf: {  	[tilespmem:s22], [sflag:$0x1] =	stream.indirect_vreg.gather [hbm4b:s1+s29], $0x80, v2, vm0, $0xb8;
	[tilespmem:$0x18400] =	vst v63  }
0xd0: {  	_ = 	snop  }
0xd1: {  	[tilespmem:s8], [sflag:$0x1] =	stream.indirect_vreg.gather [hbm4b:s17+s29], $0x80, v2, vm0, $0xb8;
	[tilespmem:$0x18400] =	vst v63  }
0xd2: {  	_ = 	snop  }
0xd3: {  	[tilespmem:s24], [sflag:$0x1] =	stream.indirect_vreg.gather [hbm4b:s23+s29], $0x80, v2, vm0, $0xb8;
	[tilespmem:$0x18400] =	vst v63  }
0xd4: {  	s24 =	simm.s32 $0x6  }
0xd5: {  	[tilespmem:s31], [sflag:$0x1] =	stream.indirect_vreg.gather [hbm4b:s6+s29], $0x80, v2, vm0, $0xb8;
	[tilespmem:$0x18400] =	vst v63  }
0xd6: {  	_ =	swait.ge [sflag:s24], $0x2000  }
0xd7: {  	[sflag:s24] =	ssyncset.done $0x0  }
0xd8: {  	[sflag:s24] =	ssyncadd.s32 $0xFFFFE000  }
0xd9: {  	_ =	swait.ge [sflag:s18], $0x2000;
	[dreg:$0x1d] =	wrdreg s19  }
0xda: {  	[dreg:$0x1e] =	wrdreg s30;
	[sflag:s18] =	ssyncset.done $0x0  }
0xdb: {  	s31 =	simm.s32 $0xE;
	s25 =	rddreg [dreg:$0xb];
	[sflag:s18] =	ssyncadd.s32 $0xFFFFE000  }
0xdc: {  	[hbm:s25], [sflag:s19] =	dma.local [spmem:s30], $0x400  }
0xdd: {  	_ =	swait.ge [sflag:s31], $0x400  }
0xde: {  	[sflag:s31] =	ssyncset.done $0x0  }
0xdf: {  	[sflag:s31] =	ssyncadd.s32 $0xFFFFFC00  }
0xe0: {  	[spmem:s10] =	stream.linear.scatter [tilespmem:s0], [sflag:$0xA], $0x2000, $0x38;
	[tilespmem:$0x18400] =	vst v63  }
0xe1: {  	v2 =	vld.msk [tilespmem:$0x48], $0xff;
	_ =	sdelay $0x4  }
0xe2: {  	v3 =	vshll.u32 v2, $0x3  }
0xe3: {  	v2 =	vand.u32 $0x7, v2;
	v3 =	vand.u32 $0xFFFFFFC0, v3  }
0xe4: {  	v2 =	vor.u32 v2, v3  }
0xe5: {  	v2 =	vperm.xlane v2, v0;
	_ =	sdelay $0x1  }
0xe6: {  	v2 =	vadd.s32 v1, v2;
	_ =	sdelay $0x3  }
0xe7: {  	s4 =	simm.s32 $0x2400  }
0xe8: {  	[tilespmem:s4], [sflag:$0x2] =	stream.indirect_vreg.gather [hbm4b:s1+s29], $0x80, v2, vm0, $0xb8;
	[tilespmem:$0x18400] =	vst v63  }
0xe9: {  	_ = 	snop  }
0xea: {  	[tilespmem:s9], [sflag:$0x2] =	stream.indirect_vreg.gather [hbm4b:s17+s29], $0x80, v2, vm0, $0xb8;
	[tilespmem:$0x18400] =	vst v63  }
0xeb: {  	s7 =	simm.s32 $0x3400  }
0xec: {  	[tilespmem:s7], [sflag:$0x2] =	stream.indirect_vreg.gather [hbm4b:s23+s29], $0x80, v2, vm0, $0xb8;
	[tilespmem:$0x18400] =	vst v63  }
0xed: {  	s8 =	simm.s32 $0x3C00;
	s9 =	simm.s32 $0x7  }
0xee: {  	[tilespmem:s8], [sflag:$0x2] =	stream.indirect_vreg.gather [hbm4b:s6+s29], $0x80, v2, vm0, $0xb8;
	[tilespmem:$0x18400] =	vst v63  }
0xef: {  	_ =	swait.ge [sflag:s9], $0x2000  }
0xf0: {  	[sflag:s9] =	ssyncset.done $0x0  }
0xf1: {  	[sflag:s9] =	ssyncadd.s32 $0xFFFFE000  }
0xf2: {  	_ =	swait.ge [sflag:s28], $0x2000;
	[dreg:$0x1f] =	wrdreg s2  }
0xf3: {  	[sflag:s28] =	ssyncset.done $0x0;
	s10 =	rddreg [dreg:$0xc]  }
0xf4: {  	s15 =	simm.s32 $0xF;
	[smem:$0x7F8] =	sst s11;
	[sflag:s28] =	ssyncadd.s32 $0xFFFFE000  }
0xf5: {  	[hbm:s10], [sflag:s2] =	dma.local [spmem:s11], $0x400  }
0xf6: {  	_ =	swait.ge [sflag:s15], $0x400  }
0xf7: {  	[sflag:s15] =	ssyncset.done $0x0  }
0xf8: {  	[sflag:s15] =	ssyncadd.s32 $0xFFFFFC00  }
0xf9: {  	[spmem:s12] =	stream.linear.scatter [tilespmem:s3], [sflag:$0xB], $0x2000, $0x38;
	[tilespmem:$0x18400] =	vst v63  }
0xfa: {  	v2 =	vld.msk [tilespmem:$0x50], $0xff;
	_ =	sdelay $0x4  }
0xfb: {  	v3 =	vshll.u32 v2, $0x3  }
0xfc: {  	v2 =	vand.u32 $0x7, v2;
	v3 =	vand.u32 $0xFFFFFFC0, v3  }
0xfd: {  	v2 =	vor.u32 v2, v3  }
0xfe: {  	v2 =	vperm.xlane v2, v0;
	_ =	sdelay $0x1  }
0xff: {  	v2 =	vadd.s32 v1, v2;
	_ =	sdelay $0x3  }
0x100: {  	s18 =	simm.s32 $0x4400  }
0x101: {  	[tilespmem:s18], [sflag:$0x3] =	stream.indirect_vreg.gather [hbm4b:s1+s29], $0x80, v2, vm0, $0xb8;
	[tilespmem:$0x18400] =	vst v63  }
0x102: {  	_ = 	snop  }
0x103: {  	[tilespmem:s5], [sflag:$0x3] =	stream.indirect_vreg.gather [hbm4b:s17+s29], $0x80, v2, vm0, $0xb8;
	[tilespmem:$0x18400] =	vst v63  }
0x104: {  	s19 =	simm.s32 $0x5400  }
0x105: {  	[tilespmem:s19], [sflag:$0x3] =	stream.indirect_vreg.gather [hbm4b:s23+s29], $0x80, v2, vm0, $0xb8;
	[tilespmem:$0x18400] =	vst v63  }
0x106: {  	s22 =	simm.s32 $0x5C00;
	s24 =	simm.s32 $0x8  }
0x107: {  	[tilespmem:s22], [sflag:$0x3] =	stream.indirect_vreg.gather [hbm4b:s6+s29], $0x80, v2, vm0, $0xb8;
	[tilespmem:$0x18400] =	vst v63  }
0x108: {  	_ =	swait.ge [sflag:s24], $0x2000  }
0x109: {  	[sflag:s24] =	ssyncset.done $0x0  }
0x10a: {  	[sflag:s24] =	ssyncadd.s32 $0xFFFFE000  }
0x10b: {  	_ =	swait.ge [sflag:s20], $0x2000  }
0x10c: {  	s25 =	rddreg [dreg:$0xd]  }
0x10d: {  	[sflag:s20] =	ssyncset.done $0x0;
	[smem:$0x7F9] =	sst s13  }
0x10e: {  	[smem:$0x7FA] =	sst s26;
	[sflag:s20] =	ssyncadd.s32 $0xFFFFE000  }
0x10f: {  	[hbm:s25], [sflag:s13] =	dma.local [spmem:s26], $0x400  }
0x110: {  	s26 =	simm.s32 $0x10  }
0x111: {  	_ =	swait.ge [sflag:s26], $0x400  }
0x112: {  	[sflag:s26] =	ssyncset.done $0x0  }
0x113: {  	[sflag:s26] =	ssyncadd.s32 $0xFFFFFC00  }
0x114: {  	[spmem:s14] =	stream.linear.scatter [tilespmem:s16], [sflag:$0xC], $0x2000, $0x38;
	[tilespmem:$0x18400] =	vst v63  }
0x115: {  	v2 =	vld.msk [tilespmem:$0x58], $0xff;
	_ =	sdelay $0x4  }
0x116: {  	v3 =	vshll.u32 v2, $0x3  }
0x117: {  	v2 =	vand.u32 $0x7, v2;
	v3 =	vand.u32 $0xFFFFFFC0, v3  }
0x118: {  	v2 =	vor.u32 v2, v3  }
0x119: {  	v2 =	vperm.xlane v2, v0;
	_ =	sdelay $0x1  }
0x11a: {  	v2 =	vadd.s32 v1, v2;
	_ =	sdelay $0x3  }
0x11b: {  	s28 =	simm.s32 $0x6400  }
0x11c: {  	[tilespmem:s28], [sflag:$0x4] =	stream.indirect_vreg.gather [hbm4b:s1+s29], $0x80, v2, vm0, $0xb8;
	[tilespmem:$0x18400] =	vst v63  }
0x11d: {  	_ = 	snop  }
0x11e: {  	[tilespmem:s21], [sflag:$0x4] =	stream.indirect_vreg.gather [hbm4b:s17+s29], $0x80, v2, vm0, $0xb8;
	[tilespmem:$0x18400] =	vst v63  }
0x11f: {  	s30 =	simm.s32 $0x7400  }
0x120: {  	[tilespmem:s30], [sflag:$0x4] =	stream.indirect_vreg.gather [hbm4b:s23+s29], $0x80, v2, vm0, $0xb8;
	[tilespmem:$0x18400] =	vst v63  }
0x121: {  	s31 =	simm.s32 $0x7C00;
	s24 =	simm.s32 $0x0;
	s16 =	simm.s32 $0x98  }
0x122: {  	[tilespmem:s31], [sflag:$0x4] =	stream.indirect_vreg.gather [hbm4b:s6+s29], $0x80, v2, vm0, $0xb8;
	[tilespmem:$0x18400] =	vst v63  }
.LBB2_2:
0x123: {  	s4 =	simm.s32 $0x1  }
0x124: {  	_ =	swait.ge [sflag:s4], $0x2000  }
0x125: {  	[sflag:s4] =	ssyncset.done $0x0  }
0x126: {  	s22 =	simm.s32 $0xC;
	[sflag:s4] =	ssyncadd.s32 $0xFFFFE000  }
0x127: {  	_ =	swait.ge [sflag:s22], $0x2000  }
0x128: {  	s15 =	rddreg [dreg:$0x5]  }
0x129: {  	s0 =	sld [smem:$0x7F6]  }
0x12a: {  	s19 =	sld [smem:$0x7F7]  }
0x12b: {  	[sflag:s22] =	ssyncset.done $0x0;
	s15 =	sadd.s32 s24, s15  }
0x12c: {  	s8 =	simm.s32 $0xD;
	[sflag:s22] =	ssyncadd.s32 $0xFFFFE000;
	s23 =	sadd.s32 $0x1C00, s15  }
0x12d: {  	[hbm:s23], [sflag:s0] =	dma.local [spmem:s19], $0x400  }
0x12e: {  	_ =	swait.ge [sflag:s8], $0x400  }
0x12f: {  	[sflag:s8] =	ssyncset.done $0x0  }
0x130: {  	s1 =	simm.s32 $0x400;
	s10 =	rddreg [dreg:$0x18];
	[sflag:s8] =	ssyncadd.s32 $0xFFFFFC00  }
0x131: {  	[spmem:s10] =	stream.linear.scatter [tilespmem:s1], [sflag:$0x9], $0x2000, $0x38;
	[tilespmem:$0x18400] =	vst v63  }
0x132: {  	v2 =	vld.msk [tilespmem:s16+$0xFFFFFFC8], $0xff;
	_ =	sdelay $0x4  }
0x133: {  	v3 =	vshll.u32 v2, $0x3  }
0x134: {  	v2 =	vand.u32 $0x7, v2;
	v3 =	vand.u32 $0xFFFFFFC0, v3  }
0x135: {  	v2 =	vor.u32 v2, v3  }
0x136: {  	v2 =	vperm.xlane v2, v0;
	_ =	sdelay $0x1  }
0x137: {  	v2 =	vadd.s32 v1, v2;
	_ =	sdelay $0x2  }
0x138: {  	s6 =	sld [smem:$0x7FB]  }
0x139: {  	s31 =	simm.s32 $0x8400;
	s4 =	rddreg [dreg:$0x1]  }
0x13a: {  	[tilespmem:s31], [sflag:$0x5] =	stream.indirect_vreg.gather [hbm4b:s4+s29], $0x80, v2, vm0, $0xb8;
	[tilespmem:$0x18400] =	vst v63  }
0x13b: {  	s7 =	simm.s32 $0x8C00;
	s9 =	sld [smem:$0x7FC]  }
0x13c: {  	[tilespmem:s7], [sflag:$0x5] =	stream.indirect_vreg.gather [hbm4b:s6+s29], $0x80, v2, vm0, $0xb8;
	[tilespmem:$0x18400] =	vst v63  }
0x13d: {  	s26 =	simm.s32 $0x9400;
	s3 =	sld [smem:$0x7FD]  }
0x13e: {  	[tilespmem:s26], [sflag:$0x5] =	stream.indirect_vreg.gather [hbm4b:s9+s29], $0x80, v2, vm0, $0xb8;
	[tilespmem:$0x18400] =	vst v63  }
0x13f: {  	s28 =	simm.s32 $0x9C00;
	s30 =	simm.s32 $0x2  }
0x140: {  	[tilespmem:s28], [sflag:$0x5] =	stream.indirect_vreg.gather [hbm4b:s3+s29], $0x80, v2, vm0, $0xb8;
	[tilespmem:$0x18400] =	vst v63  }
0x141: {  	_ =	swait.ge [sflag:s30], $0x2000  }
0x142: {  	[sflag:s30] =	ssyncset.done $0x0  }
0x143: {  	s18 =	simm.s32 $0x9;
	[sflag:s30] =	ssyncadd.s32 $0xFFFFE000  }
0x144: {  	_ =	swait.ge [sflag:s18], $0x2000  }
0x145: {  	s13 =	simm.s32 $0xE;
	[sflag:s18] =	ssyncset.done $0x0;
	s25 =	rddreg [dreg:$0x1d]  }
0x146: {  	s1 =	sadd.s32 $0x2000, s15;
	s30 =	rddreg [dreg:$0x1e];
	[sflag:s18] =	ssyncadd.s32 $0xFFFFE000  }
0x147: {  	[hbm:s1], [sflag:s25] =	dma.local [spmem:s30], $0x400  }
0x148: {  	_ =	swait.ge [sflag:s13], $0x400  }
0x149: {  	[sflag:s13] =	ssyncset.done $0x0  }
0x14a: {  	s2 =	simm.s32 $0x2400;
	s12 =	rddreg [dreg:$0x19];
	[sflag:s13] =	ssyncadd.s32 $0xFFFFFC00  }
0x14b: {  	[spmem:s12] =	stream.linear.scatter [tilespmem:s2], [sflag:$0xA], $0x2000, $0x38;
	[tilespmem:$0x18400] =	vst v63  }
0x14c: {  	v2 =	vld.msk [tilespmem:s16+$0xFFFFFFD0], $0xff;
	_ =	sdelay $0x4  }
0x14d: {  	v3 =	vshll.u32 v2, $0x3  }
0x14e: {  	v2 =	vand.u32 $0x7, v2;
	v3 =	vand.u32 $0xFFFFFFC0, v3  }
0x14f: {  	v2 =	vor.u32 v2, v3  }
0x150: {  	v2 =	vperm.xlane v2, v0;
	_ =	sdelay $0x1  }
0x151: {  	v2 =	vadd.s32 v1, v2;
	_ =	sdelay $0x3  }
0x152: {  	s5 =	simm.s32 $0xA400  }
0x153: {  	[tilespmem:s5], [sflag:$0x6] =	stream.indirect_vreg.gather [hbm4b:s4+s29], $0x80, v2, vm0, $0xb8;
	[tilespmem:$0x18400] =	vst v63  }
0x154: {  	s14 =	simm.s32 $0xAC00  }
0x155: {  	[tilespmem:s14], [sflag:$0x6] =	stream.indirect_vreg.gather [hbm4b:s6+s29], $0x80, v2, vm0, $0xb8;
	[tilespmem:$0x18400] =	vst v63  }
0x156: {  	s7 =	simm.s32 $0xB400  }
0x157: {  	[tilespmem:s7], [sflag:$0x6] =	stream.indirect_vreg.gather [hbm4b:s9+s29], $0x80, v2, vm0, $0xb8;
	[tilespmem:$0x18400] =	vst v63  }
0x158: {  	s11 =	simm.s32 $0xBC00;
	s17 =	simm.s32 $0x3  }
0x159: {  	[tilespmem:s11], [sflag:$0x6] =	stream.indirect_vreg.gather [hbm4b:s3+s29], $0x80, v2, vm0, $0xb8;
	[tilespmem:$0x18400] =	vst v63  }
0x15a: {  	_ =	swait.ge [sflag:s17], $0x2000  }
0x15b: {  	[sflag:s17] =	ssyncset.done $0x0  }
0x15c: {  	s28 =	simm.s32 $0xA;
	[sflag:s17] =	ssyncadd.s32 $0xFFFFE000  }
0x15d: {  	_ =	swait.ge [sflag:s28], $0x2000  }
0x15e: {  	s5 =	sld [smem:$0x7F8]  }
0x15f: {  	s20 =	sadd.s32 $0x2400, s15;
	[sflag:s28] =	ssyncset.done $0x0  }
0x160: {  	s11 =	simm.s32 $0xF;
	s2 =	rddreg [dreg:$0x1f];
	[sflag:s28] =	ssyncadd.s32 $0xFFFFE000  }
0x161: {  	[hbm:s20], [sflag:s2] =	dma.local [spmem:s5], $0x400  }
0x162: {  	_ =	swait.ge [sflag:s11], $0x400  }
0x163: {  	[sflag:s11] =	ssyncset.done $0x0  }
0x164: {  	s21 =	simm.s32 $0x4400;
	s14 =	rddreg [dreg:$0x1a];
	[sflag:s11] =	ssyncadd.s32 $0xFFFFFC00  }
0x165: {  	[spmem:s14] =	stream.linear.scatter [tilespmem:s21], [sflag:$0xB], $0x2000, $0x38;
	[tilespmem:$0x18400] =	vst v63  }
0x166: {  	v2 =	vld.msk [tilespmem:s16+$0xFFFFFFD8], $0xff;
	_ =	sdelay $0x4  }
0x167: {  	v3 =	vshll.u32 v2, $0x3  }
0x168: {  	v2 =	vand.u32 $0x7, v2;
	v3 =	vand.u32 $0xFFFFFFC0, v3  }
0x169: {  	v2 =	vor.u32 v2, v3  }
0x16a: {  	v2 =	vperm.xlane v2, v0;
	_ =	sdelay $0x1  }
0x16b: {  	v2 =	vadd.s32 v1, v2;
	_ =	sdelay $0x3  }
0x16c: {  	s7 =	simm.s32 $0xC400  }
0x16d: {  	[tilespmem:s7], [sflag:$0x7] =	stream.indirect_vreg.gather [hbm4b:s4+s29], $0x80, v2, vm0, $0xb8;
	[tilespmem:$0x18400] =	vst v63  }
0x16e: {  	s17 =	simm.s32 $0xCC00  }
0x16f: {  	[tilespmem:s17], [sflag:$0x7] =	stream.indirect_vreg.gather [hbm4b:s6+s29], $0x80, v2, vm0, $0xb8;
	[tilespmem:$0x18400] =	vst v63  }
0x170: {  	s23 =	simm.s32 $0xD400  }
0x171: {  	[tilespmem:s23], [sflag:$0x7] =	stream.indirect_vreg.gather [hbm4b:s9+s29], $0x80, v2, vm0, $0xb8;
	[tilespmem:$0x18400] =	vst v63  }
0x172: {  	s26 =	simm.s32 $0xDC00;
	s1 =	simm.s32 $0x4  }
0x173: {  	[tilespmem:s26], [sflag:$0x7] =	stream.indirect_vreg.gather [hbm4b:s3+s29], $0x80, v2, vm0, $0xb8;
	[tilespmem:$0x18400] =	vst v63  }
0x174: {  	_ =	swait.ge [sflag:s1], $0x2000  }
0x175: {  	[sflag:s1] =	ssyncset.done $0x0  }
0x176: {  	s20 =	simm.s32 $0xB;
	[sflag:s1] =	ssyncadd.s32 $0xFFFFE000  }
0x177: {  	_ =	swait.ge [sflag:s20], $0x2000  }
0x178: {  	s21 =	sld [smem:$0x7F9]  }
0x179: {  	s26 =	sld [smem:$0x7FA]  }
0x17a: {  	[sflag:s20] =	ssyncset.done $0x0  }
0x17b: {  	s17 =	sadd.s32 $0x2800, s15;
	s1 =	simm.s32 $0x10;
	[sflag:s20] =	ssyncadd.s32 $0xFFFFE000  }
0x17c: {  	[hbm:s17], [sflag:s21] =	dma.local [spmem:s26], $0x400  }
0x17d: {  	_ =	swait.ge [sflag:s1], $0x400  }
0x17e: {  	[sflag:s1] =	ssyncset.done $0x0  }
0x17f: {  	s23 =	simm.s32 $0x6400;
	s17 =	rddreg [dreg:$0x1b];
	[sflag:s1] =	ssyncadd.s32 $0xFFFFFC00  }
0x180: {  	[spmem:s17] =	stream.linear.scatter [tilespmem:s23], [sflag:$0xC], $0x2000, $0x38;
	[tilespmem:$0x18400] =	vst v63  }
0x181: {  	v2 =	vld.msk [tilespmem:s16+$0xFFFFFFE0], $0xff;
	_ =	sdelay $0x4  }
0x182: {  	v3 =	vshll.u32 v2, $0x3  }
0x183: {  	v2 =	vand.u32 $0x7, v2;
	v3 =	vand.u32 $0xFFFFFFC0, v3  }
0x184: {  	v2 =	vor.u32 v2, v3  }
0x185: {  	v2 =	vperm.xlane v2, v0;
	_ =	sdelay $0x1  }
0x186: {  	v2 =	vadd.s32 v1, v2;
	_ =	sdelay $0x3  }
0x187: {  	s23 =	simm.s32 $0xE400  }
0x188: {  	[tilespmem:s23], [sflag:$0x8] =	stream.indirect_vreg.gather [hbm4b:s4+s29], $0x80, v2, vm0, $0xb8;
	[tilespmem:$0x18400] =	vst v63  }
0x189: {  	s23 =	simm.s32 $0xEC00  }
0x18a: {  	[tilespmem:s23], [sflag:$0x8] =	stream.indirect_vreg.gather [hbm4b:s6+s29], $0x80, v2, vm0, $0xb8;
	[tilespmem:$0x18400] =	vst v63  }
0x18b: {  	s23 =	simm.s32 $0xF400  }
0x18c: {  	[tilespmem:s23], [sflag:$0x8] =	stream.indirect_vreg.gather [hbm4b:s9+s29], $0x80, v2, vm0, $0xb8;
	[tilespmem:$0x18400] =	vst v63  }
0x18d: {  	s23 =	simm.s32 $0xFC00  }
0x18e: {  	[tilespmem:s23], [sflag:$0x8] =	stream.indirect_vreg.gather [hbm4b:s3+s29], $0x80, v2, vm0, $0xb8;
	[tilespmem:$0x18400] =	vst v63  }
0x18f: {  	s23 =	simm.s32 $0x5  }
0x190: {  	_ =	swait.ge [sflag:s23], $0x2000  }
0x191: {  	[sflag:s23] =	ssyncset.done $0x0  }
0x192: {  	[sflag:s23] =	ssyncadd.s32 $0xFFFFE000  }
0x193: {  	_ =	swait.ge [sflag:s22], $0x2000  }
0x194: {  	[sflag:s22] =	ssyncset.done $0x0  }
0x195: {  	[sflag:s22] =	ssyncadd.s32 $0xFFFFE000;
	s22 =	sadd.s32 $0x2C00, s15  }
0x196: {  	[hbm:s22], [sflag:s0] =	dma.local [spmem:s19], $0x400  }
0x197: {  	_ =	swait.ge [sflag:s8], $0x400  }
0x198: {  	[sflag:s8] =	ssyncset.done $0x0  }
0x199: {  	[sflag:s8] =	ssyncadd.s32 $0xFFFFFC00  }
0x19a: {  	[spmem:s10] =	stream.linear.scatter [tilespmem:s31], [sflag:$0x9], $0x2000, $0x38;
	[tilespmem:$0x18400] =	vst v63  }
0x19b: {  	v2 =	vld.msk [tilespmem:s16+$0xFFFFFFE8], $0xff;
	_ =	sdelay $0x4  }
0x19c: {  	v3 =	vshll.u32 v2, $0x3  }
0x19d: {  	v2 =	vand.u32 $0x7, v2;
	v3 =	vand.u32 $0xFFFFFFC0, v3  }
0x19e: {  	v2 =	vor.u32 v2, v3  }
0x19f: {  	v2 =	vperm.xlane v2, v0;
	_ =	sdelay $0x1  }
0x1a0: {  	v2 =	vadd.s32 v1, v2;
	_ =	sdelay $0x3  }
0x1a1: {  	s19 =	simm.s32 $0x400  }
0x1a2: {  	[tilespmem:s19], [sflag:$0x1] =	stream.indirect_vreg.gather [hbm4b:s4+s29], $0x80, v2, vm0, $0xb8;
	[tilespmem:$0x18400] =	vst v63  }
0x1a3: {  	s8 =	simm.s32 $0xC00  }
0x1a4: {  	[tilespmem:s8], [sflag:$0x1] =	stream.indirect_vreg.gather [hbm4b:s6+s29], $0x80, v2, vm0, $0xb8;
	[tilespmem:$0x18400] =	vst v63  }
0x1a5: {  	s22 =	simm.s32 $0x1400  }
0x1a6: {  	[tilespmem:s22], [sflag:$0x1] =	stream.indirect_vreg.gather [hbm4b:s9+s29], $0x80, v2, vm0, $0xb8;
	[tilespmem:$0x18400] =	vst v63  }
0x1a7: {  	s23 =	simm.s32 $0x1C00;
	s0 =	simm.s32 $0x6  }
0x1a8: {  	[tilespmem:s23], [sflag:$0x1] =	stream.indirect_vreg.gather [hbm4b:s3+s29], $0x80, v2, vm0, $0xb8;
	[tilespmem:$0x18400] =	vst v63  }
0x1a9: {  	_ =	swait.ge [sflag:s0], $0x2000  }
0x1aa: {  	[sflag:s0] =	ssyncset.done $0x0  }
0x1ab: {  	[sflag:s0] =	ssyncadd.s32 $0xFFFFE000  }
0x1ac: {  	_ =	swait.ge [sflag:s18], $0x2000  }
0x1ad: {  	[sflag:s18] =	ssyncset.done $0x0  }
0x1ae: {  	[sflag:s18] =	ssyncadd.s32 $0xFFFFE000;
	s18 =	sadd.s32 $0x3000, s15  }
0x1af: {  	[hbm:s18], [sflag:s25] =	dma.local [spmem:s30], $0x400  }
0x1b0: {  	_ =	swait.ge [sflag:s13], $0x400  }
0x1b1: {  	[sflag:s13] =	ssyncset.done $0x0  }
0x1b2: {  	s19 =	simm.s32 $0xA400;
	[sflag:s13] =	ssyncadd.s32 $0xFFFFFC00  }
0x1b3: {  	[spmem:s12] =	stream.linear.scatter [tilespmem:s19], [sflag:$0xA], $0x2000, $0x38;
	[tilespmem:$0x18400] =	vst v63  }
0x1b4: {  	v2 =	vld.msk [tilespmem:s16+$0xFFFFFFF0], $0xff;
	_ =	sdelay $0x4  }
0x1b5: {  	v3 =	vshll.u32 v2, $0x3  }
0x1b6: {  	v2 =	vand.u32 $0x7, v2;
	v3 =	vand.u32 $0xFFFFFFC0, v3  }
0x1b7: {  	v2 =	vor.u32 v2, v3  }
0x1b8: {  	v2 =	vperm.xlane v2, v0;
	_ =	sdelay $0x1  }
0x1b9: {  	v2 =	vadd.s32 v1, v2;
	_ =	sdelay $0x3  }
0x1ba: {  	s22 =	simm.s32 $0x2400  }
0x1bb: {  	[tilespmem:s22], [sflag:$0x2] =	stream.indirect_vreg.gather [hbm4b:s4+s29], $0x80, v2, vm0, $0xb8;
	[tilespmem:$0x18400] =	vst v63  }
0x1bc: {  	s23 =	simm.s32 $0x2C00  }
0x1bd: {  	[tilespmem:s23], [sflag:$0x2] =	stream.indirect_vreg.gather [hbm4b:s6+s29], $0x80, v2, vm0, $0xb8;
	[tilespmem:$0x18400] =	vst v63  }
0x1be: {  	s25 =	simm.s32 $0x3400  }
0x1bf: {  	[tilespmem:s25], [sflag:$0x2] =	stream.indirect_vreg.gather [hbm4b:s9+s29], $0x80, v2, vm0, $0xb8;
	[tilespmem:$0x18400] =	vst v63  }
0x1c0: {  	s30 =	simm.s32 $0x3C00;
	s12 =	simm.s32 $0x7  }
0x1c1: {  	[tilespmem:s30], [sflag:$0x2] =	stream.indirect_vreg.gather [hbm4b:s3+s29], $0x80, v2, vm0, $0xb8;
	[tilespmem:$0x18400] =	vst v63  }
0x1c2: {  	_ =	swait.ge [sflag:s12], $0x2000  }
0x1c3: {  	[sflag:s12] =	ssyncset.done $0x0  }
0x1c4: {  	[sflag:s12] =	ssyncadd.s32 $0xFFFFE000  }
0x1c5: {  	_ =	swait.ge [sflag:s28], $0x2000  }
0x1c6: {  	[sflag:s28] =	ssyncset.done $0x0  }
0x1c7: {  	s13 =	sadd.s32 $0x3400, s15;
	[sflag:s28] =	ssyncadd.s32 $0xFFFFE000  }
0x1c8: {  	[hbm:s13], [sflag:s2] =	dma.local [spmem:s5], $0x400  }
0x1c9: {  	_ =	swait.ge [sflag:s11], $0x400  }
0x1ca: {  	[sflag:s11] =	ssyncset.done $0x0  }
0x1cb: {  	[sflag:s11] =	ssyncadd.s32 $0xFFFFFC00  }
0x1cc: {  	[spmem:s14] =	stream.linear.scatter [tilespmem:s7], [sflag:$0xB], $0x2000, $0x38;
	[tilespmem:$0x18400] =	vst v63  }
0x1cd: {  	v2 =	vld.msk [tilespmem:s16+$0xFFFFFFF8], $0xff;
	_ =	sdelay $0x4  }
0x1ce: {  	v3 =	vshll.u32 v2, $0x3  }
0x1cf: {  	v2 =	vand.u32 $0x7, v2;
	v3 =	vand.u32 $0xFFFFFFC0, v3  }
0x1d0: {  	v2 =	vor.u32 v2, v3  }
0x1d1: {  	v2 =	vperm.xlane v2, v0;
	_ =	sdelay $0x1  }
0x1d2: {  	v2 =	vadd.s32 v1, v2;
	_ =	sdelay $0x3  }
0x1d3: {  	s18 =	simm.s32 $0x4400  }
0x1d4: {  	[tilespmem:s18], [sflag:$0x3] =	stream.indirect_vreg.gather [hbm4b:s4+s29], $0x80, v2, vm0, $0xb8;
	[tilespmem:$0x18400] =	vst v63  }
0x1d5: {  	s5 =	simm.s32 $0x4C00  }
0x1d6: {  	[tilespmem:s5], [sflag:$0x3] =	stream.indirect_vreg.gather [hbm4b:s6+s29], $0x80, v2, vm0, $0xb8;
	[tilespmem:$0x18400] =	vst v63  }
0x1d7: {  	s19 =	simm.s32 $0x5400  }
0x1d8: {  	[tilespmem:s19], [sflag:$0x3] =	stream.indirect_vreg.gather [hbm4b:s9+s29], $0x80, v2, vm0, $0xb8;
	[tilespmem:$0x18400] =	vst v63  }
0x1d9: {  	s22 =	simm.s32 $0x5C00;
	s23 =	simm.s32 $0x8  }
0x1da: {  	[tilespmem:s22], [sflag:$0x3] =	stream.indirect_vreg.gather [hbm4b:s3+s29], $0x80, v2, vm0, $0xb8;
	[tilespmem:$0x18400] =	vst v63  }
0x1db: {  	_ =	swait.ge [sflag:s23], $0x2000  }
0x1dc: {  	[sflag:s23] =	ssyncset.done $0x0  }
0x1dd: {  	[sflag:s23] =	ssyncadd.s32 $0xFFFFE000  }
0x1de: {  	_ =	swait.ge [sflag:s20], $0x2000  }
0x1df: {  	[sflag:s20] =	ssyncset.done $0x0  }
0x1e0: {  	s15 =	sadd.s32 $0x3800, s15;
	[sflag:s20] =	ssyncadd.s32 $0xFFFFE000  }
0x1e1: {  	[hbm:s15], [sflag:s21] =	dma.local [spmem:s26], $0x400  }
0x1e2: {  	_ =	swait.ge [sflag:s1], $0x400  }
0x1e3: {  	[sflag:s1] =	ssyncset.done $0x0  }
0x1e4: {  	s25 =	simm.s32 $0xE400;
	[sflag:s1] =	ssyncadd.s32 $0xFFFFFC00  }
0x1e5: {  	[spmem:s17] =	stream.linear.scatter [tilespmem:s25], [sflag:$0xC], $0x2000, $0x38;
	[tilespmem:$0x18400] =	vst v63  }
0x1e6: {  	v2 =	vld.msk [tilespmem:s16+$0x0], $0xff;
	_ =	sdelay $0x4  }
0x1e7: {  	v3 =	vshll.u32 v2, $0x3  }
0x1e8: {  	v2 =	vand.u32 $0x7, v2;
	v3 =	vand.u32 $0xFFFFFFC0, v3  }
0x1e9: {  	v2 =	vor.u32 v2, v3  }
0x1ea: {  	v2 =	vperm.xlane v2, v0;
	_ =	sdelay $0x1  }
0x1eb: {  	v2 =	vadd.s32 v1, v2;
	_ =	sdelay $0x3  }
0x1ec: {  	s26 =	simm.s32 $0x6400  }
0x1ed: {  	[tilespmem:s26], [sflag:$0x4] =	stream.indirect_vreg.gather [hbm4b:s4+s29], $0x80, v2, vm0, $0xb8;
	[tilespmem:$0x18400] =	vst v63  }
0x1ee: {  	p0 =	sne.s32 s24, $0x1A000;
	s21 =	simm.s32 $0x6C00  }
0x1ef: {  	[tilespmem:s21], [sflag:$0x4] =	stream.indirect_vreg.gather [hbm4b:s6+s29], $0x80, v2, vm0, $0xb8;
	[tilespmem:$0x18400] =	vst v63  }
.Ltmp0:
0x1f0: {  	s24 =	sadd.s32 $0x2000, s24;
	s31 =	simm.s32 $0x400;
	(pc) =	sbr.rel @p0 .LBB2_2-.Ltmp0, $4  }
0x1f1: {  	s10 =	simm.s32 $0x2400;
	s30 =	simm.s32 $0x7C00;
	s28 =	simm.s32 $0x7400  }
0x1f2: {  	[tilespmem:s28], [sflag:$0x4] =	stream.indirect_vreg.gather [hbm4b:s9+s29], $0x80, v2, vm0, $0xb8;
	[tilespmem:$0x18400] =	vst v63  }
0x1f3: {  	s14 =	simm.s32 $0x4400;
	s17 =	simm.s32 $0x6400;
	s16 =	sadd.s32 $0x40, s16  }
0x1f4: {  	[tilespmem:s30], [sflag:$0x4] =	stream.indirect_vreg.gather [hbm4b:s3+s29], $0x80, v2, vm0, $0xb8;
	[tilespmem:$0x18400] =	vst v63  }
0x1f5: {  	s7 =	simm.s32 $0x1  }
0x1f6: {  	_ =	swait.ge [sflag:s7], $0x2000  }
0x1f7: {  	[sflag:s7] =	ssyncset.done $0x0  }
0x1f8: {  	s28 =	simm.s32 $0xC;
	[sflag:s7] =	ssyncadd.s32 $0xFFFFE000  }
0x1f9: {  	_ =	swait.ge [sflag:s28], $0x2000  }
0x1fa: {  	s0 =	sld [smem:$0x7F6]  }
0x1fb: {  	s16 =	sld [smem:$0x7F7]  }
0x1fc: {  	[sflag:s28] =	ssyncset.done $0x0  }
0x1fd: {  	s22 =	simm.s32 $0xD;
	s15 =	rddreg [dreg:$0xe];
	[sflag:s28] =	ssyncadd.s32 $0xFFFFE000  }
0x1fe: {  	[hbm:s15], [sflag:s0] =	dma.local [spmem:s16], $0x400  }
0x1ff: {  	_ =	swait.ge [sflag:s22], $0x400  }
0x200: {  	[sflag:s22] =	ssyncset.done $0x0  }
0x201: {  	s7 =	rddreg [dreg:$0x18];
	[sflag:s22] =	ssyncadd.s32 $0xFFFFFC00  }
0x202: {  	[spmem:s7] =	stream.linear.scatter [tilespmem:s31], [sflag:$0x9], $0x2000, $0x38;
	[tilespmem:$0x18400] =	vst v63  }
0x203: {  	v2 =	vld.msk [tilespmem:$0x3E0], $0xff;
	_ =	sdelay $0x4  }
0x204: {  	v3 =	vshll.u32 v2, $0x3  }
0x205: {  	v2 =	vand.u32 $0x7, v2;
	v3 =	vand.u32 $0xFFFFFFC0, v3  }
0x206: {  	v2 =	vor.u32 v2, v3  }
0x207: {  	v2 =	vperm.xlane v2, v0;
	_ =	sdelay $0x1  }
0x208: {  	v2 =	vadd.s32 v1, v2;
	_ =	sdelay $0x2  }
0x209: {  	s6 =	sld [smem:$0x7FB]  }
0x20a: {  	s1 =	simm.s32 $0x8400;
	s13 =	rddreg [dreg:$0x1]  }
0x20b: {  	[tilespmem:s1], [sflag:$0x5] =	stream.indirect_vreg.gather [hbm4b:s13+s29], $0x80, v2, vm0, $0xb8;
	[tilespmem:$0x18400] =	vst v63  }
0x20c: {  	s12 =	simm.s32 $0x8C00;
	s9 =	sld [smem:$0x7FC]  }
0x20d: {  	[tilespmem:s12], [sflag:$0x5] =	stream.indirect_vreg.gather [hbm4b:s6+s29], $0x80, v2, vm0, $0xb8;
	[tilespmem:$0x18400] =	vst v63  }
0x20e: {  	s15 =	simm.s32 $0x9400;
	s3 =	sld [smem:$0x7FD]  }
0x20f: {  	[tilespmem:s15], [sflag:$0x5] =	stream.indirect_vreg.gather [hbm4b:s9+s29], $0x80, v2, vm0, $0xb8;
	[tilespmem:$0x18400] =	vst v63  }
0x210: {  	s18 =	simm.s32 $0x9C00;
	s19 =	simm.s32 $0x2  }
0x211: {  	[tilespmem:s18], [sflag:$0x5] =	stream.indirect_vreg.gather [hbm4b:s3+s29], $0x80, v2, vm0, $0xb8;
	[tilespmem:$0x18400] =	vst v63  }
0x212: {  	_ =	swait.ge [sflag:s19], $0x2000  }
0x213: {  	[sflag:s19] =	ssyncset.done $0x0  }
0x214: {  	s18 =	simm.s32 $0x9;
	[sflag:s19] =	ssyncadd.s32 $0xFFFFE000  }
0x215: {  	_ =	swait.ge [sflag:s18], $0x2000  }
0x216: {  	s20 =	rddreg [dreg:$0xf]  }
0x217: {  	[sflag:s18] =	ssyncset.done $0x0;
	s23 =	rddreg [dreg:$0x1d]  }
0x218: {  	s4 =	simm.s32 $0xE;
	s24 =	rddreg [dreg:$0x1e];
	[sflag:s18] =	ssyncadd.s32 $0xFFFFE000  }
0x219: {  	[hbm:s20], [sflag:s23] =	dma.local [spmem:s24], $0x400  }
0x21a: {  	_ =	swait.ge [sflag:s4], $0x400  }
0x21b: {  	[sflag:s4] =	ssyncset.done $0x0  }
0x21c: {  	s12 =	rddreg [dreg:$0x19];
	[sflag:s4] =	ssyncadd.s32 $0xFFFFFC00  }
0x21d: {  	[spmem:s12] =	stream.linear.scatter [tilespmem:s10], [sflag:$0xA], $0x2000, $0x38;
	[tilespmem:$0x18400] =	vst v63  }
0x21e: {  	v2 =	vld.msk [tilespmem:$0x3E8], $0xff;
	_ =	sdelay $0x4  }
0x21f: {  	v3 =	vshll.u32 v2, $0x3  }
0x220: {  	v2 =	vand.u32 $0x7, v2;
	v3 =	vand.u32 $0xFFFFFFC0, v3  }
0x221: {  	v2 =	vor.u32 v2, v3  }
0x222: {  	v2 =	vperm.xlane v2, v0;
	_ =	sdelay $0x1  }
0x223: {  	v2 =	vadd.s32 v1, v2;
	_ =	sdelay $0x3  }
0x224: {  	s25 =	simm.s32 $0xA400  }
0x225: {  	[tilespmem:s25], [sflag:$0x6] =	stream.indirect_vreg.gather [hbm4b:s13+s29], $0x80, v2, vm0, $0xb8;
	[tilespmem:$0x18400] =	vst v63  }
0x226: {  	s26 =	simm.s32 $0xAC00  }
0x227: {  	[tilespmem:s26], [sflag:$0x6] =	stream.indirect_vreg.gather [hbm4b:s6+s29], $0x80, v2, vm0, $0xb8;
	[tilespmem:$0x18400] =	vst v63  }
0x228: {  	s30 =	simm.s32 $0xB400  }
0x229: {  	[tilespmem:s30], [sflag:$0x6] =	stream.indirect_vreg.gather [hbm4b:s9+s29], $0x80, v2, vm0, $0xb8;
	[tilespmem:$0x18400] =	vst v63  }
0x22a: {  	s2 =	simm.s32 $0x3;
	s1 =	simm.s32 $0xBC00  }
0x22b: {  	[tilespmem:s1], [sflag:$0x6] =	stream.indirect_vreg.gather [hbm4b:s3+s29], $0x80, v2, vm0, $0xb8;
	[tilespmem:$0x18400] =	vst v63  }
0x22c: {  	_ =	swait.ge [sflag:s2], $0x2000  }
0x22d: {  	[sflag:s2] =	ssyncset.done $0x0  }
0x22e: {  	s25 =	simm.s32 $0xA;
	[sflag:s2] =	ssyncadd.s32 $0xFFFFE000  }
0x22f: {  	_ =	swait.ge [sflag:s25], $0x2000  }
0x230: {  	s19 =	sld [smem:$0x7F8]  }
0x231: {  	[sflag:s25] =	ssyncset.done $0x0;
	s11 =	rddreg [dreg:$0x10]  }
0x232: {  	s2 =	rddreg [dreg:$0x1f];
	[sflag:s25] =	ssyncadd.s32 $0xFFFFE000  }
0x233: {  	[hbm:s11], [sflag:s2] =	dma.local [spmem:s19], $0x400  }
0x234: {  	s11 =	simm.s32 $0xF  }
0x235: {  	_ =	swait.ge [sflag:s11], $0x400  }
0x236: {  	[sflag:s11] =	ssyncset.done $0x0  }
0x237: {  	s10 =	rddreg [dreg:$0x1a];
	[sflag:s11] =	ssyncadd.s32 $0xFFFFFC00  }
0x238: {  	[spmem:s10] =	stream.linear.scatter [tilespmem:s14], [sflag:$0xB], $0x2000, $0x38;
	[tilespmem:$0x18400] =	vst v63  }
0x239: {  	v2 =	vld.msk [tilespmem:$0x3F0], $0xff;
	_ =	sdelay $0x4  }
0x23a: {  	v3 =	vshll.u32 v2, $0x3  }
0x23b: {  	v2 =	vand.u32 $0x7, v2;
	v3 =	vand.u32 $0xFFFFFFC0, v3  }
0x23c: {  	v2 =	vor.u32 v2, v3  }
0x23d: {  	v2 =	vperm.xlane v2, v0;
	_ =	sdelay $0x1  }
0x23e: {  	v2 =	vadd.s32 v1, v2;
	_ =	sdelay $0x3  }
0x23f: {  	s31 =	simm.s32 $0xC400  }
0x240: {  	[tilespmem:s31], [sflag:$0x7] =	stream.indirect_vreg.gather [hbm4b:s13+s29], $0x80, v2, vm0, $0xb8;
	[tilespmem:$0x18400] =	vst v63  }
0x241: {  	s15 =	simm.s32 $0xCC00  }
0x242: {  	[tilespmem:s15], [sflag:$0x7] =	stream.indirect_vreg.gather [hbm4b:s6+s29], $0x80, v2, vm0, $0xb8;
	[tilespmem:$0x18400] =	vst v63  }
0x243: {  	s20 =	simm.s32 $0xD400  }
0x244: {  	[tilespmem:s20], [sflag:$0x7] =	stream.indirect_vreg.gather [hbm4b:s9+s29], $0x80, v2, vm0, $0xb8;
	[tilespmem:$0x18400] =	vst v63  }
0x245: {  	s26 =	simm.s32 $0xDC00;
	s30 =	simm.s32 $0x4  }
0x246: {  	[tilespmem:s26], [sflag:$0x7] =	stream.indirect_vreg.gather [hbm4b:s3+s29], $0x80, v2, vm0, $0xb8;
	[tilespmem:$0x18400] =	vst v63  }
0x247: {  	_ =	swait.ge [sflag:s30], $0x2000  }
0x248: {  	[sflag:s30] =	ssyncset.done $0x0  }
0x249: {  	s20 =	simm.s32 $0xB;
	[sflag:s30] =	ssyncadd.s32 $0xFFFFE000  }
0x24a: {  	_ =	swait.ge [sflag:s20], $0x2000  }
0x24b: {  	s30 =	sld [smem:$0x7F9]  }
0x24c: {  	s26 =	sld [smem:$0x7FA]  }
0x24d: {  	[sflag:s20] =	ssyncset.done $0x0  }
0x24e: {  	s1 =	rddreg [dreg:$0x11];
	[sflag:s20] =	ssyncadd.s32 $0xFFFFE000  }
0x24f: {  	[hbm:s1], [sflag:s30] =	dma.local [spmem:s26], $0x400  }
0x250: {  	s1 =	simm.s32 $0x10  }
0x251: {  	_ =	swait.ge [sflag:s1], $0x400  }
0x252: {  	[sflag:s1] =	ssyncset.done $0x0  }
0x253: {  	s14 =	rddreg [dreg:$0x1b];
	[sflag:s1] =	ssyncadd.s32 $0xFFFFFC00  }
0x254: {  	[spmem:s14] =	stream.linear.scatter [tilespmem:s17], [sflag:$0xC], $0x2000, $0x38;
	[tilespmem:$0x18400] =	vst v63  }
0x255: {  	v2 =	vld.msk [tilespmem:$0x3F8], $0xff;
	_ =	sdelay $0x4  }
0x256: {  	v3 =	vshll.u32 v2, $0x3  }
0x257: {  	v2 =	vand.u32 $0x7, v2;
	v3 =	vand.u32 $0xFFFFFFC0, v3  }
0x258: {  	v2 =	vor.u32 v2, v3  }
0x259: {  	v2 =	vperm.xlane v2, v0;
	_ =	sdelay $0x1  }
0x25a: {  	v2 =	vadd.s32 v1, v2;
	_ =	sdelay $0x3  }
0x25b: {  	s17 =	simm.s32 $0xE400  }
0x25c: {  	[tilespmem:s17], [sflag:$0x8] =	stream.indirect_vreg.gather [hbm4b:s13+s29], $0x80, v2, vm0, $0xb8;
	[tilespmem:$0x18400] =	vst v63  }
0x25d: {  	s13 =	simm.s32 $0xEC00  }
0x25e: {  	[tilespmem:s13], [sflag:$0x8] =	stream.indirect_vreg.gather [hbm4b:s6+s29], $0x80, v2, vm0, $0xb8;
	[tilespmem:$0x18400] =	vst v63  }
0x25f: {  	s13 =	simm.s32 $0xF400  }
0x260: {  	[tilespmem:s13], [sflag:$0x8] =	stream.indirect_vreg.gather [hbm4b:s9+s29], $0x80, v2, vm0, $0xb8;
	[tilespmem:$0x18400] =	vst v63  }
0x261: {  	s6 =	simm.s32 $0xFC00;
	s9 =	simm.s32 $0x5  }
0x262: {  	[tilespmem:s6], [sflag:$0x8] =	stream.indirect_vreg.gather [hbm4b:s3+s29], $0x80, v2, vm0, $0xb8;
	[tilespmem:$0x18400] =	vst v63  }
0x263: {  	_ =	swait.ge [sflag:s9], $0x2000  }
0x264: {  	[sflag:s9] =	ssyncset.done $0x0  }
0x265: {  	[sflag:s9] =	ssyncadd.s32 $0xFFFFE000  }
0x266: {  	_ =	swait.ge [sflag:s28], $0x2000  }
0x267: {  	[sflag:s28] =	ssyncset.done $0x0  }
0x268: {  	s13 =	rddreg [dreg:$0x12];
	[sflag:s28] =	ssyncadd.s32 $0xFFFFE000  }
0x269: {  	[hbm:s13], [sflag:s0] =	dma.local [spmem:s16], $0x400  }
0x26a: {  	_ =	swait.ge [sflag:s22], $0x400  }
0x26b: {  	[sflag:s22] =	ssyncset.done $0x0  }
0x26c: {  	s6 =	simm.s32 $0x8400;
	s9 =	simm.s32 $0x6;
	[sflag:s22] =	ssyncadd.s32 $0xFFFFFC00  }
0x26d: {  	[spmem:s7] =	stream.linear.scatter [tilespmem:s6], [sflag:$0x9], $0x2000, $0x38;
	[tilespmem:$0x18400] =	vst v63  }
0x26e: {  	_ =	swait.ge [sflag:s9], $0x2000  }
0x26f: {  	[sflag:s9] =	ssyncset.done $0x0  }
0x270: {  	[sflag:s9] =	ssyncadd.s32 $0xFFFFE000  }
0x271: {  	_ =	swait.ge [sflag:s18], $0x2000  }
0x272: {  	[sflag:s18] =	ssyncset.done $0x0  }
0x273: {  	s13 =	rddreg [dreg:$0x13];
	[sflag:s18] =	ssyncadd.s32 $0xFFFFE000  }
0x274: {  	[hbm:s13], [sflag:s23] =	dma.local [spmem:s24], $0x400  }
0x275: {  	_ =	swait.ge [sflag:s4], $0x400  }
0x276: {  	[sflag:s4] =	ssyncset.done $0x0  }
0x277: {  	s15 =	simm.s32 $0xA400;
	s18 =	simm.s32 $0x7;
	[sflag:s4] =	ssyncadd.s32 $0xFFFFFC00  }
0x278: {  	[spmem:s12] =	stream.linear.scatter [tilespmem:s15], [sflag:$0xA], $0x2000, $0x38;
	[tilespmem:$0x18400] =	vst v63  }
0x279: {  	_ =	swait.ge [sflag:s18], $0x2000  }
0x27a: {  	[sflag:s18] =	ssyncset.done $0x0  }
0x27b: {  	[sflag:s18] =	ssyncadd.s32 $0xFFFFE000  }
0x27c: {  	_ =	swait.ge [sflag:s25], $0x2000  }
0x27d: {  	[sflag:s25] =	ssyncset.done $0x0  }
0x27e: {  	s23 =	rddreg [dreg:$0x15];
	[sflag:s25] =	ssyncadd.s32 $0xFFFFE000  }
0x27f: {  	[hbm:s23], [sflag:s2] =	dma.local [spmem:s19], $0x400  }
0x280: {  	_ =	swait.ge [sflag:s11], $0x400  }
0x281: {  	[sflag:s11] =	ssyncset.done $0x0  }
0x282: {  	s24 =	simm.s32 $0x8;
	[sflag:s11] =	ssyncadd.s32 $0xFFFFFC00  }
0x283: {  	[spmem:s10] =	stream.linear.scatter [tilespmem:s31], [sflag:$0xB], $0x2000, $0x38;
	[tilespmem:$0x18400] =	vst v63  }
0x284: {  	_ =	swait.ge [sflag:s24], $0x2000  }
0x285: {  	[sflag:s24] =	ssyncset.done $0x0  }
0x286: {  	[sflag:s24] =	ssyncadd.s32 $0xFFFFE000  }
0x287: {  	_ =	swait.ge [sflag:s20], $0x2000  }
0x288: {  	[sflag:s20] =	ssyncset.done $0x0  }
0x289: {  	s25 =	rddreg [dreg:$0x16];
	[sflag:s20] =	ssyncadd.s32 $0xFFFFE000  }
0x28a: {  	[hbm:s25], [sflag:s30] =	dma.local [spmem:s26], $0x400  }
0x28b: {  	_ =	swait.ge [sflag:s1], $0x400  }
0x28c: {  	[sflag:s1] =	ssyncset.done $0x0  }
0x28d: {  	[sflag:s1] =	ssyncadd.s32 $0xFFFFFC00  }
0x28e: {  	[spmem:s14] =	stream.linear.scatter [tilespmem:s17], [sflag:$0xC], $0x2000, $0x38;
	[tilespmem:$0x18400] =	vst v63  }
0x28f: {  	_ =	swait.ge [sflag:s28], $0x2000  }
0x290: {  	[sflag:s28] =	ssyncset.done $0x0  }
0x291: {  	s3 =	smov.u32 s0;
	s26 =	rddreg [dreg:$0x17];
	[sflag:s28] =	ssyncadd.s32 $0xFFFFE000  }
0x292: {  	[hbm:s26], [sflag:s3] =	dma.local [spmem:s16], $0x400  }
0x293: {  	_ =	swait.ge [sflag:s22], $0x400  }
0x294: {  	[sflag:s22] =	ssyncset.done $0x0  }
0x295: {  	[sflag:s22] =	ssyncadd.s32 $0xFFFFFC00  }
0x296: {  	_ =	swait.ge [sflag:s4], $0x400  }
0x297: {  	[sflag:s4] =	ssyncset.done $0x0  }
0x298: {  	[sflag:s4] =	ssyncadd.s32 $0xFFFFFC00  }
0x299: {  	_ =	swait.ge [sflag:s11], $0x400  }
0x29a: {  	[sflag:s11] =	ssyncset.done $0x0  }
0x29b: {  	[sflag:s11] =	ssyncadd.s32 $0xFFFFFC00  }
0x29c: {  	_ =	swait.ge [sflag:s1], $0x400  }
0x29d: {  	s28 =	rddreg [dreg:$0x1c]  }
0x29e: {  	s30 =	rddreg [dreg:$0x14];
	s2 =	sadd.s32 $0x1, s28  }
0x29f: {  	p0 =	sne.s32 s2, s30  }
.Ltmp1:
0x2a0: {  	_ = 	snop;
	(pc) =	sbr.rel @p0 .LBB2_1-.Ltmp1, $4  }
0x2a1: {  	s7 =	simm.s32 $0x3400;
	s9 =	simm.s32 $0x2C00  }
0x2a2: {  	s12 =	simm.s32 $0x5400;
	s15 =	simm.s32 $0x7400;
	s31 =	simm.s32 $0x1C00  }
0x2a3: {  	s10 =	simm.s32 $0x3C00;
	s24 =	simm.s32 $0x1400;
	[sflag:s1] =	ssyncset.done $0x0  }
0x2a4: {  	s14 =	simm.s32 $0x5C00;
	s16 =	simm.s32 $0x7C00;
	[sflag:s1] =	ssyncadd.s32 $0xFFFFFC00  }
0x2a5: {  	_ =	sfence.sel $0x180000  }
0x2a6: {  	[bflag:$0x0] =	sbarrier.arrive $0xFFFF  }
0x2a7: {  	_ =	strace $0x90000047  }
0x2a8: {  	s0 =	stileid.u32;
	[bflag:$0x2] =	sbarrier.arrive $0xFFFF  }
0x2a9: {  	p0 =	sne.s32 s0, $0x0;
	s0 =	rddreg [dreg:$0x4]  }
0x2aa: {  	s0 =	sadd.s32 @!p0 $0x100000, s0  }
0x2ab: {  	[sflag:s0] =	ssyncadd.tile.s32 @!p0 $0x1;
	_ =	shalt  }
.Lfunc_end2:
_tile_overlayer_lowered:
.L_overlay_start_2:
0x2ac: {  	(tag) =	ssettag $0x2  }
0x2ad: {  	s0 =	rddreg [dreg:$0x0];
	s2 =	stileid.u32  }
0x2ae: {  	s1 =	rddreg [dreg:$0x1];
	p0 =	sne.s32 s2, $0x0  }
0x2af: {  	s3 =	rddreg [dreg:$0x2];
	[bflag:$0x3] =	sbarrier.arrive $0xFFFF;
	s2 =	simm.s32 @!p0 $0x1C11  }
0x2b0: {  	[timem:s3], [sflag:s2] =	dma.local @!p0 [hbm:s0], s1  }
0x2b1: {  	s0 =	simm.s32 @!p0 $0x11  }
0x2b2: {  	_ =	swait.ge @!p0 [sflag:s0], s1  }
0x2b3: {  	s1 =	ssub.s32 @!p0 $0x0, s1;
	[sflag:s0] =	ssyncset.done @!p0 $0x0  }
0x2b4: {  	[sflag:s0] =	ssyncadd.s32 @!p0 s1  }
0x2b5: {  	[bflag:$0x3] =	sbarrier.arrive $0xFFFF  }
0x2b6: {  	_ =	shalt  }

</sc_bundles>
